<compile_context>
chip_gen: v7x
topology: tpu7x:2x2x1
jax: 0.10.2.dev20260603
libtpu: 0.0.44.dev20260713+nightly
codegen_flags: <defaults>
</compile_context>

<pallas_src>
import functools

import jax
import jax.numpy as jnp
from jax import lax
from jax.experimental import pallas as pl
from jax.experimental.pallas import tpu as pltpu
from jax.experimental.pallas import tpu_sc as plsc

NC = 2
NS = 16
NW = NC * NS
LANES = 16
NBUF = 4


def _sc_relayout(table_t, tail_pad):
    e_dim, v_dim = table_t.shape
    vt_sz = 128
    n_full = v_dim // vt_sz
    rem = v_dim - n_full * vt_sz
    per_w = (n_full + NW - 1) // NW
    vecs_e = e_dim // LANES

    mesh = plsc.VectorSubcoreMesh(core_axis_name="c", subcore_axis_name="s")

    @functools.partial(
        pl.kernel,
        mesh=mesh,
        compiler_params=pltpu.CompilerParams(
            use_tc_tiling_on_sc=True, needs_layout_passes=False),
        out_type=jax.ShapeDtypeStruct((v_dim // 2, vt_sz), jnp.float32),
        scratch_types=[
            [pltpu.VMEM((e_dim, vt_sz), jnp.float32) for _ in range(2)],
            [pltpu.VMEM((vt_sz // 2, vt_sz), jnp.float32) for _ in range(2)],
            [pltpu.SemaphoreType.DMA for _ in range(2)],
            [pltpu.SemaphoreType.DMA for _ in range(2)],
        ],
    )
    def a(tt_hbm, tail_hbm, out_hbm, srcs, dsts, isems, osems):
        wid = lax.axis_index("s") * NC + lax.axis_index("c")
        base = wid * per_w
        iota = lax.iota(jnp.int32, 16)

        def tile_ok(j):
            if isinstance(j, int) and j >= per_w:
                return jnp.bool_(False)
            return jnp.logical_and(j < per_w, base + j < n_full)

        def in_issue(j, b):
            v0 = pl.multiple_of((base + j) * vt_sz, 128)
            pltpu.async_copy(
                tt_hbm.at[pl.ds(0, e_dim), pl.ds(v0, vt_sz)], srcs[b],
                isems[b])

        def in_wait(j, b):
            v0 = pl.multiple_of((base + j) * vt_sz, 128)
            pltpu.make_async_copy(
                tt_hbm.at[pl.ds(0, e_dim), pl.ds(v0, vt_sz)], srcs[b],
                isems[b]).wait()

        def out_issue(j, b):
            r0 = pl.multiple_of((base + j) * (vt_sz // 2), 8)
            pltpu.async_copy(dsts[b], out_hbm.at[pl.ds(r0, vt_sz // 2)],
                             osems[b])

        def out_wait(j, b):
            r0 = pl.multiple_of((base + j) * (vt_sz // 2), 8)
            pltpu.make_async_copy(
                dsts[b], out_hbm.at[pl.ds(r0, vt_sz // 2)], osems[b]).wait()

        def transpose(b):
            src, dst = srcs[b], dsts[b]

            @plsc.parallel_loop(0, vt_sz, 1, unroll=8)
            def _(l):
                v_idx = jnp.bitwise_and(iota + l, vt_sz - 1)
                r_idx = v_idx >> 1
                h_idx = jnp.bitwise_and(v_idx, 1) * e_dim
                for k in range(vecs_e):
                    e_idx = iota + (16 * k)
                    vals = plsc.load_gather(src, [e_idx, v_idx])
                    plsc.store_scatter(dst, [r_idx, h_idx + e_idx], vals)

        @pl.when(tile_ok(0))
        def _():
            in_issue(0, 0)

        def macro(m, carry):
            for i in range(2):
                j = 2 * m + i

                @pl.when(tile_ok(j))
                def _():
                    in_wait(j, i)

                    @pl.when(tile_ok(j + 1))
                    def _():
                        in_issue(j + 1, 1 - i)

                    @pl.when(j >= 2)
                    def _():
                        out_wait(j - 2, i)

                    transpose(i)
                    out_issue(j, i)
            return carry

        lax.fori_loop(0, (per_w + 1) // 2, macro, 0)

        jm = jnp.minimum(per_w - 1, n_full - 1 - base)
        for i in range(2):
            j_i = jm - ((jm - i) % 2)

            @pl.when(j_i >= 0)
            def _():
                out_wait(j_i, i)

        @pl.when(wid == 0)
        def _():
            pltpu.sync_copy(tail_hbm, srcs[0].at[pl.ds(0, rem // 2)])
            pltpu.sync_copy(
                srcs[0].at[pl.ds(0, rem // 2)],
                out_hbm.at[pl.ds(n_full * (vt_sz // 2), rem // 2)])

    return a(table_t, tail_pad)


def _sc_embed(x2d, tok_rm, pos_table):
    bsz, t_len = x2d.shape
    v_dim, row_w = tok_rm.shape
    _, emb = pos_table.shape

    rows_w = bsz // NW
    chunk = t_len
    n_chunk = rows_w
    vecs_per_row = emb // LANES

    sub_sizes = []
    off = 0
    while off < chunk:
        n = min(128, chunk - off)
        sub_sizes.append((off, n))
        off += n

    mesh = plsc.VectorSubcoreMesh(core_axis_name="c", subcore_axis_name="s")

    @functools.partial(
        pl.kernel,
        mesh=mesh,
        compiler_params=pltpu.CompilerParams(use_tc_tiling_on_sc=False),
        out_type=jax.ShapeDtypeStruct((bsz, t_len, 2 * emb), jnp.float32),
        scratch_types=[
            [pltpu.VMEM((chunk,), jnp.int32) for _ in range(NBUF)],
            pltpu.VMEM((t_len, emb), jnp.float32),
            [pltpu.VMEM((chunk, emb), jnp.float32) for _ in range(NBUF)],
            [pltpu.SemaphoreType.DMA for _ in range(NBUF)],
            [pltpu.SemaphoreType.DMA for _ in range(NBUF)],
            [pltpu.SemaphoreType.DMA for _ in range(NBUF)],
        ],
    )
    def k(idx_hbm, tok_hbm, pos_hbm, out_hbm, ibufs, pos_v, bufs,
          isems, gsems, ssems):
        wid = lax.axis_index("s") * NC + lax.axis_index("c")
        base_row = wid * rows_w
        pltpu.sync_copy(pos_hbm, pos_v)

        def i_issue(r, ib, sem):
            pltpu.async_copy(idx_hbm.at[base_row + r], ib, sem)

        def i_wait(r, ib, sem):
            pltpu.make_async_copy(idx_hbm.at[base_row + r], ib, sem).wait()

        def g_issue(ib, buf, sem):
            for so, sn in sub_sizes:
                pltpu.async_copy(
                    tok_hbm.at[ib.at[pl.ds(so, sn)]],
                    buf.at[pl.ds(so, sn)], sem)

        def g_wait(ib, buf, sem):
            for so, sn in sub_sizes:
                pltpu.make_async_copy(
                    tok_hbm.at[ib.at[pl.ds(so, sn)]],
                    buf.at[pl.ds(so, sn)], sem).wait()

        def s_issue(r, buf, sem):
            pltpu.async_copy(
                buf.at[pl.ds(0, chunk), pl.ds(0, emb)],
                out_hbm.at[base_row + r, pl.ds(0, t_len), pl.ds(0, emb)], sem)

        def s_wait(r, buf, sem):
            pltpu.make_async_copy(
                buf.at[pl.ds(0, chunk), pl.ds(0, emb)],
                out_hbm.at[base_row + r, pl.ds(0, t_len), pl.ds(0, emb)],
                sem).wait()

        def add_pos(buf):
            @plsc.parallel_loop(0, chunk, 1, unroll=8)
            def _(j):
                for v in range(vecs_per_row):
                    sl = pl.ds(v * LANES, LANES)
                    plsc.addupdate(buf.at[j, sl], pos_v[j, sl])

        for i in range(NBUF):
            i_issue(i, ibufs[i], isems[i])
        for i in range(2):
            i_wait(i, ibufs[i], isems[i])
            g_issue(ibufs[i], bufs[i], gsems[i])

        def macro(m, carry):
            for i in range(NBUF):
                g = NBUF * m + i
                g_wait(ibufs[i], bufs[i], gsems[i])

                @pl.when(g + NBUF < n_chunk)
                def _():
                    i_issue(g + NBUF, ibufs[i], isems[i])

                add_pos(bufs[i])
                s_issue(g, bufs[i], ssems[i])
                i2 = (i + 2) % NBUF
                g2 = g + 2

                @pl.when(g2 < n_chunk)
                def _():
                    @pl.when(g2 >= NBUF)
                    def _():
                        s_wait(g - 2, bufs[i2], ssems[i2])
                    i_wait(g2, ibufs[i2], isems[i2])
                    g_issue(ibufs[i2], bufs[i2], gsems[i2])
            return carry

        lax.fori_loop(0, n_chunk // NBUF, macro, 0)

        for i in range(NBUF):
            s_wait(n_chunk - NBUF + i, bufs[i], ssems[i])

    return k(x2d, tok_rm, pos_table)


def kernel(x, token_table, pos_table):
    v_dim, emb = token_table.shape
    rem = v_dim % 128
    tail_c = token_table[v_dim - rem:].reshape(rem // 2, 2 * emb)
    tok_c = _sc_relayout(token_table.T, tail_c)
    tok_rm = tok_c.reshape(v_dim, emb)
    out = _sc_embed(x.astype(jnp.int32), tok_rm, pos_table)
    return out[:, :, :emb]

# --- scband reference (transcript-rebuilt; emitter-appended) ---
"""Pipeline reference for scband-simple-model-74225624809937 (READ-ONLY COPY).

The authoritative reference and input builder live on the scoring server;
editing this copy changes nothing except your own understanding.
"""

import jax, jax.numpy as jnp
import numpy as np

VOCAB = 1000000
EMBED = 64
MAX_LEN = 200
B = 4096
T = 200

def setup_inputs(seed: int = 0) -> dict:
    key = jax.random.key(seed)
    k_idx, k_tok, k_pos = jax.random.split(key, 3)
    x = jax.random.randint(k_idx, (B, T), 0, VOCAB, dtype=jnp.int64 if jax.config.jax_enable_x64 else jnp.int32)
    token_table = jax.random.normal(k_tok, (VOCAB, EMBED), dtype=jnp.float32)
    pos_table = jax.random.normal(k_pos, (MAX_LEN, EMBED), dtype=jnp.float32)
    return {"x": x, "token_table": token_table, "pos_table": pos_table}

def reference(x, token_table, pos_table):
    Bx, Tx = x.shape
    token_emb = jnp.take(token_table, x, axis=0)  # [B, T, E]
    positions = jnp.arange(Tx)
    pos_emb = jnp.take(pos_table, positions, axis=0)  # [T, E]
    out = token_emb + pos_emb[None, :, :]
    return out

if __name__ == "__main__":
    import jax
    _d = setup_inputs()
    print(jax.jit(kernel)(*tuple(_d.values())))

</pallas_src>

<mosaic_0001>
#map = affine_map<(d0, d1) -> (0, 0)>
module attributes {stable_mosaic.version = 14 : i64} {
  func.func @a(%arg0: i32, %arg1: i32, %arg2: memref<64x1000000xf32, #tpu.memory_space<hbm>>, %arg3: memref<32x128xf32, #tpu.memory_space<hbm>>, %arg4: memref<500000x128xf32, #tpu.memory_space<hbm>>, %arg5: memref<64x128xf32, #tpu.memory_space<vmem>>, %arg6: memref<64x128xf32, #tpu.memory_space<vmem>>, %arg7: memref<64x128xf32, #tpu.memory_space<vmem>>, %arg8: memref<64x128xf32, #tpu.memory_space<vmem>>, %arg9: memref<!tpu.dma_semaphore, #tpu.memory_space<semaphore_mem>>, %arg10: memref<!tpu.dma_semaphore, #tpu.memory_space<semaphore_mem>>, %arg11: memref<!tpu.dma_semaphore, #tpu.memory_space<semaphore_mem>>, %arg12: memref<!tpu.dma_semaphore, #tpu.memory_space<semaphore_mem>>) attributes {dimension_semantics = [#tpu.dimension_semantics<core_parallel>, #tpu.dimension_semantics<subcore_parallel>], iteration_bounds = array<i64: 2, 16>, scalar_prefetch = 0 : i64, scratch_operands = 8 : i64, tpu.core_type = #tpu.core_type<sc_vector_subcore>, window_params = [{transform_indices = #map}, {transform_indices = #map}, {transform_indices = #map}]} {
    %mul3A = arith.constant 2 : i32
    %mul3A_0 = arith.muli %arg1, %mul3A : i32
    %add3A = arith.addi %mul3A_0, %arg0 : i32
    %mul3A_1 = arith.constant 245 : i32
    %mul3A_2 = arith.muli %add3A, %mul3A_1 : i32
    %iota3A = tpu.iota {dimensions = array<i32: 0>} : vector<16xi32>
    %add3A_3 = arith.constant 0 : i32
    %add3A_4 = arith.addi %mul3A_2, %add3A_3 : i32
    %lt3A = arith.constant 7812 : i32
    %lt3A_5 = arith.cmpi slt, %add3A_4, %lt3A : i32
    %and3A = arith.constant true
    %and3A_6 = arith.andi %and3A, %lt3A_5 : i1
    %convert_element_type3A = arith.extui %and3A_6 : i1 to i32
    %cond3A = arith.constant 0 : i32
    %cond3A_7 = arith.cmpi ne, %convert_element_type3A, %cond3A : i32
    scf.if %cond3A_7 {
      %add3A_62 = arith.constant 0 : i32
      %add3A_63 = arith.addi %mul3A_2, %add3A_62 : i32
      %mul3A_64 = arith.constant 128 : i32
      %mul3A_65 = arith.muli %add3A_63, %mul3A_64 : i32
      %multiple_of3A = tpu.assume_multiple %mul3A_65, 128 : i32
      %dma_start3A = arith.constant 0 : i32
      %dma_start3A_66 = tpu.memref_slice %arg2[%dma_start3A, %multiple_of3A] : memref<64x1000000xf32, #tpu.memory_space<hbm>> -> memref<64x128xf32, #tpu.memory_space<hbm>>
      %dma_start3A_67 = arith.constant 0 : i32
      %dma_start3A_68 = tpu.memref_slice %arg2[%dma_start3A_67, %multiple_of3A] : memref<64x1000000xf32, #tpu.memory_space<hbm>> -> memref<64x128xf32, #tpu.memory_space<hbm>>
      tpu.enqueue_dma source(%dma_start3A_68 : memref<64x128xf32, #tpu.memory_space<hbm>>) target(%arg5 : memref<64x128xf32, #tpu.memory_space<vmem>>) target_semaphore(%arg9 : memref<!tpu.dma_semaphore, #tpu.memory_space<semaphore_mem>>)
    } else {
    }
    %scan3A = arith.constant 0 : i32
    %scan3A_8 = arith.constant 0 : i32
    %scan3A_9 = arith.constant 123 : i32
    %scan3A_10 = arith.addi %scan3A_8, %scan3A_9 : i32
    %scan3A_11 = arith.constant 1 : i32
    scf.for %scan3A_62 = %scan3A_8 to %scan3A_10 step %scan3A_11  : i32 {
      %mul3A_63 = arith.constant 2 : i32
      %mul3A_64 = arith.muli %mul3A_63, %scan3A_62 : i32
      %add3A_65 = arith.constant 0 : i32
      %add3A_66 = arith.addi %mul3A_64, %add3A_65 : i32
      %lt3A_67 = arith.constant 245 : i32
      %lt3A_68 = arith.cmpi slt, %add3A_66, %lt3A_67 : i32
      %add3A_69 = arith.addi %mul3A_2, %add3A_66 : i32
      %lt3A_70 = arith.constant 7812 : i32
      %lt3A_71 = arith.cmpi slt, %add3A_69, %lt3A_70 : i32
      %and3A_72 = arith.andi %lt3A_68, %lt3A_71 : i1
      %convert_element_type3A_73 = arith.extui %and3A_72 : i1 to i32
      %cond3A_74 = arith.constant 0 : i32
      %cond3A_75 = arith.cmpi ne, %convert_element_type3A_73, %cond3A_74 : i32
      scf.if %cond3A_75 {
        %add3A_89 = arith.addi %mul3A_2, %add3A_66 : i32
        %mul3A_90 = arith.constant 128 : i32
        %mul3A_91 = arith.muli %add3A_89, %mul3A_90 : i32
        %multiple_of3A = tpu.assume_multiple %mul3A_91, 128 : i32
        %dma_wait3A = arith.constant 0 : i32
        %dma_wait3A_92 = tpu.memref_slice %arg2[%dma_wait3A, %multiple_of3A] : memref<64x1000000xf32, #tpu.memory_space<hbm>> -> memref<64x128xf32, #tpu.memory_space<hbm>>
        %dma_wait3A_93 = arith.constant 0 : i32
        %dma_wait3A_94 = tpu.memref_slice %arg2[%dma_wait3A_93, %multiple_of3A] : memref<64x1000000xf32, #tpu.memory_space<hbm>> -> memref<64x128xf32, #tpu.memory_space<hbm>>
        tpu.wait_dma2 semaphore(%arg9 : memref<!tpu.dma_semaphore, #tpu.memory_space<semaphore_mem>>) src(%dma_wait3A_94 : memref<64x128xf32, #tpu.memory_space<hbm>>) dst(%arg5 : memref<64x128xf32, #tpu.memory_space<vmem>>)
        %add3A_95 = arith.constant 1 : i32
        %add3A_96 = arith.addi %add3A_66, %add3A_95 : i32
        %lt3A_97 = arith.constant 245 : i32
        %lt3A_98 = arith.cmpi slt, %add3A_96, %lt3A_97 : i32
        %add3A_99 = arith.addi %mul3A_2, %add3A_96 : i32
        %lt3A_100 = arith.constant 7812 : i32
        %lt3A_101 = arith.cmpi slt, %add3A_99, %lt3A_100 : i32
        %and3A_102 = arith.andi %lt3A_98, %lt3A_101 : i1
        %convert_element_type3A_103 = arith.extui %and3A_102 : i1 to i32
        %cond3A_104 = arith.constant 0 : i32
        %cond3A_105 = arith.cmpi ne, %convert_element_type3A_103, %cond3A_104 : i32
        scf.if %cond3A_105 {
          %add3A_120 = arith.constant 1 : i32
          %add3A_121 = arith.addi %add3A_66, %add3A_120 : i32
          %add3A_122 = arith.addi %mul3A_2, %add3A_121 : i32
          %mul3A_123 = arith.constant 128 : i32
          %mul3A_124 = arith.muli %add3A_122, %mul3A_123 : i32
          %multiple_of3A_125 = tpu.assume_multiple %mul3A_124, 128 : i32
          %dma_start3A_126 = arith.constant 0 : i32
          %dma_start3A_127 = tpu.memref_slice %arg2[%dma_start3A_126, %multiple_of3A_125] : memref<64x1000000xf32, #tpu.memory_space<hbm>> -> memref<64x128xf32, #tpu.memory_space<hbm>>
          %dma_start3A_128 = arith.constant 0 : i32
          %dma_start3A_129 = tpu.memref_slice %arg2[%dma_start3A_128, %multiple_of3A_125] : memref<64x1000000xf32, #tpu.memory_space<hbm>> -> memref<64x128xf32, #tpu.memory_space<hbm>>
          tpu.enqueue_dma source(%dma_start3A_129 : memref<64x128xf32, #tpu.memory_space<hbm>>) target(%arg6 : memref<64x128xf32, #tpu.memory_space<vmem>>) target_semaphore(%arg10 : memref<!tpu.dma_semaphore, #tpu.memory_space<semaphore_mem>>)
        } else {
        }
        %ge3A_106 = arith.constant 2 : i32
        %ge3A_107 = arith.cmpi sge, %add3A_66, %ge3A_106 : i32
        %convert_element_type3A_108 = arith.extui %ge3A_107 : i1 to i32
        %cond3A_109 = arith.constant 0 : i32
        %cond3A_110 = arith.cmpi ne, %convert_element_type3A_108, %cond3A_109 : i32
        scf.if %cond3A_110 {
          %sub3A_120 = arith.constant 2 : i32
          %sub3A_121 = arith.subi %add3A_66, %sub3A_120 : i32
          %add3A_122 = arith.addi %mul3A_2, %sub3A_121 : i32
          %mul3A_123 = arith.constant 64 : i32
          %mul3A_124 = arith.muli %add3A_122, %mul3A_123 : i32
          %multiple_of3A_125 = tpu.assume_multiple %mul3A_124, 8 : i32
          %dma_wait3A_126 = arith.constant 0 : i32
          %dma_wait3A_127 = tpu.memref_slice %arg4[%multiple_of3A_125, %dma_wait3A_126] : memref<500000x128xf32, #tpu.memory_space<hbm>> -> memref<64x128xf32, #tpu.memory_space<hbm>>
          %dma_wait3A_128 = arith.constant 0 : i32
          %dma_wait3A_129 = tpu.memref_slice %arg4[%multiple_of3A_125, %dma_wait3A_128] : memref<500000x128xf32, #tpu.memory_space<hbm>> -> memref<64x128xf32, #tpu.memory_space<hbm>>
          tpu.wait_dma2 semaphore(%arg11 : memref<!tpu.dma_semaphore, #tpu.memory_space<semaphore_mem>>) src(%arg7 : memref<64x128xf32, #tpu.memory_space<vmem>>) dst(%dma_wait3A_129 : memref<64x128xf32, #tpu.memory_space<hbm>>)
        } else {
        }
        %parallel_loop3A = arith.constant 0 : i32
        %parallel_loop3A_111 = arith.constant 128 : i32
        %parallel_loop3A_112 = arith.constant 1 : i32
        scf.for %parallel_loop3A_120 = %parallel_loop3A to %parallel_loop3A_111 step %parallel_loop3A_112  : i32 {
          %parallel_loop3A_121 = vector.broadcast %parallel_loop3A_120 : i32 to vector<16xi32>
          %parallel_loop3A_122 = arith.addi %iota3A, %parallel_loop3A_121 : vector<16xi32>
          %parallel_loop3A_123 = arith.constant 127 : i32
          %parallel_loop3A_124 = vector.broadcast %parallel_loop3A_123 : i32 to vector<16xi32>
          %parallel_loop3A_125 = arith.andi %parallel_loop3A_122, %parallel_loop3A_124 : vector<16xi32>
          %parallel_loop3A_126 = arith.constant 1 : i32
          %parallel_loop3A_127 = vector.broadcast %parallel_loop3A_126 : i32 to vector<16xi32>
          %parallel_loop3A_128 = arith.shrsi %parallel_loop3A_125, %parallel_loop3A_127 : vector<16xi32>
          %parallel_loop3A_129 = arith.constant 1 : i32
          %parallel_loop3A_130 = vector.broadcast %parallel_loop3A_129 : i32 to vector<16xi32>
          %parallel_loop3A_131 = arith.andi %parallel_loop3A_125, %parallel_loop3A_130 : vector<16xi32>
          %parallel_loop3A_132 = arith.constant 64 : i32
          %parallel_loop3A_133 = vector.broadcast %parallel_loop3A_132 : i32 to vector<16xi32>
          %parallel_loop3A_134 = arith.muli %parallel_loop3A_131, %parallel_loop3A_133 : vector<16xi32>
          %parallel_loop3A_135 = arith.constant 0 : i32
          %parallel_loop3A_136 = vector.broadcast %parallel_loop3A_135 : i32 to vector<16xi32>
          %parallel_loop3A_137 = arith.addi %iota3A, %parallel_loop3A_136 : vector<16xi32>
          %parallel_loop3A_138 = tpu.vector_load_idx %arg5[%parallel_loop3A_137, %parallel_loop3A_125] : memref<64x128xf32, #tpu.memory_space<vmem>>[vector<16xi32>, vector<16xi32>], vector<16xf32>,
          %parallel_loop3A_139 = arith.addi %parallel_loop3A_134, %parallel_loop3A_137 : vector<16xi32>
          tpu.vector_store_idx %arg7[%parallel_loop3A_128, %parallel_loop3A_139], %parallel_loop3A_138 : memref<64x128xf32, #tpu.memory_space<vmem>>[vector<16xi32>, vector<16xi32>], vector<16xf32>,
          %parallel_loop3A_140 = arith.constant 16 : i32
          %parallel_loop3A_141 = vector.broadcast %parallel_loop3A_140 : i32 to vector<16xi32>
          %parallel_loop3A_142 = arith.addi %iota3A, %parallel_loop3A_141 : vector<16xi32>
          %parallel_loop3A_143 = tpu.vector_load_idx %arg5[%parallel_loop3A_142, %parallel_loop3A_125] : memref<64x128xf32, #tpu.memory_space<vmem>>[vector<16xi32>, vector<16xi32>], vector<16xf32>,
          %parallel_loop3A_144 = arith.addi %parallel_loop3A_134, %parallel_loop3A_142 : vector<16xi32>
          tpu.vector_store_idx %arg7[%parallel_loop3A_128, %parallel_loop3A_144], %parallel_loop3A_143 : memref<64x128xf32, #tpu.memory_space<vmem>>[vector<16xi32>, vector<16xi32>], vector<16xf32>,
          %parallel_loop3A_145 = arith.constant 32 : i32
          %parallel_loop3A_146 = vector.broadcast %parallel_loop3A_145 : i32 to vector<16xi32>
          %parallel_loop3A_147 = arith.addi %iota3A, %parallel_loop3A_146 : vector<16xi32>
          %parallel_loop3A_148 = tpu.vector_load_idx %arg5[%parallel_loop3A_147, %parallel_loop3A_125] : memref<64x128xf32, #tpu.memory_space<vmem>>[vector<16xi32>, vector<16xi32>], vector<16xf32>,
          %parallel_loop3A_149 = arith.addi %parallel_loop3A_134, %parallel_loop3A_147 : vector<16xi32>
          tpu.vector_store_idx %arg7[%parallel_loop3A_128, %parallel_loop3A_149], %parallel_loop3A_148 : memref<64x128xf32, #tpu.memory_space<vmem>>[vector<16xi32>, vector<16xi32>], vector<16xf32>,
          %parallel_loop3A_150 = arith.constant 48 : i32
          %parallel_loop3A_151 = vector.broadcast %parallel_loop3A_150 : i32 to vector<16xi32>
          %parallel_loop3A_152 = arith.addi %iota3A, %parallel_loop3A_151 : vector<16xi32>
          %parallel_loop3A_153 = tpu.vector_load_idx %arg5[%parallel_loop3A_152, %parallel_loop3A_125] : memref<64x128xf32, #tpu.memory_space<vmem>>[vector<16xi32>, vector<16xi32>], vector<16xf32>,
          %parallel_loop3A_154 = arith.addi %parallel_loop3A_134, %parallel_loop3A_152 : vector<16xi32>
          tpu.vector_store_idx %arg7[%parallel_loop3A_128, %parallel_loop3A_154], %parallel_loop3A_153 : memref<64x128xf32, #tpu.memory_space<vmem>>[vector<16xi32>, vector<16xi32>], vector<16xf32>,
        } {sc.loop_unroll_factor = 8 : i64, sc.parallel_access}
        %add3A_113 = arith.addi %mul3A_2, %add3A_66 : i32
        %mul3A_114 = arith.constant 64 : i32
        %mul3A_115 = arith.muli %add3A_113, %mul3A_114 : i32
        %multiple_of3A_116 = tpu.assume_multiple %mul3A_115, 8 : i32
        %dma_start3A = arith.constant 0 : i32
        %dma_start3A_117 = tpu.memref_slice %arg4[%multiple_of3A_116, %dma_start3A] : memref<500000x128xf32, #tpu.memory_space<hbm>> -> memref<64x128xf32, #tpu.memory_space<hbm>>
        %dma_start3A_118 = arith.constant 0 : i32
        %dma_start3A_119 = tpu.memref_slice %arg4[%multiple_of3A_116, %dma_start3A_118] : memref<500000x128xf32, #tpu.memory_space<hbm>> -> memref<64x128xf32, #tpu.memory_space<hbm>>
        tpu.enqueue_dma source(%arg7 : memref<64x128xf32, #tpu.memory_space<vmem>>) target(%dma_start3A_119 : memref<64x128xf32, #tpu.memory_space<hbm>>) target_semaphore(%arg11 : memref<!tpu.dma_semaphore, #tpu.memory_space<semaphore_mem>>)
      } else {
      }
      %mul3A_76 = arith.constant 2 : i32
      %mul3A_77 = arith.muli %mul3A_76, %scan3A_62 : i32
      %add3A_78 = arith.constant 1 : i32
      %add3A_79 = arith.addi %mul3A_77, %add3A_78 : i32
      %lt3A_80 = arith.constant 245 : i32
      %lt3A_81 = arith.cmpi slt, %add3A_79, %lt3A_80 : i32
      %add3A_82 = arith.addi %mul3A_2, %add3A_79 : i32
      %lt3A_83 = arith.constant 7812 : i32
      %lt3A_84 = arith.cmpi slt, %add3A_82, %lt3A_83 : i32
      %and3A_85 = arith.andi %lt3A_81, %lt3A_84 : i1
      %convert_element_type3A_86 = arith.extui %and3A_85 : i1 to i32
      %cond3A_87 = arith.constant 0 : i32
      %cond3A_88 = arith.cmpi ne, %convert_element_type3A_86, %cond3A_87 : i32
      scf.if %cond3A_88 {
        %add3A_89 = arith.addi %mul3A_2, %add3A_79 : i32
        %mul3A_90 = arith.constant 128 : i32
        %mul3A_91 = arith.muli %add3A_89, %mul3A_90 : i32
        %multiple_of3A = tpu.assume_multiple %mul3A_91, 128 : i32
        %dma_wait3A = arith.constant 0 : i32
        %dma_wait3A_92 = tpu.memref_slice %arg2[%dma_wait3A, %multiple_of3A] : memref<64x1000000xf32, #tpu.memory_space<hbm>> -> memref<64x128xf32, #tpu.memory_space<hbm>>
        %dma_wait3A_93 = arith.constant 0 : i32
        %dma_wait3A_94 = tpu.memref_slice %arg2[%dma_wait3A_93, %multiple_of3A] : memref<64x1000000xf32, #tpu.memory_space<hbm>> -> memref<64x128xf32, #tpu.memory_space<hbm>>
        tpu.wait_dma2 semaphore(%arg10 : memref<!tpu.dma_semaphore, #tpu.memory_space<semaphore_mem>>) src(%dma_wait3A_94 : memref<64x128xf32, #tpu.memory_space<hbm>>) dst(%arg6 : memref<64x128xf32, #tpu.memory_space<vmem>>)
        %add3A_95 = arith.constant 1 : i32
        %add3A_96 = arith.addi %add3A_79, %add3A_95 : i32
        %lt3A_97 = arith.constant 245 : i32
        %lt3A_98 = arith.cmpi slt, %add3A_96, %lt3A_97 : i32
        %add3A_99 = arith.addi %mul3A_2, %add3A_96 : i32
        %lt3A_100 = arith.constant 7812 : i32
        %lt3A_101 = arith.cmpi slt, %add3A_99, %lt3A_100 : i32
        %and3A_102 = arith.andi %lt3A_98, %lt3A_101 : i1
        %convert_element_type3A_103 = arith.extui %and3A_102 : i1 to i32
        %cond3A_104 = arith.constant 0 : i32
        %cond3A_105 = arith.cmpi ne, %convert_element_type3A_103, %cond3A_104 : i32
        scf.if %cond3A_105 {
          %add3A_120 = arith.constant 1 : i32
          %add3A_121 = arith.addi %add3A_79, %add3A_120 : i32
          %add3A_122 = arith.addi %mul3A_2, %add3A_121 : i32
          %mul3A_123 = arith.constant 128 : i32
          %mul3A_124 = arith.muli %add3A_122, %mul3A_123 : i32
          %multiple_of3A_125 = tpu.assume_multiple %mul3A_124, 128 : i32
          %dma_start3A_126 = arith.constant 0 : i32
          %dma_start3A_127 = tpu.memref_slice %arg2[%dma_start3A_126, %multiple_of3A_125] : memref<64x1000000xf32, #tpu.memory_space<hbm>> -> memref<64x128xf32, #tpu.memory_space<hbm>>
          %dma_start3A_128 = arith.constant 0 : i32
          %dma_start3A_129 = tpu.memref_slice %arg2[%dma_start3A_128, %multiple_of3A_125] : memref<64x1000000xf32, #tpu.memory_space<hbm>> -> memref<64x128xf32, #tpu.memory_space<hbm>>
          tpu.enqueue_dma source(%dma_start3A_129 : memref<64x128xf32, #tpu.memory_space<hbm>>) target(%arg5 : memref<64x128xf32, #tpu.memory_space<vmem>>) target_semaphore(%arg9 : memref<!tpu.dma_semaphore, #tpu.memory_space<semaphore_mem>>)
        } else {
        }
        %ge3A_106 = arith.constant 2 : i32
        %ge3A_107 = arith.cmpi sge, %add3A_79, %ge3A_106 : i32
        %convert_element_type3A_108 = arith.extui %ge3A_107 : i1 to i32
        %cond3A_109 = arith.constant 0 : i32
        %cond3A_110 = arith.cmpi ne, %convert_element_type3A_108, %cond3A_109 : i32
        scf.if %cond3A_110 {
          %sub3A_120 = arith.constant 2 : i32
          %sub3A_121 = arith.subi %add3A_79, %sub3A_120 : i32
          %add3A_122 = arith.addi %mul3A_2, %sub3A_121 : i32
          %mul3A_123 = arith.constant 64 : i32
          %mul3A_124 = arith.muli %add3A_122, %mul3A_123 : i32
          %multiple_of3A_125 = tpu.assume_multiple %mul3A_124, 8 : i32
          %dma_wait3A_126 = arith.constant 0 : i32
          %dma_wait3A_127 = tpu.memref_slice %arg4[%multiple_of3A_125, %dma_wait3A_126] : memref<500000x128xf32, #tpu.memory_space<hbm>> -> memref<64x128xf32, #tpu.memory_space<hbm>>
          %dma_wait3A_128 = arith.constant 0 : i32
          %dma_wait3A_129 = tpu.memref_slice %arg4[%multiple_of3A_125, %dma_wait3A_128] : memref<500000x128xf32, #tpu.memory_space<hbm>> -> memref<64x128xf32, #tpu.memory_space<hbm>>
          tpu.wait_dma2 semaphore(%arg12 : memref<!tpu.dma_semaphore, #tpu.memory_space<semaphore_mem>>) src(%arg8 : memref<64x128xf32, #tpu.memory_space<vmem>>) dst(%dma_wait3A_129 : memref<64x128xf32, #tpu.memory_space<hbm>>)
        } else {
        }
        %parallel_loop3A = arith.constant 0 : i32
        %parallel_loop3A_111 = arith.constant 128 : i32
        %parallel_loop3A_112 = arith.constant 1 : i32
        scf.for %parallel_loop3A_120 = %parallel_loop3A to %parallel_loop3A_111 step %parallel_loop3A_112  : i32 {
          %parallel_loop3A_121 = vector.broadcast %parallel_loop3A_120 : i32 to vector<16xi32>
          %parallel_loop3A_122 = arith.addi %iota3A, %parallel_loop3A_121 : vector<16xi32>
          %parallel_loop3A_123 = arith.constant 127 : i32
          %parallel_loop3A_124 = vector.broadcast %parallel_loop3A_123 : i32 to vector<16xi32>
          %parallel_loop3A_125 = arith.andi %parallel_loop3A_122, %parallel_loop3A_124 : vector<16xi32>
          %parallel_loop3A_126 = arith.constant 1 : i32
          %parallel_loop3A_127 = vector.broadcast %parallel_loop3A_126 : i32 to vector<16xi32>
          %parallel_loop3A_128 = arith.shrsi %parallel_loop3A_125, %parallel_loop3A_127 : vector<16xi32>
          %parallel_loop3A_129 = arith.constant 1 : i32
          %parallel_loop3A_130 = vector.broadcast %parallel_loop3A_129 : i32 to vector<16xi32>
          %parallel_loop3A_131 = arith.andi %parallel_loop3A_125, %parallel_loop3A_130 : vector<16xi32>
          %parallel_loop3A_132 = arith.constant 64 : i32
          %parallel_loop3A_133 = vector.broadcast %parallel_loop3A_132 : i32 to vector<16xi32>
          %parallel_loop3A_134 = arith.muli %parallel_loop3A_131, %parallel_loop3A_133 : vector<16xi32>
          %parallel_loop3A_135 = arith.constant 0 : i32
          %parallel_loop3A_136 = vector.broadcast %parallel_loop3A_135 : i32 to vector<16xi32>
          %parallel_loop3A_137 = arith.addi %iota3A, %parallel_loop3A_136 : vector<16xi32>
          %parallel_loop3A_138 = tpu.vector_load_idx %arg6[%parallel_loop3A_137, %parallel_loop3A_125] : memref<64x128xf32, #tpu.memory_space<vmem>>[vector<16xi32>, vector<16xi32>], vector<16xf32>,
          %parallel_loop3A_139 = arith.addi %parallel_loop3A_134, %parallel_loop3A_137 : vector<16xi32>
          tpu.vector_store_idx %arg8[%parallel_loop3A_128, %parallel_loop3A_139], %parallel_loop3A_138 : memref<64x128xf32, #tpu.memory_space<vmem>>[vector<16xi32>, vector<16xi32>], vector<16xf32>,
          %parallel_loop3A_140 = arith.constant 16 : i32
          %parallel_loop3A_141 = vector.broadcast %parallel_loop3A_140 : i32 to vector<16xi32>
          %parallel_loop3A_142 = arith.addi %iota3A, %parallel_loop3A_141 : vector<16xi32>
          %parallel_loop3A_143 = tpu.vector_load_idx %arg6[%parallel_loop3A_142, %parallel_loop3A_125] : memref<64x128xf32, #tpu.memory_space<vmem>>[vector<16xi32>, vector<16xi32>], vector<16xf32>,
          %parallel_loop3A_144 = arith.addi %parallel_loop3A_134, %parallel_loop3A_142 : vector<16xi32>
          tpu.vector_store_idx %arg8[%parallel_loop3A_128, %parallel_loop3A_144], %parallel_loop3A_143 : memref<64x128xf32, #tpu.memory_space<vmem>>[vector<16xi32>, vector<16xi32>], vector<16xf32>,
          %parallel_loop3A_145 = arith.constant 32 : i32
          %parallel_loop3A_146 = vector.broadcast %parallel_loop3A_145 : i32 to vector<16xi32>
          %parallel_loop3A_147 = arith.addi %iota3A, %parallel_loop3A_146 : vector<16xi32>
          %parallel_loop3A_148 = tpu.vector_load_idx %arg6[%parallel_loop3A_147, %parallel_loop3A_125] : memref<64x128xf32, #tpu.memory_space<vmem>>[vector<16xi32>, vector<16xi32>], vector<16xf32>,
          %parallel_loop3A_149 = arith.addi %parallel_loop3A_134, %parallel_loop3A_147 : vector<16xi32>
          tpu.vector_store_idx %arg8[%parallel_loop3A_128, %parallel_loop3A_149], %parallel_loop3A_148 : memref<64x128xf32, #tpu.memory_space<vmem>>[vector<16xi32>, vector<16xi32>], vector<16xf32>,
          %parallel_loop3A_150 = arith.constant 48 : i32
          %parallel_loop3A_151 = vector.broadcast %parallel_loop3A_150 : i32 to vector<16xi32>
          %parallel_loop3A_152 = arith.addi %iota3A, %parallel_loop3A_151 : vector<16xi32>
          %parallel_loop3A_153 = tpu.vector_load_idx %arg6[%parallel_loop3A_152, %parallel_loop3A_125] : memref<64x128xf32, #tpu.memory_space<vmem>>[vector<16xi32>, vector<16xi32>], vector<16xf32>,
          %parallel_loop3A_154 = arith.addi %parallel_loop3A_134, %parallel_loop3A_152 : vector<16xi32>
          tpu.vector_store_idx %arg8[%parallel_loop3A_128, %parallel_loop3A_154], %parallel_loop3A_153 : memref<64x128xf32, #tpu.memory_space<vmem>>[vector<16xi32>, vector<16xi32>], vector<16xf32>,
        } {sc.loop_unroll_factor = 8 : i64, sc.parallel_access}
        %add3A_113 = arith.addi %mul3A_2, %add3A_79 : i32
        %mul3A_114 = arith.constant 64 : i32
        %mul3A_115 = arith.muli %add3A_113, %mul3A_114 : i32
        %multiple_of3A_116 = tpu.assume_multiple %mul3A_115, 8 : i32
        %dma_start3A = arith.constant 0 : i32
        %dma_start3A_117 = tpu.memref_slice %arg4[%multiple_of3A_116, %dma_start3A] : memref<500000x128xf32, #tpu.memory_space<hbm>> -> memref<64x128xf32, #tpu.memory_space<hbm>>
        %dma_start3A_118 = arith.constant 0 : i32
        %dma_start3A_119 = tpu.memref_slice %arg4[%multiple_of3A_116, %dma_start3A_118] : memref<500000x128xf32, #tpu.memory_space<hbm>> -> memref<64x128xf32, #tpu.memory_space<hbm>>
        tpu.enqueue_dma source(%arg8 : memref<64x128xf32, #tpu.memory_space<vmem>>) target(%dma_start3A_119 : memref<64x128xf32, #tpu.memory_space<hbm>>) target_semaphore(%arg12 : memref<!tpu.dma_semaphore, #tpu.memory_space<semaphore_mem>>)
      } else {
      }
    }
    %scan3A_12 = arith.constant 123 : i32
    %sub3A = arith.constant 7811 : i32
    %sub3A_13 = arith.subi %sub3A, %mul3A_2 : i32
    %min3A = arith.constant 244 : i32
    %min3A_14 = arith.minsi %min3A, %sub3A_13 : i32
    %sub3A_15 = arith.constant 0 : i32
    %sub3A_16 = arith.subi %min3A_14, %sub3A_15 : i32
    %jit3A = arith.constant 2 : i32
    %eq3A = arith.constant 0 : i32
    %eq3A_17 = arith.cmpi eq, %jit3A, %eq3A : i32
    %jit3A_18 = arith.constant 1 : i32
    %select_n3A = arith.select %eq3A_17, %jit3A_18, %jit3A : i32
    %rem3A = arith.remsi %sub3A_16, %select_n3A : i32
    %ne3A = arith.constant 0 : i32
    %ne3A_19 = arith.cmpi ne, %rem3A, %ne3A : i32
    %lt3A_20 = arith.constant 0 : i32
    %lt3A_21 = arith.cmpi slt, %rem3A, %lt3A_20 : i32
    %lt3A_22 = arith.constant 0 : i32
    %lt3A_23 = arith.cmpi slt, %select_n3A, %lt3A_22 : i32
    %ne3A_24 = arith.xori %lt3A_21, %lt3A_23 : i1
    %and3A_25 = arith.andi %ne3A_24, %ne3A_19 : i1
    %add3A_26 = arith.addi %rem3A, %select_n3A : i32
    %select_n3A_27 = arith.select %and3A_25, %add3A_26, %rem3A : i32
    %sub3A_28 = arith.subi %min3A_14, %select_n3A_27 : i32
    %ge3A = arith.constant 0 : i32
    %ge3A_29 = arith.cmpi sge, %sub3A_28, %ge3A : i32
    %convert_element_type3A_30 = arith.extui %ge3A_29 : i1 to i32
    %cond3A_31 = arith.constant 0 : i32
    %cond3A_32 = arith.cmpi ne, %convert_element_type3A_30, %cond3A_31 : i32
    scf.if %cond3A_32 {
      %add3A_62 = arith.addi %mul3A_2, %sub3A_28 : i32
      %mul3A_63 = arith.constant 64 : i32
      %mul3A_64 = arith.muli %add3A_62, %mul3A_63 : i32
      %multiple_of3A = tpu.assume_multiple %mul3A_64, 8 : i32
      %dma_wait3A = arith.constant 0 : i32
      %dma_wait3A_65 = tpu.memref_slice %arg4[%multiple_of3A, %dma_wait3A] : memref<500000x128xf32, #tpu.memory_space<hbm>> -> memref<64x128xf32, #tpu.memory_space<hbm>>
      %dma_wait3A_66 = arith.constant 0 : i32
      %dma_wait3A_67 = tpu.memref_slice %arg4[%multiple_of3A, %dma_wait3A_66] : memref<500000x128xf32, #tpu.memory_space<hbm>> -> memref<64x128xf32, #tpu.memory_space<hbm>>
      tpu.wait_dma2 semaphore(%arg11 : memref<!tpu.dma_semaphore, #tpu.memory_space<semaphore_mem>>) src(%arg7 : memref<64x128xf32, #tpu.memory_space<vmem>>) dst(%dma_wait3A_67 : memref<64x128xf32, #tpu.memory_space<hbm>>)
    } else {
    }
    %sub3A_33 = arith.constant 1 : i32
    %sub3A_34 = arith.subi %min3A_14, %sub3A_33 : i32
    %jit3A_35 = arith.constant 2 : i32
    %eq3A_36 = arith.constant 0 : i32
    %eq3A_37 = arith.cmpi eq, %jit3A_35, %eq3A_36 : i32
    %jit3A_38 = arith.constant 1 : i32
    %select_n3A_39 = arith.select %eq3A_37, %jit3A_38, %jit3A_35 : i32
    %rem3A_40 = arith.remsi %sub3A_34, %select_n3A_39 : i32
    %ne3A_41 = arith.constant 0 : i32
    %ne3A_42 = arith.cmpi ne, %rem3A_40, %ne3A_41 : i32
    %lt3A_43 = arith.constant 0 : i32
    %lt3A_44 = arith.cmpi slt, %rem3A_40, %lt3A_43 : i32
    %lt3A_45 = arith.constant 0 : i32
    %lt3A_46 = arith.cmpi slt, %select_n3A_39, %lt3A_45 : i32
    %ne3A_47 = arith.xori %lt3A_44, %lt3A_46 : i1
    %and3A_48 = arith.andi %ne3A_47, %ne3A_42 : i1
    %add3A_49 = arith.addi %rem3A_40, %select_n3A_39 : i32
    %select_n3A_50 = arith.select %and3A_48, %add3A_49, %rem3A_40 : i32
    %sub3A_51 = arith.subi %min3A_14, %select_n3A_50 : i32
    %ge3A_52 = arith.constant 0 : i32
    %ge3A_53 = arith.cmpi sge, %sub3A_51, %ge3A_52 : i32
    %convert_element_type3A_54 = arith.extui %ge3A_53 : i1 to i32
    %cond3A_55 = arith.constant 0 : i32
    %cond3A_56 = arith.cmpi ne, %convert_element_type3A_54, %cond3A_55 : i32
    scf.if %cond3A_56 {
      %add3A_62 = arith.addi %mul3A_2, %sub3A_51 : i32
      %mul3A_63 = arith.constant 64 : i32
      %mul3A_64 = arith.muli %add3A_62, %mul3A_63 : i32
      %multiple_of3A = tpu.assume_multiple %mul3A_64, 8 : i32
      %dma_wait3A = arith.constant 0 : i32
      %dma_wait3A_65 = tpu.memref_slice %arg4[%multiple_of3A, %dma_wait3A] : memref<500000x128xf32, #tpu.memory_space<hbm>> -> memref<64x128xf32, #tpu.memory_space<hbm>>
      %dma_wait3A_66 = arith.constant 0 : i32
      %dma_wait3A_67 = tpu.memref_slice %arg4[%multiple_of3A, %dma_wait3A_66] : memref<500000x128xf32, #tpu.memory_space<hbm>> -> memref<64x128xf32, #tpu.memory_space<hbm>>
      tpu.wait_dma2 semaphore(%arg12 : memref<!tpu.dma_semaphore, #tpu.memory_space<semaphore_mem>>) src(%arg8 : memref<64x128xf32, #tpu.memory_space<vmem>>) dst(%dma_wait3A_67 : memref<64x128xf32, #tpu.memory_space<hbm>>)
    } else {
    }
    %eq3A_57 = arith.constant 0 : i32
    %eq3A_58 = arith.cmpi eq, %add3A, %eq3A_57 : i32
    %convert_element_type3A_59 = arith.extui %eq3A_58 : i1 to i32
    %cond3A_60 = arith.constant 0 : i32
    %cond3A_61 = arith.cmpi ne, %convert_element_type3A_59, %cond3A_60 : i32
    scf.if %cond3A_61 {
      "tpu.region"() ({
        %run_scoped3A = tpu.sem_alloc : memref<!tpu.dma_semaphore, #tpu.memory_space<semaphore_mem>>
        %dma_start3A = arith.constant 0 : i32
        %dma_start3A_62 = arith.constant 0 : i32
        %dma_start3A_63 = tpu.memref_slice %arg5[%dma_start3A, %dma_start3A_62] : memref<64x128xf32, #tpu.memory_space<vmem>> -> memref<32x128xf32, #tpu.memory_space<vmem>>
        %dma_start3A_64 = arith.constant 0 : i32
        %dma_start3A_65 = arith.constant 0 : i32
        %dma_start3A_66 = tpu.memref_slice %arg5[%dma_start3A_64, %dma_start3A_65] : memref<64x128xf32, #tpu.memory_space<vmem>> -> memref<32x128xf32, #tpu.memory_space<vmem>>
        tpu.enqueue_dma source(%arg3 : memref<32x128xf32, #tpu.memory_space<hbm>>) target(%dma_start3A_66 : memref<32x128xf32, #tpu.memory_space<vmem>>) target_semaphore(%run_scoped3A : memref<!tpu.dma_semaphore, #tpu.memory_space<semaphore_mem>>)
        %dma_wait3A = arith.constant 0 : i32
        %dma_wait3A_67 = arith.constant 0 : i32
        %dma_wait3A_68 = tpu.memref_slice %arg5[%dma_wait3A, %dma_wait3A_67] : memref<64x128xf32, #tpu.memory_space<vmem>> -> memref<32x128xf32, #tpu.memory_space<vmem>>
        %dma_wait3A_69 = arith.constant 0 : i32
        %dma_wait3A_70 = arith.constant 0 : i32
        %dma_wait3A_71 = tpu.memref_slice %arg5[%dma_wait3A_69, %dma_wait3A_70] : memref<64x128xf32, #tpu.memory_space<vmem>> -> memref<32x128xf32, #tpu.memory_space<vmem>>
        tpu.wait_dma2 semaphore(%run_scoped3A : memref<!tpu.dma_semaphore, #tpu.memory_space<semaphore_mem>>) src(%arg3 : memref<32x128xf32, #tpu.memory_space<hbm>>) dst(%dma_wait3A_71 : memref<32x128xf32, #tpu.memory_space<vmem>>)
        tpu.yield
      }) : () -> ()
      "tpu.region"() ({
        %run_scoped3A = tpu.sem_alloc : memref<!tpu.dma_semaphore, #tpu.memory_space<semaphore_mem>>
        %dma_start3A = arith.constant 0 : i32
        %dma_start3A_62 = arith.constant 0 : i32
        %dma_start3A_63 = tpu.memref_slice %arg5[%dma_start3A, %dma_start3A_62] : memref<64x128xf32, #tpu.memory_space<vmem>> -> memref<32x128xf32, #tpu.memory_space<vmem>>
        %dma_start3A_64 = arith.constant 499968 : i32
        %dma_start3A_65 = arith.constant 0 : i32
        %dma_start3A_66 = tpu.memref_slice %arg4[%dma_start3A_64, %dma_start3A_65] : memref<500000x128xf32, #tpu.memory_space<hbm>> -> memref<32x128xf32, #tpu.memory_space<hbm>>
        %dma_start3A_67 = arith.constant 499968 : i32
        %dma_start3A_68 = arith.constant 0 : i32
        %dma_start3A_69 = tpu.memref_slice %arg4[%dma_start3A_67, %dma_start3A_68] : memref<500000x128xf32, #tpu.memory_space<hbm>> -> memref<32x128xf32, #tpu.memory_space<hbm>>
        %dma_start3A_70 = arith.constant 0 : i32
        %dma_start3A_71 = arith.constant 0 : i32
        %dma_start3A_72 = tpu.memref_slice %arg5[%dma_start3A_70, %dma_start3A_71] : memref<64x128xf32, #tpu.memory_space<vmem>> -> memref<32x128xf32, #tpu.memory_space<vmem>>
        tpu.enqueue_dma source(%dma_start3A_72 : memref<32x128xf32, #tpu.memory_space<vmem>>) target(%dma_start3A_69 : memref<32x128xf32, #tpu.memory_space<hbm>>) target_semaphore(%run_scoped3A : memref<!tpu.dma_semaphore, #tpu.memory_space<semaphore_mem>>)
        %dma_wait3A = arith.constant 0 : i32
        %dma_wait3A_73 = arith.constant 0 : i32
        %dma_wait3A_74 = tpu.memref_slice %arg5[%dma_wait3A, %dma_wait3A_73] : memref<64x128xf32, #tpu.memory_space<vmem>> -> memref<32x128xf32, #tpu.memory_space<vmem>>
        %dma_wait3A_75 = arith.constant 499968 : i32
        %dma_wait3A_76 = arith.constant 0 : i32
        %dma_wait3A_77 = tpu.memref_slice %arg4[%dma_wait3A_75, %dma_wait3A_76] : memref<500000x128xf32, #tpu.memory_space<hbm>> -> memref<32x128xf32, #tpu.memory_space<hbm>>
        %dma_wait3A_78 = arith.constant 499968 : i32
        %dma_wait3A_79 = arith.constant 0 : i32
        %dma_wait3A_80 = tpu.memref_slice %arg4[%dma_wait3A_78, %dma_wait3A_79] : memref<500000x128xf32, #tpu.memory_space<hbm>> -> memref<32x128xf32, #tpu.memory_space<hbm>>
        %dma_wait3A_81 = arith.constant 0 : i32
        %dma_wait3A_82 = arith.constant 0 : i32
        %dma_wait3A_83 = tpu.memref_slice %arg5[%dma_wait3A_81, %dma_wait3A_82] : memref<64x128xf32, #tpu.memory_space<vmem>> -> memref<32x128xf32, #tpu.memory_space<vmem>>
        tpu.wait_dma2 semaphore(%run_scoped3A : memref<!tpu.dma_semaphore, #tpu.memory_space<semaphore_mem>>) src(%dma_wait3A_83 : memref<32x128xf32, #tpu.memory_space<vmem>>) dst(%dma_wait3A_80 : memref<32x128xf32, #tpu.memory_space<hbm>>)
        tpu.yield
      }) : () -> ()
    } else {
    }
    return
  }
}

#map = affine_map<(d0, d1) -> (0, 0)>
#map1 = affine_map<(d0, d1) -> (0, 0, 0)>
module attributes {stable_mosaic.version = 14 : i64} {
  func.func @k(%arg0: i32, %arg1: i32, %arg2: memref<4096x200xi32, #tpu.memory_space<hbm>>, %arg3: memref<1000000x64xf32, #tpu.memory_space<hbm>>, %arg4: memref<200x64xf32, #tpu.memory_space<hbm>>, %arg5: memref<4096x200x128xf32, #tpu.memory_space<hbm>>, %arg6: memref<200xi32, #tpu.memory_space<vmem>>, %arg7: memref<200xi32, #tpu.memory_space<vmem>>, %arg8: memref<200xi32, #tpu.memory_space<vmem>>, %arg9: memref<200xi32, #tpu.memory_space<vmem>>, %arg10: memref<200x64xf32, #tpu.memory_space<vmem>>, %arg11: memref<200x64xf32, #tpu.memory_space<vmem>>, %arg12: memref<200x64xf32, #tpu.memory_space<vmem>>, %arg13: memref<200x64xf32, #tpu.memory_space<vmem>>, %arg14: memref<200x64xf32, #tpu.memory_space<vmem>>, %arg15: memref<!tpu.dma_semaphore, #tpu.memory_space<semaphore_mem>>, %arg16: memref<!tpu.dma_semaphore, #tpu.memory_space<semaphore_mem>>, %arg17: memref<!tpu.dma_semaphore, #tpu.memory_space<semaphore_mem>>, %arg18: memref<!tpu.dma_semaphore, #tpu.memory_space<semaphore_mem>>, %arg19: memref<!tpu.dma_semaphore, #tpu.memory_space<semaphore_mem>>, %arg20: memref<!tpu.dma_semaphore, #tpu.memory_space<semaphore_mem>>, %arg21: memref<!tpu.dma_semaphore, #tpu.memory_space<semaphore_mem>>, %arg22: memref<!tpu.dma_semaphore, #tpu.memory_space<semaphore_mem>>, %arg23: memref<!tpu.dma_semaphore, #tpu.memory_space<semaphore_mem>>, %arg24: memref<!tpu.dma_semaphore, #tpu.memory_space<semaphore_mem>>, %arg25: memref<!tpu.dma_semaphore, #tpu.memory_space<semaphore_mem>>, %arg26: memref<!tpu.dma_semaphore, #tpu.memory_space<semaphore_mem>>) attributes {dimension_semantics = [#tpu.dimension_semantics<core_parallel>, #tpu.dimension_semantics<subcore_parallel>], iteration_bounds = array<i64: 2, 16>, scalar_prefetch = 0 : i64, scratch_operands = 21 : i64, tpu.core_type = #tpu.core_type<sc_vector_subcore>, window_params = [{transform_indices = #map}, {transform_indices = #map}, {transform_indices = #map}, {transform_indices = #map1}]} {
    %mul3A = arith.constant 2 : i32
    %mul3A_0 = arith.muli %arg1, %mul3A : i32
    %add3A = arith.addi %mul3A_0, %arg0 : i32
    %mul3A_1 = arith.constant 128 : i32
    %mul3A_2 = arith.muli %add3A, %mul3A_1 : i32
    "tpu.region"() ({
      %run_scoped3A = tpu.sem_alloc : memref<!tpu.dma_semaphore, #tpu.memory_space<semaphore_mem>>
      tpu.enqueue_dma source(%arg4 : memref<200x64xf32, #tpu.memory_space<hbm>>) target(%arg10 : memref<200x64xf32, #tpu.memory_space<vmem>>) target_semaphore(%run_scoped3A : memref<!tpu.dma_semaphore, #tpu.memory_space<semaphore_mem>>)
      tpu.wait_dma2 semaphore(%run_scoped3A : memref<!tpu.dma_semaphore, #tpu.memory_space<semaphore_mem>>) src(%arg4 : memref<200x64xf32, #tpu.memory_space<hbm>>) dst(%arg10 : memref<200x64xf32, #tpu.memory_space<vmem>>)
      tpu.yield
    }) : () -> ()
    %add3A_3 = arith.constant 0 : i32
    %add3A_4 = arith.addi %mul3A_2, %add3A_3 : i32
    %dma_start3A = arith.constant 0 : i32
    %dma_start3A_5 = tpu.memref_slice %arg2[%add3A_4, %dma_start3A] : memref<4096x200xi32, #tpu.memory_space<hbm>> -> memref<1x200xi32, #tpu.memory_space<hbm>>
    %dma_start3A_6 = tpu.memref_squeeze %dma_start3A_5 : memref<1x200xi32, #tpu.memory_space<hbm>> -> memref<200xi32, #tpu.memory_space<hbm>>
    %dma_start3A_7 = arith.constant 0 : i32
    %dma_start3A_8 = tpu.memref_slice %arg2[%add3A_4, %dma_start3A_7] : memref<4096x200xi32, #tpu.memory_space<hbm>> -> memref<1x200xi32, #tpu.memory_space<hbm>>
    %dma_start3A_9 = tpu.memref_squeeze %dma_start3A_8 : memref<1x200xi32, #tpu.memory_space<hbm>> -> memref<200xi32, #tpu.memory_space<hbm>>
    tpu.enqueue_dma source(%dma_start3A_9 : memref<200xi32, #tpu.memory_space<hbm>>) target(%arg6 : memref<200xi32, #tpu.memory_space<vmem>>) target_semaphore(%arg15 : memref<!tpu.dma_semaphore, #tpu.memory_space<semaphore_mem>>)
    %add3A_10 = arith.constant 1 : i32
    %add3A_11 = arith.addi %mul3A_2, %add3A_10 : i32
    %dma_start3A_12 = arith.constant 0 : i32
    %dma_start3A_13 = tpu.memref_slice %arg2[%add3A_11, %dma_start3A_12] : memref<4096x200xi32, #tpu.memory_space<hbm>> -> memref<1x200xi32, #tpu.memory_space<hbm>>
    %dma_start3A_14 = tpu.memref_squeeze %dma_start3A_13 : memref<1x200xi32, #tpu.memory_space<hbm>> -> memref<200xi32, #tpu.memory_space<hbm>>
    %dma_start3A_15 = arith.constant 0 : i32
    %dma_start3A_16 = tpu.memref_slice %arg2[%add3A_11, %dma_start3A_15] : memref<4096x200xi32, #tpu.memory_space<hbm>> -> memref<1x200xi32, #tpu.memory_space<hbm>>
    %dma_start3A_17 = tpu.memref_squeeze %dma_start3A_16 : memref<1x200xi32, #tpu.memory_space<hbm>> -> memref<200xi32, #tpu.memory_space<hbm>>
    tpu.enqueue_dma source(%dma_start3A_17 : memref<200xi32, #tpu.memory_space<hbm>>) target(%arg7 : memref<200xi32, #tpu.memory_space<vmem>>) target_semaphore(%arg16 : memref<!tpu.dma_semaphore, #tpu.memory_space<semaphore_mem>>)
    %add3A_18 = arith.constant 2 : i32
    %add3A_19 = arith.addi %mul3A_2, %add3A_18 : i32
    %dma_start3A_20 = arith.constant 0 : i32
    %dma_start3A_21 = tpu.memref_slice %arg2[%add3A_19, %dma_start3A_20] : memref<4096x200xi32, #tpu.memory_space<hbm>> -> memref<1x200xi32, #tpu.memory_space<hbm>>
    %dma_start3A_22 = tpu.memref_squeeze %dma_start3A_21 : memref<1x200xi32, #tpu.memory_space<hbm>> -> memref<200xi32, #tpu.memory_space<hbm>>
    %dma_start3A_23 = arith.constant 0 : i32
    %dma_start3A_24 = tpu.memref_slice %arg2[%add3A_19, %dma_start3A_23] : memref<4096x200xi32, #tpu.memory_space<hbm>> -> memref<1x200xi32, #tpu.memory_space<hbm>>
    %dma_start3A_25 = tpu.memref_squeeze %dma_start3A_24 : memref<1x200xi32, #tpu.memory_space<hbm>> -> memref<200xi32, #tpu.memory_space<hbm>>
    tpu.enqueue_dma source(%dma_start3A_25 : memref<200xi32, #tpu.memory_space<hbm>>) target(%arg8 : memref<200xi32, #tpu.memory_space<vmem>>) target_semaphore(%arg17 : memref<!tpu.dma_semaphore, #tpu.memory_space<semaphore_mem>>)
    %add3A_26 = arith.constant 3 : i32
    %add3A_27 = arith.addi %mul3A_2, %add3A_26 : i32
    %dma_start3A_28 = arith.constant 0 : i32
    %dma_start3A_29 = tpu.memref_slice %arg2[%add3A_27, %dma_start3A_28] : memref<4096x200xi32, #tpu.memory_space<hbm>> -> memref<1x200xi32, #tpu.memory_space<hbm>>
    %dma_start3A_30 = tpu.memref_squeeze %dma_start3A_29 : memref<1x200xi32, #tpu.memory_space<hbm>> -> memref<200xi32, #tpu.memory_space<hbm>>
    %dma_start3A_31 = arith.constant 0 : i32
    %dma_start3A_32 = tpu.memref_slice %arg2[%add3A_27, %dma_start3A_31] : memref<4096x200xi32, #tpu.memory_space<hbm>> -> memref<1x200xi32, #tpu.memory_space<hbm>>
    %dma_start3A_33 = tpu.memref_squeeze %dma_start3A_32 : memref<1x200xi32, #tpu.memory_space<hbm>> -> memref<200xi32, #tpu.memory_space<hbm>>
    tpu.enqueue_dma source(%dma_start3A_33 : memref<200xi32, #tpu.memory_space<hbm>>) target(%arg9 : memref<200xi32, #tpu.memory_space<vmem>>) target_semaphore(%arg18 : memref<!tpu.dma_semaphore, #tpu.memory_space<semaphore_mem>>)
    %add3A_34 = arith.constant 0 : i32
    %add3A_35 = arith.addi %mul3A_2, %add3A_34 : i32
    %dma_wait3A = arith.constant 0 : i32
    %dma_wait3A_36 = tpu.memref_slice %arg2[%add3A_35, %dma_wait3A] : memref<4096x200xi32, #tpu.memory_space<hbm>> -> memref<1x200xi32, #tpu.memory_space<hbm>>
    %dma_wait3A_37 = tpu.memref_squeeze %dma_wait3A_36 : memref<1x200xi32, #tpu.memory_space<hbm>> -> memref<200xi32, #tpu.memory_space<hbm>>
    %dma_wait3A_38 = arith.constant 0 : i32
    %dma_wait3A_39 = tpu.memref_slice %arg2[%add3A_35, %dma_wait3A_38] : memref<4096x200xi32, #tpu.memory_space<hbm>> -> memref<1x200xi32, #tpu.memory_space<hbm>>
    %dma_wait3A_40 = tpu.memref_squeeze %dma_wait3A_39 : memref<1x200xi32, #tpu.memory_space<hbm>> -> memref<200xi32, #tpu.memory_space<hbm>>
    tpu.wait_dma2 semaphore(%arg15 : memref<!tpu.dma_semaphore, #tpu.memory_space<semaphore_mem>>) src(%dma_wait3A_40 : memref<200xi32, #tpu.memory_space<hbm>>) dst(%arg6 : memref<200xi32, #tpu.memory_space<vmem>>)
    %dma_start3A_41 = arith.constant 0 : i32
    %dma_start3A_42 = arith.constant 0 : i32
    %dma_start3A_43 = tpu.memref_slice %arg11[%dma_start3A_41, %dma_start3A_42] : memref<200x64xf32, #tpu.memory_space<vmem>> -> memref<128x64xf32, #tpu.memory_space<vmem>>
    %dma_start3A_44 = arith.constant 0 : i32
    %dma_start3A_45 = tpu.memref_slice %arg6[%dma_start3A_44] : memref<200xi32, #tpu.memory_space<vmem>> -> memref<128xi32, #tpu.memory_space<vmem>>
    %dma_start3A_46 = arith.constant 0 : i32
    %dma_start3A_47 = arith.constant 0 : i32
    %dma_start3A_48 = tpu.memref_slice %arg3[%dma_start3A_46, %dma_start3A_47] : memref<1000000x64xf32, #tpu.memory_space<hbm>> -> memref<1000000x64xf32, #tpu.memory_space<hbm>>
    tpu.enqueue_indirect_dma source(%dma_start3A_48 : memref<1000000x64xf32, #tpu.memory_space<hbm>>) target(%dma_start3A_43 : memref<128x64xf32, #tpu.memory_space<vmem>>) offsets(%dma_start3A_45 : memref<128xi32, #tpu.memory_space<vmem>>) semaphore(%arg19 : memref<!tpu.dma_semaphore, #tpu.memory_space<semaphore_mem>>)
    %dma_start3A_49 = arith.constant 128 : i32
    %dma_start3A_50 = arith.constant 0 : i32
    %dma_start3A_51 = tpu.memref_slice %arg11[%dma_start3A_49, %dma_start3A_50] : memref<200x64xf32, #tpu.memory_space<vmem>> -> memref<72x64xf32, #tpu.memory_space<vmem>>
    %dma_start3A_52 = arith.constant 128 : i32
    %dma_start3A_53 = tpu.memref_slice %arg6[%dma_start3A_52] : memref<200xi32, #tpu.memory_space<vmem>> -> memref<72xi32, #tpu.memory_space<vmem>>
    %dma_start3A_54 = arith.constant 0 : i32
    %dma_start3A_55 = arith.constant 0 : i32
    %dma_start3A_56 = tpu.memref_slice %arg3[%dma_start3A_54, %dma_start3A_55] : memref<1000000x64xf32, #tpu.memory_space<hbm>> -> memref<1000000x64xf32, #tpu.memory_space<hbm>>
    tpu.enqueue_indirect_dma source(%dma_start3A_56 : memref<1000000x64xf32, #tpu.memory_space<hbm>>) target(%dma_start3A_51 : memref<72x64xf32, #tpu.memory_space<vmem>>) offsets(%dma_start3A_53 : memref<72xi32, #tpu.memory_space<vmem>>) semaphore(%arg19 : memref<!tpu.dma_semaphore, #tpu.memory_space<semaphore_mem>>)
    %add3A_57 = arith.constant 1 : i32
    %add3A_58 = arith.addi %mul3A_2, %add3A_57 : i32
    %dma_wait3A_59 = arith.constant 0 : i32
    %dma_wait3A_60 = tpu.memref_slice %arg2[%add3A_58, %dma_wait3A_59] : memref<4096x200xi32, #tpu.memory_space<hbm>> -> memref<1x200xi32, #tpu.memory_space<hbm>>
    %dma_wait3A_61 = tpu.memref_squeeze %dma_wait3A_60 : memref<1x200xi32, #tpu.memory_space<hbm>> -> memref<200xi32, #tpu.memory_space<hbm>>
    %dma_wait3A_62 = arith.constant 0 : i32
    %dma_wait3A_63 = tpu.memref_slice %arg2[%add3A_58, %dma_wait3A_62] : memref<4096x200xi32, #tpu.memory_space<hbm>> -> memref<1x200xi32, #tpu.memory_space<hbm>>
    %dma_wait3A_64 = tpu.memref_squeeze %dma_wait3A_63 : memref<1x200xi32, #tpu.memory_space<hbm>> -> memref<200xi32, #tpu.memory_space<hbm>>
    tpu.wait_dma2 semaphore(%arg16 : memref<!tpu.dma_semaphore, #tpu.memory_space<semaphore_mem>>) src(%dma_wait3A_64 : memref<200xi32, #tpu.memory_space<hbm>>) dst(%arg7 : memref<200xi32, #tpu.memory_space<vmem>>)
    %dma_start3A_65 = arith.constant 0 : i32
    %dma_start3A_66 = arith.constant 0 : i32
    %dma_start3A_67 = tpu.memref_slice %arg12[%dma_start3A_65, %dma_start3A_66] : memref<200x64xf32, #tpu.memory_space<vmem>> -> memref<128x64xf32, #tpu.memory_space<vmem>>
    %dma_start3A_68 = arith.constant 0 : i32
    %dma_start3A_69 = tpu.memref_slice %arg7[%dma_start3A_68] : memref<200xi32, #tpu.memory_space<vmem>> -> memref<128xi32, #tpu.memory_space<vmem>>
    %dma_start3A_70 = arith.constant 0 : i32
    %dma_start3A_71 = arith.constant 0 : i32
    %dma_start3A_72 = tpu.memref_slice %arg3[%dma_start3A_70, %dma_start3A_71] : memref<1000000x64xf32, #tpu.memory_space<hbm>> -> memref<1000000x64xf32, #tpu.memory_space<hbm>>
    tpu.enqueue_indirect_dma source(%dma_start3A_72 : memref<1000000x64xf32, #tpu.memory_space<hbm>>) target(%dma_start3A_67 : memref<128x64xf32, #tpu.memory_space<vmem>>) offsets(%dma_start3A_69 : memref<128xi32, #tpu.memory_space<vmem>>) semaphore(%arg20 : memref<!tpu.dma_semaphore, #tpu.memory_space<semaphore_mem>>)
    %dma_start3A_73 = arith.constant 128 : i32
    %dma_start3A_74 = arith.constant 0 : i32
    %dma_start3A_75 = tpu.memref_slice %arg12[%dma_start3A_73, %dma_start3A_74] : memref<200x64xf32, #tpu.memory_space<vmem>> -> memref<72x64xf32, #tpu.memory_space<vmem>>
    %dma_start3A_76 = arith.constant 128 : i32
    %dma_start3A_77 = tpu.memref_slice %arg7[%dma_start3A_76] : memref<200xi32, #tpu.memory_space<vmem>> -> memref<72xi32, #tpu.memory_space<vmem>>
    %dma_start3A_78 = arith.constant 0 : i32
    %dma_start3A_79 = arith.constant 0 : i32
    %dma_start3A_80 = tpu.memref_slice %arg3[%dma_start3A_78, %dma_start3A_79] : memref<1000000x64xf32, #tpu.memory_space<hbm>> -> memref<1000000x64xf32, #tpu.memory_space<hbm>>
    tpu.enqueue_indirect_dma source(%dma_start3A_80 : memref<1000000x64xf32, #tpu.memory_space<hbm>>) target(%dma_start3A_75 : memref<72x64xf32, #tpu.memory_space<vmem>>) offsets(%dma_start3A_77 : memref<72xi32, #tpu.memory_space<vmem>>) semaphore(%arg20 : memref<!tpu.dma_semaphore, #tpu.memory_space<semaphore_mem>>)
    %scan3A = arith.constant 0 : i32
    %scan3A_81 = arith.constant 0 : i32
    %scan3A_82 = arith.constant 32 : i32
    %scan3A_83 = arith.addi %scan3A_81, %scan3A_82 : i32
    %scan3A_84 = arith.constant 1 : i32
    scf.for %scan3A_150 = %scan3A_81 to %scan3A_83 step %scan3A_84  : i32 {
      %mul3A_151 = arith.constant 4 : i32
      %mul3A_152 = arith.muli %mul3A_151, %scan3A_150 : i32
      %add3A_153 = arith.constant 0 : i32
      %add3A_154 = arith.addi %mul3A_152, %add3A_153 : i32
      %dma_wait3A_155 = arith.constant 0 : i32
      %dma_wait3A_156 = arith.constant 0 : i32
      %dma_wait3A_157 = tpu.memref_slice %arg11[%dma_wait3A_155, %dma_wait3A_156] : memref<200x64xf32, #tpu.memory_space<vmem>> -> memref<128x64xf32, #tpu.memory_space<vmem>>
      %dma_wait3A_158 = arith.constant 0 : i32
      %dma_wait3A_159 = tpu.memref_slice %arg6[%dma_wait3A_158] : memref<200xi32, #tpu.memory_space<vmem>> -> memref<128xi32, #tpu.memory_space<vmem>>
      %dma_wait3A_160 = arith.constant 0 : i32
      %dma_wait3A_161 = arith.constant 0 : i32
      %dma_wait3A_162 = tpu.memref_slice %arg3[%dma_wait3A_160, %dma_wait3A_161] : memref<1000000x64xf32, #tpu.memory_space<hbm>> -> memref<1000000x64xf32, #tpu.memory_space<hbm>>
      tpu.wait_indirect_dma semaphore(%arg19 : memref<!tpu.dma_semaphore, #tpu.memory_space<semaphore_mem>>) src(%dma_wait3A_162 : memref<1000000x64xf32, #tpu.memory_space<hbm>>) dst(%dma_wait3A_157 : memref<128x64xf32, #tpu.memory_space<vmem>>)
      %dma_wait3A_163 = arith.constant 128 : i32
      %dma_wait3A_164 = arith.constant 0 : i32
      %dma_wait3A_165 = tpu.memref_slice %arg11[%dma_wait3A_163, %dma_wait3A_164] : memref<200x64xf32, #tpu.memory_space<vmem>> -> memref<72x64xf32, #tpu.memory_space<vmem>>
      %dma_wait3A_166 = arith.constant 128 : i32
      %dma_wait3A_167 = tpu.memref_slice %arg6[%dma_wait3A_166] : memref<200xi32, #tpu.memory_space<vmem>> -> memref<72xi32, #tpu.memory_space<vmem>>
      %dma_wait3A_168 = arith.constant 0 : i32
      %dma_wait3A_169 = arith.constant 0 : i32
      %dma_wait3A_170 = tpu.memref_slice %arg3[%dma_wait3A_168, %dma_wait3A_169] : memref<1000000x64xf32, #tpu.memory_space<hbm>> -> memref<1000000x64xf32, #tpu.memory_space<hbm>>
      tpu.wait_indirect_dma semaphore(%arg19 : memref<!tpu.dma_semaphore, #tpu.memory_space<semaphore_mem>>) src(%dma_wait3A_170 : memref<1000000x64xf32, #tpu.memory_space<hbm>>) dst(%dma_wait3A_165 : memref<72x64xf32, #tpu.memory_space<vmem>>)
      %add3A_171 = arith.constant 4 : i32
      %add3A_172 = arith.addi %add3A_154, %add3A_171 : i32
      %lt3A = arith.constant 128 : i32
      %lt3A_173 = arith.cmpi slt, %add3A_172, %lt3A : i32
      %convert_element_type3A = arith.extui %lt3A_173 : i1 to i32
      %cond3A = arith.constant 0 : i32
      %cond3A_174 = arith.cmpi ne, %convert_element_type3A, %cond3A : i32
      scf.if %cond3A_174 {
        %add3A_355 = arith.constant 4 : i32
        %add3A_356 = arith.addi %add3A_154, %add3A_355 : i32
        %add3A_357 = arith.addi %mul3A_2, %add3A_356 : i32
        %dma_start3A_358 = arith.constant 0 : i32
        %dma_start3A_359 = tpu.memref_slice %arg2[%add3A_357, %dma_start3A_358] : memref<4096x200xi32, #tpu.memory_space<hbm>> -> memref<1x200xi32, #tpu.memory_space<hbm>>
        %dma_start3A_360 = tpu.memref_squeeze %dma_start3A_359 : memref<1x200xi32, #tpu.memory_space<hbm>> -> memref<200xi32, #tpu.memory_space<hbm>>
        %dma_start3A_361 = arith.constant 0 : i32
        %dma_start3A_362 = tpu.memref_slice %arg2[%add3A_357, %dma_start3A_361] : memref<4096x200xi32, #tpu.memory_space<hbm>> -> memref<1x200xi32, #tpu.memory_space<hbm>>
        %dma_start3A_363 = tpu.memref_squeeze %dma_start3A_362 : memref<1x200xi32, #tpu.memory_space<hbm>> -> memref<200xi32, #tpu.memory_space<hbm>>
        tpu.enqueue_dma source(%dma_start3A_363 : memref<200xi32, #tpu.memory_space<hbm>>) target(%arg6 : memref<200xi32, #tpu.memory_space<vmem>>) target_semaphore(%arg15 : memref<!tpu.dma_semaphore, #tpu.memory_space<semaphore_mem>>)
      } else {
      }
      %parallel_loop3A = arith.constant 0 : i32
      %parallel_loop3A_175 = arith.constant 200 : i32
      %parallel_loop3A_176 = arith.constant 1 : i32
      scf.for %parallel_loop3A_355 = %parallel_loop3A to %parallel_loop3A_175 step %parallel_loop3A_176  : i32 {
        %parallel_loop3A_356 = arith.index_cast %parallel_loop3A_355 : i32 to index
        %parallel_loop3A_357 = arith.constant 0 : index
        %parallel_loop3A_358 = tpu.vector_load %arg10[%parallel_loop3A_356, %parallel_loop3A_357] {strides = array<i32>} : memref<200x64xf32, #tpu.memory_space<vmem>>, vector<1x16xf32>,
        %parallel_loop3A_359 = vector.shape_cast %parallel_loop3A_358 : vector<1x16xf32> to vector<16xf32>
        %parallel_loop3A_360 = arith.index_cast %parallel_loop3A_355 : i32 to index
        %parallel_loop3A_361 = arith.constant 0 : index
        %parallel_loop3A_362 = tpu.vector_load %arg11[%parallel_loop3A_360, %parallel_loop3A_361] {strides = array<i32>} : memref<200x64xf32, #tpu.memory_space<vmem>>, vector<1x16xf32>,
        %parallel_loop3A_363 = vector.shape_cast %parallel_loop3A_362 : vector<1x16xf32> to vector<16xf32>
        %parallel_loop3A_364 = vector.shape_cast %parallel_loop3A_359 : vector<16xf32> to vector<1x16xf32>
        tpu.vector_store %arg11[%parallel_loop3A_360, %parallel_loop3A_361], %parallel_loop3A_364 {add = true, strides = array<i32>} : memref<200x64xf32, #tpu.memory_space<vmem>>, vector<1x16xf32>,
        %parallel_loop3A_365 = arith.index_cast %parallel_loop3A_355 : i32 to index
        %parallel_loop3A_366 = arith.constant 16 : index
        %parallel_loop3A_367 = tpu.vector_load %arg10[%parallel_loop3A_365, %parallel_loop3A_366] {strides = array<i32>} : memref<200x64xf32, #tpu.memory_space<vmem>>, vector<1x16xf32>,
        %parallel_loop3A_368 = vector.shape_cast %parallel_loop3A_367 : vector<1x16xf32> to vector<16xf32>
        %parallel_loop3A_369 = arith.index_cast %parallel_loop3A_355 : i32 to index
        %parallel_loop3A_370 = arith.constant 16 : index
        %parallel_loop3A_371 = tpu.vector_load %arg11[%parallel_loop3A_369, %parallel_loop3A_370] {strides = array<i32>} : memref<200x64xf32, #tpu.memory_space<vmem>>, vector<1x16xf32>,
        %parallel_loop3A_372 = vector.shape_cast %parallel_loop3A_371 : vector<1x16xf32> to vector<16xf32>
        %parallel_loop3A_373 = vector.shape_cast %parallel_loop3A_368 : vector<16xf32> to vector<1x16xf32>
        tpu.vector_store %arg11[%parallel_loop3A_369, %parallel_loop3A_370], %parallel_loop3A_373 {add = true, strides = array<i32>} : memref<200x64xf32, #tpu.memory_space<vmem>>, vector<1x16xf32>,
        %parallel_loop3A_374 = arith.index_cast %parallel_loop3A_355 : i32 to index
        %parallel_loop3A_375 = arith.constant 32 : index
        %parallel_loop3A_376 = tpu.vector_load %arg10[%parallel_loop3A_374, %parallel_loop3A_375] {strides = array<i32>} : memref<200x64xf32, #tpu.memory_space<vmem>>, vector<1x16xf32>,
        %parallel_loop3A_377 = vector.shape_cast %parallel_loop3A_376 : vector<1x16xf32> to vector<16xf32>
        %parallel_loop3A_378 = arith.index_cast %parallel_loop3A_355 : i32 to index
        %parallel_loop3A_379 = arith.constant 32 : index
        %parallel_loop3A_380 = tpu.vector_load %arg11[%parallel_loop3A_378, %parallel_loop3A_379] {strides = array<i32>} : memref<200x64xf32, #tpu.memory_space<vmem>>, vector<1x16xf32>,
        %parallel_loop3A_381 = vector.shape_cast %parallel_loop3A_380 : vector<1x16xf32> to vector<16xf32>
        %parallel_loop3A_382 = vector.shape_cast %parallel_loop3A_377 : vector<16xf32> to vector<1x16xf32>
        tpu.vector_store %arg11[%parallel_loop3A_378, %parallel_loop3A_379], %parallel_loop3A_382 {add = true, strides = array<i32>} : memref<200x64xf32, #tpu.memory_space<vmem>>, vector<1x16xf32>,
        %parallel_loop3A_383 = arith.index_cast %parallel_loop3A_355 : i32 to index
        %parallel_loop3A_384 = arith.constant 48 : index
        %parallel_loop3A_385 = tpu.vector_load %arg10[%parallel_loop3A_383, %parallel_loop3A_384] {strides = array<i32>} : memref<200x64xf32, #tpu.memory_space<vmem>>, vector<1x16xf32>,
        %parallel_loop3A_386 = vector.shape_cast %parallel_loop3A_385 : vector<1x16xf32> to vector<16xf32>
        %parallel_loop3A_387 = arith.index_cast %parallel_loop3A_355 : i32 to index
        %parallel_loop3A_388 = arith.constant 48 : index
        %parallel_loop3A_389 = tpu.vector_load %arg11[%parallel_loop3A_387, %parallel_loop3A_388] {strides = array<i32>} : memref<200x64xf32, #tpu.memory_space<vmem>>, vector<1x16xf32>,
        %parallel_loop3A_390 = vector.shape_cast %parallel_loop3A_389 : vector<1x16xf32> to vector<16xf32>
        %parallel_loop3A_391 = vector.shape_cast %parallel_loop3A_386 : vector<16xf32> to vector<1x16xf32>
        tpu.vector_store %arg11[%parallel_loop3A_387, %parallel_loop3A_388], %parallel_loop3A_391 {add = true, strides = array<i32>} : memref<200x64xf32, #tpu.memory_space<vmem>>, vector<1x16xf32>,
      } {sc.loop_unroll_factor = 8 : i64, sc.parallel_access}
      %add3A_177 = arith.addi %mul3A_2, %add3A_154 : i32
      %dma_start3A_178 = arith.constant 0 : i32
      %dma_start3A_179 = arith.constant 0 : i32
      %dma_start3A_180 = tpu.memref_slice %arg11[%dma_start3A_178, %dma_start3A_179] : memref<200x64xf32, #tpu.memory_space<vmem>> -> memref<200x64xf32, #tpu.memory_space<vmem>>
      %dma_start3A_181 = arith.constant 0 : i32
      %dma_start3A_182 = arith.constant 0 : i32
      %dma_start3A_183 = tpu.memref_slice %arg5[%add3A_177, %dma_start3A_181, %dma_start3A_182] : memref<4096x200x128xf32, #tpu.memory_space<hbm>> -> memref<1x200x64xf32, #tpu.memory_space<hbm>>
      %dma_start3A_184 = tpu.memref_squeeze %dma_start3A_183 : memref<1x200x64xf32, #tpu.memory_space<hbm>> -> memref<200x64xf32, #tpu.memory_space<hbm>>
      %dma_start3A_185 = arith.constant 0 : i32
      %dma_start3A_186 = arith.constant 0 : i32
      %dma_start3A_187 = tpu.memref_slice %arg5[%add3A_177, %dma_start3A_185, %dma_start3A_186] : memref<4096x200x128xf32, #tpu.memory_space<hbm>> -> memref<1x200x64xf32, #tpu.memory_space<hbm>>
      %dma_start3A_188 = tpu.memref_squeeze %dma_start3A_187 : memref<1x200x64xf32, #tpu.memory_space<hbm>> -> memref<200x64xf32, #tpu.memory_space<hbm>>
      %dma_start3A_189 = arith.constant 0 : i32
      %dma_start3A_190 = arith.constant 0 : i32
      %dma_start3A_191 = tpu.memref_slice %arg11[%dma_start3A_189, %dma_start3A_190] : memref<200x64xf32, #tpu.memory_space<vmem>> -> memref<200x64xf32, #tpu.memory_space<vmem>>
      tpu.enqueue_dma source(%dma_start3A_191 : memref<200x64xf32, #tpu.memory_space<vmem>>) target(%dma_start3A_188 : memref<200x64xf32, #tpu.memory_space<hbm>>) target_semaphore(%arg23 : memref<!tpu.dma_semaphore, #tpu.memory_space<semaphore_mem>>)
      %add3A_192 = arith.constant 2 : i32
      %add3A_193 = arith.addi %add3A_154, %add3A_192 : i32
      %lt3A_194 = arith.constant 128 : i32
      %lt3A_195 = arith.cmpi slt, %add3A_193, %lt3A_194 : i32
      %convert_element_type3A_196 = arith.extui %lt3A_195 : i1 to i32
      %cond3A_197 = arith.constant 0 : i32
      %cond3A_198 = arith.cmpi ne, %convert_element_type3A_196, %cond3A_197 : i32
      scf.if %cond3A_198 {
        %ge3A = arith.constant 4 : i32
        %ge3A_355 = arith.cmpi sge, %add3A_193, %ge3A : i32
        %convert_element_type3A_356 = arith.extui %ge3A_355 : i1 to i32
        %cond3A_357 = arith.constant 0 : i32
        %cond3A_358 = arith.cmpi ne, %convert_element_type3A_356, %cond3A_357 : i32
        scf.if %cond3A_358 {
          %sub3A = arith.constant 2 : i32
          %sub3A_382 = arith.subi %add3A_154, %sub3A : i32
          %add3A_383 = arith.addi %mul3A_2, %sub3A_382 : i32
          %dma_wait3A_384 = arith.constant 0 : i32
          %dma_wait3A_385 = arith.constant 0 : i32
          %dma_wait3A_386 = tpu.memref_slice %arg13[%dma_wait3A_384, %dma_wait3A_385] : memref<200x64xf32, #tpu.memory_space<vmem>> -> memref<200x64xf32, #tpu.memory_space<vmem>>
          %dma_wait3A_387 = arith.constant 0 : i32
          %dma_wait3A_388 = arith.constant 0 : i32
          %dma_wait3A_389 = tpu.memref_slice %arg5[%add3A_383, %dma_wait3A_387, %dma_wait3A_388] : memref<4096x200x128xf32, #tpu.memory_space<hbm>> -> memref<1x200x64xf32, #tpu.memory_space<hbm>>
          %dma_wait3A_390 = tpu.memref_squeeze %dma_wait3A_389 : memref<1x200x64xf32, #tpu.memory_space<hbm>> -> memref<200x64xf32, #tpu.memory_space<hbm>>
          %dma_wait3A_391 = arith.constant 0 : i32
          %dma_wait3A_392 = arith.constant 0 : i32
          %dma_wait3A_393 = tpu.memref_slice %arg5[%add3A_383, %dma_wait3A_391, %dma_wait3A_392] : memref<4096x200x128xf32, #tpu.memory_space<hbm>> -> memref<1x200x64xf32, #tpu.memory_space<hbm>>
          %dma_wait3A_394 = tpu.memref_squeeze %dma_wait3A_393 : memref<1x200x64xf32, #tpu.memory_space<hbm>> -> memref<200x64xf32, #tpu.memory_space<hbm>>
          %dma_wait3A_395 = arith.constant 0 : i32
          %dma_wait3A_396 = arith.constant 0 : i32
          %dma_wait3A_397 = tpu.memref_slice %arg13[%dma_wait3A_395, %dma_wait3A_396] : memref<200x64xf32, #tpu.memory_space<vmem>> -> memref<200x64xf32, #tpu.memory_space<vmem>>
          tpu.wait_dma2 semaphore(%arg25 : memref<!tpu.dma_semaphore, #tpu.memory_space<semaphore_mem>>) src(%dma_wait3A_397 : memref<200x64xf32, #tpu.memory_space<vmem>>) dst(%dma_wait3A_394 : memref<200x64xf32, #tpu.memory_space<hbm>>)
        } else {
        }
        %add3A_359 = arith.addi %mul3A_2, %add3A_193 : i32
        %dma_wait3A_360 = arith.constant 0 : i32
        %dma_wait3A_361 = tpu.memref_slice %arg2[%add3A_359, %dma_wait3A_360] : memref<4096x200xi32, #tpu.memory_space<hbm>> -> memref<1x200xi32, #tpu.memory_space<hbm>>
        %dma_wait3A_362 = tpu.memref_squeeze %dma_wait3A_361 : memref<1x200xi32, #tpu.memory_space<hbm>> -> memref<200xi32, #tpu.memory_space<hbm>>
        %dma_wait3A_363 = arith.constant 0 : i32
        %dma_wait3A_364 = tpu.memref_slice %arg2[%add3A_359, %dma_wait3A_363] : memref<4096x200xi32, #tpu.memory_space<hbm>> -> memref<1x200xi32, #tpu.memory_space<hbm>>
        %dma_wait3A_365 = tpu.memref_squeeze %dma_wait3A_364 : memref<1x200xi32, #tpu.memory_space<hbm>> -> memref<200xi32, #tpu.memory_space<hbm>>
        tpu.wait_dma2 semaphore(%arg17 : memref<!tpu.dma_semaphore, #tpu.memory_space<semaphore_mem>>) src(%dma_wait3A_365 : memref<200xi32, #tpu.memory_space<hbm>>) dst(%arg8 : memref<200xi32, #tpu.memory_space<vmem>>)
        %dma_start3A_366 = arith.constant 0 : i32
        %dma_start3A_367 = arith.constant 0 : i32
        %dma_start3A_368 = tpu.memref_slice %arg13[%dma_start3A_366, %dma_start3A_367] : memref<200x64xf32, #tpu.memory_space<vmem>> -> memref<128x64xf32, #tpu.memory_space<vmem>>
        %dma_start3A_369 = arith.constant 0 : i32
        %dma_start3A_370 = tpu.memref_slice %arg8[%dma_start3A_369] : memref<200xi32, #tpu.memory_space<vmem>> -> memref<128xi32, #tpu.memory_space<vmem>>
        %dma_start3A_371 = arith.constant 0 : i32
        %dma_start3A_372 = arith.constant 0 : i32
        %dma_start3A_373 = tpu.memref_slice %arg3[%dma_start3A_371, %dma_start3A_372] : memref<1000000x64xf32, #tpu.memory_space<hbm>> -> memref<1000000x64xf32, #tpu.memory_space<hbm>>
        tpu.enqueue_indirect_dma source(%dma_start3A_373 : memref<1000000x64xf32, #tpu.memory_space<hbm>>) target(%dma_start3A_368 : memref<128x64xf32, #tpu.memory_space<vmem>>) offsets(%dma_start3A_370 : memref<128xi32, #tpu.memory_space<vmem>>) semaphore(%arg21 : memref<!tpu.dma_semaphore, #tpu.memory_space<semaphore_mem>>)
        %dma_start3A_374 = arith.constant 128 : i32
        %dma_start3A_375 = arith.constant 0 : i32
        %dma_start3A_376 = tpu.memref_slice %arg13[%dma_start3A_374, %dma_start3A_375] : memref<200x64xf32, #tpu.memory_space<vmem>> -> memref<72x64xf32, #tpu.memory_space<vmem>>
        %dma_start3A_377 = arith.constant 128 : i32
        %dma_start3A_378 = tpu.memref_slice %arg8[%dma_start3A_377] : memref<200xi32, #tpu.memory_space<vmem>> -> memref<72xi32, #tpu.memory_space<vmem>>
        %dma_start3A_379 = arith.constant 0 : i32
        %dma_start3A_380 = arith.constant 0 : i32
        %dma_start3A_381 = tpu.memref_slice %arg3[%dma_start3A_379, %dma_start3A_380] : memref<1000000x64xf32, #tpu.memory_space<hbm>> -> memref<1000000x64xf32, #tpu.memory_space<hbm>>
        tpu.enqueue_indirect_dma source(%dma_start3A_381 : memref<1000000x64xf32, #tpu.memory_space<hbm>>) target(%dma_start3A_376 : memref<72x64xf32, #tpu.memory_space<vmem>>) offsets(%dma_start3A_378 : memref<72xi32, #tpu.memory_space<vmem>>) semaphore(%arg21 : memref<!tpu.dma_semaphore, #tpu.memory_space<semaphore_mem>>)
      } else {
      }
      %mul3A_199 = arith.constant 4 : i32
      %mul3A_200 = arith.muli %mul3A_199, %scan3A_150 : i32
      %add3A_201 = arith.constant 1 : i32
      %add3A_202 = arith.addi %mul3A_200, %add3A_201 : i32
      %dma_wait3A_203 = arith.constant 0 : i32
      %dma_wait3A_204 = arith.constant 0 : i32
      %dma_wait3A_205 = tpu.memref_slice %arg12[%dma_wait3A_203, %dma_wait3A_204] : memref<200x64xf32, #tpu.memory_space<vmem>> -> memref<128x64xf32, #tpu.memory_space<vmem>>
      %dma_wait3A_206 = arith.constant 0 : i32
      %dma_wait3A_207 = tpu.memref_slice %arg7[%dma_wait3A_206] : memref<200xi32, #tpu.memory_space<vmem>> -> memref<128xi32, #tpu.memory_space<vmem>>
      %dma_wait3A_208 = arith.constant 0 : i32
      %dma_wait3A_209 = arith.constant 0 : i32
      %dma_wait3A_210 = tpu.memref_slice %arg3[%dma_wait3A_208, %dma_wait3A_209] : memref<1000000x64xf32, #tpu.memory_space<hbm>> -> memref<1000000x64xf32, #tpu.memory_space<hbm>>
      tpu.wait_indirect_dma semaphore(%arg20 : memref<!tpu.dma_semaphore, #tpu.memory_space<semaphore_mem>>) src(%dma_wait3A_210 : memref<1000000x64xf32, #tpu.memory_space<hbm>>) dst(%dma_wait3A_205 : memref<128x64xf32, #tpu.memory_space<vmem>>)
      %dma_wait3A_211 = arith.constant 128 : i32
      %dma_wait3A_212 = arith.constant 0 : i32
      %dma_wait3A_213 = tpu.memref_slice %arg12[%dma_wait3A_211, %dma_wait3A_212] : memref<200x64xf32, #tpu.memory_space<vmem>> -> memref<72x64xf32, #tpu.memory_space<vmem>>
      %dma_wait3A_214 = arith.constant 128 : i32
      %dma_wait3A_215 = tpu.memref_slice %arg7[%dma_wait3A_214] : memref<200xi32, #tpu.memory_space<vmem>> -> memref<72xi32, #tpu.memory_space<vmem>>
      %dma_wait3A_216 = arith.constant 0 : i32
      %dma_wait3A_217 = arith.constant 0 : i32
      %dma_wait3A_218 = tpu.memref_slice %arg3[%dma_wait3A_216, %dma_wait3A_217] : memref<1000000x64xf32, #tpu.memory_space<hbm>> -> memref<1000000x64xf32, #tpu.memory_space<hbm>>
      tpu.wait_indirect_dma semaphore(%arg20 : memref<!tpu.dma_semaphore, #tpu.memory_space<semaphore_mem>>) src(%dma_wait3A_218 : memref<1000000x64xf32, #tpu.memory_space<hbm>>) dst(%dma_wait3A_213 : memref<72x64xf32, #tpu.memory_space<vmem>>)
      %add3A_219 = arith.constant 4 : i32
      %add3A_220 = arith.addi %add3A_202, %add3A_219 : i32
      %lt3A_221 = arith.constant 128 : i32
      %lt3A_222 = arith.cmpi slt, %add3A_220, %lt3A_221 : i32
      %convert_element_type3A_223 = arith.extui %lt3A_222 : i1 to i32
      %cond3A_224 = arith.constant 0 : i32
      %cond3A_225 = arith.cmpi ne, %convert_element_type3A_223, %cond3A_224 : i32
      scf.if %cond3A_225 {
        %add3A_355 = arith.constant 4 : i32
        %add3A_356 = arith.addi %add3A_202, %add3A_355 : i32
        %add3A_357 = arith.addi %mul3A_2, %add3A_356 : i32
        %dma_start3A_358 = arith.constant 0 : i32
        %dma_start3A_359 = tpu.memref_slice %arg2[%add3A_357, %dma_start3A_358] : memref<4096x200xi32, #tpu.memory_space<hbm>> -> memref<1x200xi32, #tpu.memory_space<hbm>>
        %dma_start3A_360 = tpu.memref_squeeze %dma_start3A_359 : memref<1x200xi32, #tpu.memory_space<hbm>> -> memref<200xi32, #tpu.memory_space<hbm>>
        %dma_start3A_361 = arith.constant 0 : i32
        %dma_start3A_362 = tpu.memref_slice %arg2[%add3A_357, %dma_start3A_361] : memref<4096x200xi32, #tpu.memory_space<hbm>> -> memref<1x200xi32, #tpu.memory_space<hbm>>
        %dma_start3A_363 = tpu.memref_squeeze %dma_start3A_362 : memref<1x200xi32, #tpu.memory_space<hbm>> -> memref<200xi32, #tpu.memory_space<hbm>>
        tpu.enqueue_dma source(%dma_start3A_363 : memref<200xi32, #tpu.memory_space<hbm>>) target(%arg7 : memref<200xi32, #tpu.memory_space<vmem>>) target_semaphore(%arg16 : memref<!tpu.dma_semaphore, #tpu.memory_space<semaphore_mem>>)
      } else {
      }
      %parallel_loop3A_226 = arith.constant 0 : i32
      %parallel_loop3A_227 = arith.constant 200 : i32
      %parallel_loop3A_228 = arith.constant 1 : i32
      scf.for %parallel_loop3A_355 = %parallel_loop3A_226 to %parallel_loop3A_227 step %parallel_loop3A_228  : i32 {
        %parallel_loop3A_356 = arith.index_cast %parallel_loop3A_355 : i32 to index
        %parallel_loop3A_357 = arith.constant 0 : index
        %parallel_loop3A_358 = tpu.vector_load %arg10[%parallel_loop3A_356, %parallel_loop3A_357] {strides = array<i32>} : memref<200x64xf32, #tpu.memory_space<vmem>>, vector<1x16xf32>,
        %parallel_loop3A_359 = vector.shape_cast %parallel_loop3A_358 : vector<1x16xf32> to vector<16xf32>
        %parallel_loop3A_360 = arith.index_cast %parallel_loop3A_355 : i32 to index
        %parallel_loop3A_361 = arith.constant 0 : index
        %parallel_loop3A_362 = tpu.vector_load %arg12[%parallel_loop3A_360, %parallel_loop3A_361] {strides = array<i32>} : memref<200x64xf32, #tpu.memory_space<vmem>>, vector<1x16xf32>,
        %parallel_loop3A_363 = vector.shape_cast %parallel_loop3A_362 : vector<1x16xf32> to vector<16xf32>
        %parallel_loop3A_364 = vector.shape_cast %parallel_loop3A_359 : vector<16xf32> to vector<1x16xf32>
        tpu.vector_store %arg12[%parallel_loop3A_360, %parallel_loop3A_361], %parallel_loop3A_364 {add = true, strides = array<i32>} : memref<200x64xf32, #tpu.memory_space<vmem>>, vector<1x16xf32>,
        %parallel_loop3A_365 = arith.index_cast %parallel_loop3A_355 : i32 to index
        %parallel_loop3A_366 = arith.constant 16 : index
        %parallel_loop3A_367 = tpu.vector_load %arg10[%parallel_loop3A_365, %parallel_loop3A_366] {strides = array<i32>} : memref<200x64xf32, #tpu.memory_space<vmem>>, vector<1x16xf32>,
        %parallel_loop3A_368 = vector.shape_cast %parallel_loop3A_367 : vector<1x16xf32> to vector<16xf32>
        %parallel_loop3A_369 = arith.index_cast %parallel_loop3A_355 : i32 to index
        %parallel_loop3A_370 = arith.constant 16 : index
        %parallel_loop3A_371 = tpu.vector_load %arg12[%parallel_loop3A_369, %parallel_loop3A_370] {strides = array<i32>} : memref<200x64xf32, #tpu.memory_space<vmem>>, vector<1x16xf32>,
        %parallel_loop3A_372 = vector.shape_cast %parallel_loop3A_371 : vector<1x16xf32> to vector<16xf32>
        %parallel_loop3A_373 = vector.shape_cast %parallel_loop3A_368 : vector<16xf32> to vector<1x16xf32>
        tpu.vector_store %arg12[%parallel_loop3A_369, %parallel_loop3A_370], %parallel_loop3A_373 {add = true, strides = array<i32>} : memref<200x64xf32, #tpu.memory_space<vmem>>, vector<1x16xf32>,
        %parallel_loop3A_374 = arith.index_cast %parallel_loop3A_355 : i32 to index
        %parallel_loop3A_375 = arith.constant 32 : index
        %parallel_loop3A_376 = tpu.vector_load %arg10[%parallel_loop3A_374, %parallel_loop3A_375] {strides = array<i32>} : memref<200x64xf32, #tpu.memory_space<vmem>>, vector<1x16xf32>,
        %parallel_loop3A_377 = vector.shape_cast %parallel_loop3A_376 : vector<1x16xf32> to vector<16xf32>
        %parallel_loop3A_378 = arith.index_cast %parallel_loop3A_355 : i32 to index
        %parallel_loop3A_379 = arith.constant 32 : index
        %parallel_loop3A_380 = tpu.vector_load %arg12[%parallel_loop3A_378, %parallel_loop3A_379] {strides = array<i32>} : memref<200x64xf32, #tpu.memory_space<vmem>>, vector<1x16xf32>,
        %parallel_loop3A_381 = vector.shape_cast %parallel_loop3A_380 : vector<1x16xf32> to vector<16xf32>
        %parallel_loop3A_382 = vector.shape_cast %parallel_loop3A_377 : vector<16xf32> to vector<1x16xf32>
        tpu.vector_store %arg12[%parallel_loop3A_378, %parallel_loop3A_379], %parallel_loop3A_382 {add = true, strides = array<i32>} : memref<200x64xf32, #tpu.memory_space<vmem>>, vector<1x16xf32>,
        %parallel_loop3A_383 = arith.index_cast %parallel_loop3A_355 : i32 to index
        %parallel_loop3A_384 = arith.constant 48 : index
        %parallel_loop3A_385 = tpu.vector_load %arg10[%parallel_loop3A_383, %parallel_loop3A_384] {strides = array<i32>} : memref<200x64xf32, #tpu.memory_space<vmem>>, vector<1x16xf32>,
        %parallel_loop3A_386 = vector.shape_cast %parallel_loop3A_385 : vector<1x16xf32> to vector<16xf32>
        %parallel_loop3A_387 = arith.index_cast %parallel_loop3A_355 : i32 to index
        %parallel_loop3A_388 = arith.constant 48 : index
        %parallel_loop3A_389 = tpu.vector_load %arg12[%parallel_loop3A_387, %parallel_loop3A_388] {strides = array<i32>} : memref<200x64xf32, #tpu.memory_space<vmem>>, vector<1x16xf32>,
        %parallel_loop3A_390 = vector.shape_cast %parallel_loop3A_389 : vector<1x16xf32> to vector<16xf32>
        %parallel_loop3A_391 = vector.shape_cast %parallel_loop3A_386 : vector<16xf32> to vector<1x16xf32>
        tpu.vector_store %arg12[%parallel_loop3A_387, %parallel_loop3A_388], %parallel_loop3A_391 {add = true, strides = array<i32>} : memref<200x64xf32, #tpu.memory_space<vmem>>, vector<1x16xf32>,
      } {sc.loop_unroll_factor = 8 : i64, sc.parallel_access}
      %add3A_229 = arith.addi %mul3A_2, %add3A_202 : i32
      %dma_start3A_230 = arith.constant 0 : i32
      %dma_start3A_231 = arith.constant 0 : i32
      %dma_start3A_232 = tpu.memref_slice %arg12[%dma_start3A_230, %dma_start3A_231] : memref<200x64xf32, #tpu.memory_space<vmem>> -> memref<200x64xf32, #tpu.memory_space<vmem>>
      %dma_start3A_233 = arith.constant 0 : i32
      %dma_start3A_234 = arith.constant 0 : i32
      %dma_start3A_235 = tpu.memref_slice %arg5[%add3A_229, %dma_start3A_233, %dma_start3A_234] : memref<4096x200x128xf32, #tpu.memory_space<hbm>> -> memref<1x200x64xf32, #tpu.memory_space<hbm>>
      %dma_start3A_236 = tpu.memref_squeeze %dma_start3A_235 : memref<1x200x64xf32, #tpu.memory_space<hbm>> -> memref<200x64xf32, #tpu.memory_space<hbm>>
      %dma_start3A_237 = arith.constant 0 : i32
      %dma_start3A_238 = arith.constant 0 : i32
      %dma_start3A_239 = tpu.memref_slice %arg5[%add3A_229, %dma_start3A_237, %dma_start3A_238] : memref<4096x200x128xf32, #tpu.memory_space<hbm>> -> memref<1x200x64xf32, #tpu.memory_space<hbm>>
      %dma_start3A_240 = tpu.memref_squeeze %dma_start3A_239 : memref<1x200x64xf32, #tpu.memory_space<hbm>> -> memref<200x64xf32, #tpu.memory_space<hbm>>
      %dma_start3A_241 = arith.constant 0 : i32
      %dma_start3A_242 = arith.constant 0 : i32
      %dma_start3A_243 = tpu.memref_slice %arg12[%dma_start3A_241, %dma_start3A_242] : memref<200x64xf32, #tpu.memory_space<vmem>> -> memref<200x64xf32, #tpu.memory_space<vmem>>
      tpu.enqueue_dma source(%dma_start3A_243 : memref<200x64xf32, #tpu.memory_space<vmem>>) target(%dma_start3A_240 : memref<200x64xf32, #tpu.memory_space<hbm>>) target_semaphore(%arg24 : memref<!tpu.dma_semaphore, #tpu.memory_space<semaphore_mem>>)
      %add3A_244 = arith.constant 2 : i32
      %add3A_245 = arith.addi %add3A_202, %add3A_244 : i32
      %lt3A_246 = arith.constant 128 : i32
      %lt3A_247 = arith.cmpi slt, %add3A_245, %lt3A_246 : i32
      %convert_element_type3A_248 = arith.extui %lt3A_247 : i1 to i32
      %cond3A_249 = arith.constant 0 : i32
      %cond3A_250 = arith.cmpi ne, %convert_element_type3A_248, %cond3A_249 : i32
      scf.if %cond3A_250 {
        %ge3A = arith.constant 4 : i32
        %ge3A_355 = arith.cmpi sge, %add3A_245, %ge3A : i32
        %convert_element_type3A_356 = arith.extui %ge3A_355 : i1 to i32
        %cond3A_357 = arith.constant 0 : i32
        %cond3A_358 = arith.cmpi ne, %convert_element_type3A_356, %cond3A_357 : i32
        scf.if %cond3A_358 {
          %sub3A = arith.constant 2 : i32
          %sub3A_382 = arith.subi %add3A_202, %sub3A : i32
          %add3A_383 = arith.addi %mul3A_2, %sub3A_382 : i32
          %dma_wait3A_384 = arith.constant 0 : i32
          %dma_wait3A_385 = arith.constant 0 : i32
          %dma_wait3A_386 = tpu.memref_slice %arg14[%dma_wait3A_384, %dma_wait3A_385] : memref<200x64xf32, #tpu.memory_space<vmem>> -> memref<200x64xf32, #tpu.memory_space<vmem>>
          %dma_wait3A_387 = arith.constant 0 : i32
          %dma_wait3A_388 = arith.constant 0 : i32
          %dma_wait3A_389 = tpu.memref_slice %arg5[%add3A_383, %dma_wait3A_387, %dma_wait3A_388] : memref<4096x200x128xf32, #tpu.memory_space<hbm>> -> memref<1x200x64xf32, #tpu.memory_space<hbm>>
          %dma_wait3A_390 = tpu.memref_squeeze %dma_wait3A_389 : memref<1x200x64xf32, #tpu.memory_space<hbm>> -> memref<200x64xf32, #tpu.memory_space<hbm>>
          %dma_wait3A_391 = arith.constant 0 : i32
          %dma_wait3A_392 = arith.constant 0 : i32
          %dma_wait3A_393 = tpu.memref_slice %arg5[%add3A_383, %dma_wait3A_391, %dma_wait3A_392] : memref<4096x200x128xf32, #tpu.memory_space<hbm>> -> memref<1x200x64xf32, #tpu.memory_space<hbm>>
          %dma_wait3A_394 = tpu.memref_squeeze %dma_wait3A_393 : memref<1x200x64xf32, #tpu.memory_space<hbm>> -> memref<200x64xf32, #tpu.memory_space<hbm>>
          %dma_wait3A_395 = arith.constant 0 : i32
          %dma_wait3A_396 = arith.constant 0 : i32
          %dma_wait3A_397 = tpu.memref_slice %arg14[%dma_wait3A_395, %dma_wait3A_396] : memref<200x64xf32, #tpu.memory_space<vmem>> -> memref<200x64xf32, #tpu.memory_space<vmem>>
          tpu.wait_dma2 semaphore(%arg26 : memref<!tpu.dma_semaphore, #tpu.memory_space<semaphore_mem>>) src(%dma_wait3A_397 : memref<200x64xf32, #tpu.memory_space<vmem>>) dst(%dma_wait3A_394 : memref<200x64xf32, #tpu.memory_space<hbm>>)
        } else {
        }
        %add3A_359 = arith.addi %mul3A_2, %add3A_245 : i32
        %dma_wait3A_360 = arith.constant 0 : i32
        %dma_wait3A_361 = tpu.memref_slice %arg2[%add3A_359, %dma_wait3A_360] : memref<4096x200xi32, #tpu.memory_space<hbm>> -> memref<1x200xi32, #tpu.memory_space<hbm>>
        %dma_wait3A_362 = tpu.memref_squeeze %dma_wait3A_361 : memref<1x200xi32, #tpu.memory_space<hbm>> -> memref<200xi32, #tpu.memory_space<hbm>>
        %dma_wait3A_363 = arith.constant 0 : i32
        %dma_wait3A_364 = tpu.memref_slice %arg2[%add3A_359, %dma_wait3A_363] : memref<4096x200xi32, #tpu.memory_space<hbm>> -> memref<1x200xi32, #tpu.memory_space<hbm>>
        %dma_wait3A_365 = tpu.memref_squeeze %dma_wait3A_364 : memref<1x200xi32, #tpu.memory_space<hbm>> -> memref<200xi32, #tpu.memory_space<hbm>>
        tpu.wait_dma2 semaphore(%arg18 : memref<!tpu.dma_semaphore, #tpu.memory_space<semaphore_mem>>) src(%dma_wait3A_365 : memref<200xi32, #tpu.memory_space<hbm>>) dst(%arg9 : memref<200xi32, #tpu.memory_space<vmem>>)
        %dma_start3A_366 = arith.constant 0 : i32
        %dma_start3A_367 = arith.constant 0 : i32
        %dma_start3A_368 = tpu.memref_slice %arg14[%dma_start3A_366, %dma_start3A_367] : memref<200x64xf32, #tpu.memory_space<vmem>> -> memref<128x64xf32, #tpu.memory_space<vmem>>
        %dma_start3A_369 = arith.constant 0 : i32
        %dma_start3A_370 = tpu.memref_slice %arg9[%dma_start3A_369] : memref<200xi32, #tpu.memory_space<vmem>> -> memref<128xi32, #tpu.memory_space<vmem>>
        %dma_start3A_371 = arith.constant 0 : i32
        %dma_start3A_372 = arith.constant 0 : i32
        %dma_start3A_373 = tpu.memref_slice %arg3[%dma_start3A_371, %dma_start3A_372] : memref<1000000x64xf32, #tpu.memory_space<hbm>> -> memref<1000000x64xf32, #tpu.memory_space<hbm>>
        tpu.enqueue_indirect_dma source(%dma_start3A_373 : memref<1000000x64xf32, #tpu.memory_space<hbm>>) target(%dma_start3A_368 : memref<128x64xf32, #tpu.memory_space<vmem>>) offsets(%dma_start3A_370 : memref<128xi32, #tpu.memory_space<vmem>>) semaphore(%arg22 : memref<!tpu.dma_semaphore, #tpu.memory_space<semaphore_mem>>)
        %dma_start3A_374 = arith.constant 128 : i32
        %dma_start3A_375 = arith.constant 0 : i32
        %dma_start3A_376 = tpu.memref_slice %arg14[%dma_start3A_374, %dma_start3A_375] : memref<200x64xf32, #tpu.memory_space<vmem>> -> memref<72x64xf32, #tpu.memory_space<vmem>>
        %dma_start3A_377 = arith.constant 128 : i32
        %dma_start3A_378 = tpu.memref_slice %arg9[%dma_start3A_377] : memref<200xi32, #tpu.memory_space<vmem>> -> memref<72xi32, #tpu.memory_space<vmem>>
        %dma_start3A_379 = arith.constant 0 : i32
        %dma_start3A_380 = arith.constant 0 : i32
        %dma_start3A_381 = tpu.memref_slice %arg3[%dma_start3A_379, %dma_start3A_380] : memref<1000000x64xf32, #tpu.memory_space<hbm>> -> memref<1000000x64xf32, #tpu.memory_space<hbm>>
        tpu.enqueue_indirect_dma source(%dma_start3A_381 : memref<1000000x64xf32, #tpu.memory_space<hbm>>) target(%dma_start3A_376 : memref<72x64xf32, #tpu.memory_space<vmem>>) offsets(%dma_start3A_378 : memref<72xi32, #tpu.memory_space<vmem>>) semaphore(%arg22 : memref<!tpu.dma_semaphore, #tpu.memory_space<semaphore_mem>>)
      } else {
      }
      %mul3A_251 = arith.constant 4 : i32
      %mul3A_252 = arith.muli %mul3A_251, %scan3A_150 : i32
      %add3A_253 = arith.constant 2 : i32
      %add3A_254 = arith.addi %mul3A_252, %add3A_253 : i32
      %dma_wait3A_255 = arith.constant 0 : i32
      %dma_wait3A_256 = arith.constant 0 : i32
      %dma_wait3A_257 = tpu.memref_slice %arg13[%dma_wait3A_255, %dma_wait3A_256] : memref<200x64xf32, #tpu.memory_space<vmem>> -> memref<128x64xf32, #tpu.memory_space<vmem>>
      %dma_wait3A_258 = arith.constant 0 : i32
      %dma_wait3A_259 = tpu.memref_slice %arg8[%dma_wait3A_258] : memref<200xi32, #tpu.memory_space<vmem>> -> memref<128xi32, #tpu.memory_space<vmem>>
      %dma_wait3A_260 = arith.constant 0 : i32
      %dma_wait3A_261 = arith.constant 0 : i32
      %dma_wait3A_262 = tpu.memref_slice %arg3[%dma_wait3A_260, %dma_wait3A_261] : memref<1000000x64xf32, #tpu.memory_space<hbm>> -> memref<1000000x64xf32, #tpu.memory_space<hbm>>
      tpu.wait_indirect_dma semaphore(%arg21 : memref<!tpu.dma_semaphore, #tpu.memory_space<semaphore_mem>>) src(%dma_wait3A_262 : memref<1000000x64xf32, #tpu.memory_space<hbm>>) dst(%dma_wait3A_257 : memref<128x64xf32, #tpu.memory_space<vmem>>)
      %dma_wait3A_263 = arith.constant 128 : i32
      %dma_wait3A_264 = arith.constant 0 : i32
      %dma_wait3A_265 = tpu.memref_slice %arg13[%dma_wait3A_263, %dma_wait3A_264] : memref<200x64xf32, #tpu.memory_space<vmem>> -> memref<72x64xf32, #tpu.memory_space<vmem>>
      %dma_wait3A_266 = arith.constant 128 : i32
      %dma_wait3A_267 = tpu.memref_slice %arg8[%dma_wait3A_266] : memref<200xi32, #tpu.memory_space<vmem>> -> memref<72xi32, #tpu.memory_space<vmem>>
      %dma_wait3A_268 = arith.constant 0 : i32
      %dma_wait3A_269 = arith.constant 0 : i32
      %dma_wait3A_270 = tpu.memref_slice %arg3[%dma_wait3A_268, %dma_wait3A_269] : memref<1000000x64xf32, #tpu.memory_space<hbm>> -> memref<1000000x64xf32, #tpu.memory_space<hbm>>
      tpu.wait_indirect_dma semaphore(%arg21 : memref<!tpu.dma_semaphore, #tpu.memory_space<semaphore_mem>>) src(%dma_wait3A_270 : memref<1000000x64xf32, #tpu.memory_space<hbm>>) dst(%dma_wait3A_265 : memref<72x64xf32, #tpu.memory_space<vmem>>)
      %add3A_271 = arith.constant 4 : i32
      %add3A_272 = arith.addi %add3A_254, %add3A_271 : i32
      %lt3A_273 = arith.constant 128 : i32
      %lt3A_274 = arith.cmpi slt, %add3A_272, %lt3A_273 : i32
      %convert_element_type3A_275 = arith.extui %lt3A_274 : i1 to i32
      %cond3A_276 = arith.constant 0 : i32
      %cond3A_277 = arith.cmpi ne, %convert_element_type3A_275, %cond3A_276 : i32
      scf.if %cond3A_277 {
        %add3A_355 = arith.constant 4 : i32
        %add3A_356 = arith.addi %add3A_254, %add3A_355 : i32
        %add3A_357 = arith.addi %mul3A_2, %add3A_356 : i32
        %dma_start3A_358 = arith.constant 0 : i32
        %dma_start3A_359 = tpu.memref_slice %arg2[%add3A_357, %dma_start3A_358] : memref<4096x200xi32, #tpu.memory_space<hbm>> -> memref<1x200xi32, #tpu.memory_space<hbm>>
        %dma_start3A_360 = tpu.memref_squeeze %dma_start3A_359 : memref<1x200xi32, #tpu.memory_space<hbm>> -> memref<200xi32, #tpu.memory_space<hbm>>
        %dma_start3A_361 = arith.constant 0 : i32
        %dma_start3A_362 = tpu.memref_slice %arg2[%add3A_357, %dma_start3A_361] : memref<4096x200xi32, #tpu.memory_space<hbm>> -> memref<1x200xi32, #tpu.memory_space<hbm>>
        %dma_start3A_363 = tpu.memref_squeeze %dma_start3A_362 : memref<1x200xi32, #tpu.memory_space<hbm>> -> memref<200xi32, #tpu.memory_space<hbm>>
        tpu.enqueue_dma source(%dma_start3A_363 : memref<200xi32, #tpu.memory_space<hbm>>) target(%arg8 : memref<200xi32, #tpu.memory_space<vmem>>) target_semaphore(%arg17 : memref<!tpu.dma_semaphore, #tpu.memory_space<semaphore_mem>>)
      } else {
      }
      %parallel_loop3A_278 = arith.constant 0 : i32
      %parallel_loop3A_279 = arith.constant 200 : i32
      %parallel_loop3A_280 = arith.constant 1 : i32
      scf.for %parallel_loop3A_355 = %parallel_loop3A_278 to %parallel_loop3A_279 step %parallel_loop3A_280  : i32 {
        %parallel_loop3A_356 = arith.index_cast %parallel_loop3A_355 : i32 to index
        %parallel_loop3A_357 = arith.constant 0 : index
        %parallel_loop3A_358 = tpu.vector_load %arg10[%parallel_loop3A_356, %parallel_loop3A_357] {strides = array<i32>} : memref<200x64xf32, #tpu.memory_space<vmem>>, vector<1x16xf32>,
        %parallel_loop3A_359 = vector.shape_cast %parallel_loop3A_358 : vector<1x16xf32> to vector<16xf32>
        %parallel_loop3A_360 = arith.index_cast %parallel_loop3A_355 : i32 to index
        %parallel_loop3A_361 = arith.constant 0 : index
        %parallel_loop3A_362 = tpu.vector_load %arg13[%parallel_loop3A_360, %parallel_loop3A_361] {strides = array<i32>} : memref<200x64xf32, #tpu.memory_space<vmem>>, vector<1x16xf32>,
        %parallel_loop3A_363 = vector.shape_cast %parallel_loop3A_362 : vector<1x16xf32> to vector<16xf32>
        %parallel_loop3A_364 = vector.shape_cast %parallel_loop3A_359 : vector<16xf32> to vector<1x16xf32>
        tpu.vector_store %arg13[%parallel_loop3A_360, %parallel_loop3A_361], %parallel_loop3A_364 {add = true, strides = array<i32>} : memref<200x64xf32, #tpu.memory_space<vmem>>, vector<1x16xf32>,
        %parallel_loop3A_365 = arith.index_cast %parallel_loop3A_355 : i32 to index
        %parallel_loop3A_366 = arith.constant 16 : index
        %parallel_loop3A_367 = tpu.vector_load %arg10[%parallel_loop3A_365, %parallel_loop3A_366] {strides = array<i32>} : memref<200x64xf32, #tpu.memory_space<vmem>>, vector<1x16xf32>,
        %parallel_loop3A_368 = vector.shape_cast %parallel_loop3A_367 : vector<1x16xf32> to vector<16xf32>
        %parallel_loop3A_369 = arith.index_cast %parallel_loop3A_355 : i32 to index
        %parallel_loop3A_370 = arith.constant 16 : index
        %parallel_loop3A_371 = tpu.vector_load %arg13[%parallel_loop3A_369, %parallel_loop3A_370] {strides = array<i32>} : memref<200x64xf32, #tpu.memory_space<vmem>>, vector<1x16xf32>,
        %parallel_loop3A_372 = vector.shape_cast %parallel_loop3A_371 : vector<1x16xf32> to vector<16xf32>
        %parallel_loop3A_373 = vector.shape_cast %parallel_loop3A_368 : vector<16xf32> to vector<1x16xf32>
        tpu.vector_store %arg13[%parallel_loop3A_369, %parallel_loop3A_370], %parallel_loop3A_373 {add = true, strides = array<i32>} : memref<200x64xf32, #tpu.memory_space<vmem>>, vector<1x16xf32>,
        %parallel_loop3A_374 = arith.index_cast %parallel_loop3A_355 : i32 to index
        %parallel_loop3A_375 = arith.constant 32 : index
        %parallel_loop3A_376 = tpu.vector_load %arg10[%parallel_loop3A_374, %parallel_loop3A_375] {strides = array<i32>} : memref<200x64xf32, #tpu.memory_space<vmem>>, vector<1x16xf32>,
        %parallel_loop3A_377 = vector.shape_cast %parallel_loop3A_376 : vector<1x16xf32> to vector<16xf32>
        %parallel_loop3A_378 = arith.index_cast %parallel_loop3A_355 : i32 to index
        %parallel_loop3A_379 = arith.constant 32 : index
        %parallel_loop3A_380 = tpu.vector_load %arg13[%parallel_loop3A_378, %parallel_loop3A_379] {strides = array<i32>} : memref<200x64xf32, #tpu.memory_space<vmem>>, vector<1x16xf32>,
        %parallel_loop3A_381 = vector.shape_cast %parallel_loop3A_380 : vector<1x16xf32> to vector<16xf32>
        %parallel_loop3A_382 = vector.shape_cast %parallel_loop3A_377 : vector<16xf32> to vector<1x16xf32>
        tpu.vector_store %arg13[%parallel_loop3A_378, %parallel_loop3A_379], %parallel_loop3A_382 {add = true, strides = array<i32>} : memref<200x64xf32, #tpu.memory_space<vmem>>, vector<1x16xf32>,
        %parallel_loop3A_383 = arith.index_cast %parallel_loop3A_355 : i32 to index
        %parallel_loop3A_384 = arith.constant 48 : index
        %parallel_loop3A_385 = tpu.vector_load %arg10[%parallel_loop3A_383, %parallel_loop3A_384] {strides = array<i32>} : memref<200x64xf32, #tpu.memory_space<vmem>>, vector<1x16xf32>,
        %parallel_loop3A_386 = vector.shape_cast %parallel_loop3A_385 : vector<1x16xf32> to vector<16xf32>
        %parallel_loop3A_387 = arith.index_cast %parallel_loop3A_355 : i32 to index
        %parallel_loop3A_388 = arith.constant 48 : index
        %parallel_loop3A_389 = tpu.vector_load %arg13[%parallel_loop3A_387, %parallel_loop3A_388] {strides = array<i32>} : memref<200x64xf32, #tpu.memory_space<vmem>>, vector<1x16xf32>,
        %parallel_loop3A_390 = vector.shape_cast %parallel_loop3A_389 : vector<1x16xf32> to vector<16xf32>
        %parallel_loop3A_391 = vector.shape_cast %parallel_loop3A_386 : vector<16xf32> to vector<1x16xf32>
        tpu.vector_store %arg13[%parallel_loop3A_387, %parallel_loop3A_388], %parallel_loop3A_391 {add = true, strides = array<i32>} : memref<200x64xf32, #tpu.memory_space<vmem>>, vector<1x16xf32>,
      } {sc.loop_unroll_factor = 8 : i64, sc.parallel_access}
      %add3A_281 = arith.addi %mul3A_2, %add3A_254 : i32
      %dma_start3A_282 = arith.constant 0 : i32
      %dma_start3A_283 = arith.constant 0 : i32
      %dma_start3A_284 = tpu.memref_slice %arg13[%dma_start3A_282, %dma_start3A_283] : memref<200x64xf32, #tpu.memory_space<vmem>> -> memref<200x64xf32, #tpu.memory_space<vmem>>
      %dma_start3A_285 = arith.constant 0 : i32
      %dma_start3A_286 = arith.constant 0 : i32
      %dma_start3A_287 = tpu.memref_slice %arg5[%add3A_281, %dma_start3A_285, %dma_start3A_286] : memref<4096x200x128xf32, #tpu.memory_space<hbm>> -> memref<1x200x64xf32, #tpu.memory_space<hbm>>
      %dma_start3A_288 = tpu.memref_squeeze %dma_start3A_287 : memref<1x200x64xf32, #tpu.memory_space<hbm>> -> memref<200x64xf32, #tpu.memory_space<hbm>>
      %dma_start3A_289 = arith.constant 0 : i32
      %dma_start3A_290 = arith.constant 0 : i32
      %dma_start3A_291 = tpu.memref_slice %arg5[%add3A_281, %dma_start3A_289, %dma_start3A_290] : memref<4096x200x128xf32, #tpu.memory_space<hbm>> -> memref<1x200x64xf32, #tpu.memory_space<hbm>>
      %dma_start3A_292 = tpu.memref_squeeze %dma_start3A_291 : memref<1x200x64xf32, #tpu.memory_space<hbm>> -> memref<200x64xf32, #tpu.memory_space<hbm>>
      %dma_start3A_293 = arith.constant 0 : i32
      %dma_start3A_294 = arith.constant 0 : i32
      %dma_start3A_295 = tpu.memref_slice %arg13[%dma_start3A_293, %dma_start3A_294] : memref<200x64xf32, #tpu.memory_space<vmem>> -> memref<200x64xf32, #tpu.memory_space<vmem>>
      tpu.enqueue_dma source(%dma_start3A_295 : memref<200x64xf32, #tpu.memory_space<vmem>>) target(%dma_start3A_292 : memref<200x64xf32, #tpu.memory_space<hbm>>) target_semaphore(%arg25 : memref<!tpu.dma_semaphore, #tpu.memory_space<semaphore_mem>>)
      %add3A_296 = arith.constant 2 : i32
      %add3A_297 = arith.addi %add3A_254, %add3A_296 : i32
      %lt3A_298 = arith.constant 128 : i32
      %lt3A_299 = arith.cmpi slt, %add3A_297, %lt3A_298 : i32
      %convert_element_type3A_300 = arith.extui %lt3A_299 : i1 to i32
      %cond3A_301 = arith.constant 0 : i32
      %cond3A_302 = arith.cmpi ne, %convert_element_type3A_300, %cond3A_301 : i32
      scf.if %cond3A_302 {
        %ge3A = arith.constant 4 : i32
        %ge3A_355 = arith.cmpi sge, %add3A_297, %ge3A : i32
        %convert_element_type3A_356 = arith.extui %ge3A_355 : i1 to i32
        %cond3A_357 = arith.constant 0 : i32
        %cond3A_358 = arith.cmpi ne, %convert_element_type3A_356, %cond3A_357 : i32
        scf.if %cond3A_358 {
          %sub3A = arith.constant 2 : i32
          %sub3A_382 = arith.subi %add3A_254, %sub3A : i32
          %add3A_383 = arith.addi %mul3A_2, %sub3A_382 : i32
          %dma_wait3A_384 = arith.constant 0 : i32
          %dma_wait3A_385 = arith.constant 0 : i32
          %dma_wait3A_386 = tpu.memref_slice %arg11[%dma_wait3A_384, %dma_wait3A_385] : memref<200x64xf32, #tpu.memory_space<vmem>> -> memref<200x64xf32, #tpu.memory_space<vmem>>
          %dma_wait3A_387 = arith.constant 0 : i32
          %dma_wait3A_388 = arith.constant 0 : i32
          %dma_wait3A_389 = tpu.memref_slice %arg5[%add3A_383, %dma_wait3A_387, %dma_wait3A_388] : memref<4096x200x128xf32, #tpu.memory_space<hbm>> -> memref<1x200x64xf32, #tpu.memory_space<hbm>>
          %dma_wait3A_390 = tpu.memref_squeeze %dma_wait3A_389 : memref<1x200x64xf32, #tpu.memory_space<hbm>> -> memref<200x64xf32, #tpu.memory_space<hbm>>
          %dma_wait3A_391 = arith.constant 0 : i32
          %dma_wait3A_392 = arith.constant 0 : i32
          %dma_wait3A_393 = tpu.memref_slice %arg5[%add3A_383, %dma_wait3A_391, %dma_wait3A_392] : memref<4096x200x128xf32, #tpu.memory_space<hbm>> -> memref<1x200x64xf32, #tpu.memory_space<hbm>>
          %dma_wait3A_394 = tpu.memref_squeeze %dma_wait3A_393 : memref<1x200x64xf32, #tpu.memory_space<hbm>> -> memref<200x64xf32, #tpu.memory_space<hbm>>
          %dma_wait3A_395 = arith.constant 0 : i32
          %dma_wait3A_396 = arith.constant 0 : i32
          %dma_wait3A_397 = tpu.memref_slice %arg11[%dma_wait3A_395, %dma_wait3A_396] : memref<200x64xf32, #tpu.memory_space<vmem>> -> memref<200x64xf32, #tpu.memory_space<vmem>>
          tpu.wait_dma2 semaphore(%arg23 : memref<!tpu.dma_semaphore, #tpu.memory_space<semaphore_mem>>) src(%dma_wait3A_397 : memref<200x64xf32, #tpu.memory_space<vmem>>) dst(%dma_wait3A_394 : memref<200x64xf32, #tpu.memory_space<hbm>>)
        } else {
        }
        %add3A_359 = arith.addi %mul3A_2, %add3A_297 : i32
        %dma_wait3A_360 = arith.constant 0 : i32
        %dma_wait3A_361 = tpu.memref_slice %arg2[%add3A_359, %dma_wait3A_360] : memref<4096x200xi32, #tpu.memory_space<hbm>> -> memref<1x200xi32, #tpu.memory_space<hbm>>
        %dma_wait3A_362 = tpu.memref_squeeze %dma_wait3A_361 : memref<1x200xi32, #tpu.memory_space<hbm>> -> memref<200xi32, #tpu.memory_space<hbm>>
        %dma_wait3A_363 = arith.constant 0 : i32
        %dma_wait3A_364 = tpu.memref_slice %arg2[%add3A_359, %dma_wait3A_363] : memref<4096x200xi32, #tpu.memory_space<hbm>> -> memref<1x200xi32, #tpu.memory_space<hbm>>
        %dma_wait3A_365 = tpu.memref_squeeze %dma_wait3A_364 : memref<1x200xi32, #tpu.memory_space<hbm>> -> memref<200xi32, #tpu.memory_space<hbm>>
        tpu.wait_dma2 semaphore(%arg15 : memref<!tpu.dma_semaphore, #tpu.memory_space<semaphore_mem>>) src(%dma_wait3A_365 : memref<200xi32, #tpu.memory_space<hbm>>) dst(%arg6 : memref<200xi32, #tpu.memory_space<vmem>>)
        %dma_start3A_366 = arith.constant 0 : i32
        %dma_start3A_367 = arith.constant 0 : i32
        %dma_start3A_368 = tpu.memref_slice %arg11[%dma_start3A_366, %dma_start3A_367] : memref<200x64xf32, #tpu.memory_space<vmem>> -> memref<128x64xf32, #tpu.memory_space<vmem>>
        %dma_start3A_369 = arith.constant 0 : i32
        %dma_start3A_370 = tpu.memref_slice %arg6[%dma_start3A_369] : memref<200xi32, #tpu.memory_space<vmem>> -> memref<128xi32, #tpu.memory_space<vmem>>
        %dma_start3A_371 = arith.constant 0 : i32
        %dma_start3A_372 = arith.constant 0 : i32
        %dma_start3A_373 = tpu.memref_slice %arg3[%dma_start3A_371, %dma_start3A_372] : memref<1000000x64xf32, #tpu.memory_space<hbm>> -> memref<1000000x64xf32, #tpu.memory_space<hbm>>
        tpu.enqueue_indirect_dma source(%dma_start3A_373 : memref<1000000x64xf32, #tpu.memory_space<hbm>>) target(%dma_start3A_368 : memref<128x64xf32, #tpu.memory_space<vmem>>) offsets(%dma_start3A_370 : memref<128xi32, #tpu.memory_space<vmem>>) semaphore(%arg19 : memref<!tpu.dma_semaphore, #tpu.memory_space<semaphore_mem>>)
        %dma_start3A_374 = arith.constant 128 : i32
        %dma_start3A_375 = arith.constant 0 : i32
        %dma_start3A_376 = tpu.memref_slice %arg11[%dma_start3A_374, %dma_start3A_375] : memref<200x64xf32, #tpu.memory_space<vmem>> -> memref<72x64xf32, #tpu.memory_space<vmem>>
        %dma_start3A_377 = arith.constant 128 : i32
        %dma_start3A_378 = tpu.memref_slice %arg6[%dma_start3A_377] : memref<200xi32, #tpu.memory_space<vmem>> -> memref<72xi32, #tpu.memory_space<vmem>>
        %dma_start3A_379 = arith.constant 0 : i32
        %dma_start3A_380 = arith.constant 0 : i32
        %dma_start3A_381 = tpu.memref_slice %arg3[%dma_start3A_379, %dma_start3A_380] : memref<1000000x64xf32, #tpu.memory_space<hbm>> -> memref<1000000x64xf32, #tpu.memory_space<hbm>>
        tpu.enqueue_indirect_dma source(%dma_start3A_381 : memref<1000000x64xf32, #tpu.memory_space<hbm>>) target(%dma_start3A_376 : memref<72x64xf32, #tpu.memory_space<vmem>>) offsets(%dma_start3A_378 : memref<72xi32, #tpu.memory_space<vmem>>) semaphore(%arg19 : memref<!tpu.dma_semaphore, #tpu.memory_space<semaphore_mem>>)
      } else {
      }
      %mul3A_303 = arith.constant 4 : i32
      %mul3A_304 = arith.muli %mul3A_303, %scan3A_150 : i32
      %add3A_305 = arith.constant 3 : i32
      %add3A_306 = arith.addi %mul3A_304, %add3A_305 : i32
      %dma_wait3A_307 = arith.constant 0 : i32
      %dma_wait3A_308 = arith.constant 0 : i32
      %dma_wait3A_309 = tpu.memref_slice %arg14[%dma_wait3A_307, %dma_wait3A_308] : memref<200x64xf32, #tpu.memory_space<vmem>> -> memref<128x64xf32, #tpu.memory_space<vmem>>
      %dma_wait3A_310 = arith.constant 0 : i32
      %dma_wait3A_311 = tpu.memref_slice %arg9[%dma_wait3A_310] : memref<200xi32, #tpu.memory_space<vmem>> -> memref<128xi32, #tpu.memory_space<vmem>>
      %dma_wait3A_312 = arith.constant 0 : i32
      %dma_wait3A_313 = arith.constant 0 : i32
      %dma_wait3A_314 = tpu.memref_slice %arg3[%dma_wait3A_312, %dma_wait3A_313] : memref<1000000x64xf32, #tpu.memory_space<hbm>> -> memref<1000000x64xf32, #tpu.memory_space<hbm>>
      tpu.wait_indirect_dma semaphore(%arg22 : memref<!tpu.dma_semaphore, #tpu.memory_space<semaphore_mem>>) src(%dma_wait3A_314 : memref<1000000x64xf32, #tpu.memory_space<hbm>>) dst(%dma_wait3A_309 : memref<128x64xf32, #tpu.memory_space<vmem>>)
      %dma_wait3A_315 = arith.constant 128 : i32
      %dma_wait3A_316 = arith.constant 0 : i32
      %dma_wait3A_317 = tpu.memref_slice %arg14[%dma_wait3A_315, %dma_wait3A_316] : memref<200x64xf32, #tpu.memory_space<vmem>> -> memref<72x64xf32, #tpu.memory_space<vmem>>
      %dma_wait3A_318 = arith.constant 128 : i32
      %dma_wait3A_319 = tpu.memref_slice %arg9[%dma_wait3A_318] : memref<200xi32, #tpu.memory_space<vmem>> -> memref<72xi32, #tpu.memory_space<vmem>>
      %dma_wait3A_320 = arith.constant 0 : i32
      %dma_wait3A_321 = arith.constant 0 : i32
      %dma_wait3A_322 = tpu.memref_slice %arg3[%dma_wait3A_320, %dma_wait3A_321] : memref<1000000x64xf32, #tpu.memory_space<hbm>> -> memref<1000000x64xf32, #tpu.memory_space<hbm>>
      tpu.wait_indirect_dma semaphore(%arg22 : memref<!tpu.dma_semaphore, #tpu.memory_space<semaphore_mem>>) src(%dma_wait3A_322 : memref<1000000x64xf32, #tpu.memory_space<hbm>>) dst(%dma_wait3A_317 : memref<72x64xf32, #tpu.memory_space<vmem>>)
      %add3A_323 = arith.constant 4 : i32
      %add3A_324 = arith.addi %add3A_306, %add3A_323 : i32
      %lt3A_325 = arith.constant 128 : i32
      %lt3A_326 = arith.cmpi slt, %add3A_324, %lt3A_325 : i32
      %convert_element_type3A_327 = arith.extui %lt3A_326 : i1 to i32
      %cond3A_328 = arith.constant 0 : i32
      %cond3A_329 = arith.cmpi ne, %convert_element_type3A_327, %cond3A_328 : i32
      scf.if %cond3A_329 {
        %add3A_355 = arith.constant 4 : i32
        %add3A_356 = arith.addi %add3A_306, %add3A_355 : i32
        %add3A_357 = arith.addi %mul3A_2, %add3A_356 : i32
        %dma_start3A_358 = arith.constant 0 : i32
        %dma_start3A_359 = tpu.memref_slice %arg2[%add3A_357, %dma_start3A_358] : memref<4096x200xi32, #tpu.memory_space<hbm>> -> memref<1x200xi32, #tpu.memory_space<hbm>>
        %dma_start3A_360 = tpu.memref_squeeze %dma_start3A_359 : memref<1x200xi32, #tpu.memory_space<hbm>> -> memref<200xi32, #tpu.memory_space<hbm>>
        %dma_start3A_361 = arith.constant 0 : i32
        %dma_start3A_362 = tpu.memref_slice %arg2[%add3A_357, %dma_start3A_361] : memref<4096x200xi32, #tpu.memory_space<hbm>> -> memref<1x200xi32, #tpu.memory_space<hbm>>
        %dma_start3A_363 = tpu.memref_squeeze %dma_start3A_362 : memref<1x200xi32, #tpu.memory_space<hbm>> -> memref<200xi32, #tpu.memory_space<hbm>>
        tpu.enqueue_dma source(%dma_start3A_363 : memref<200xi32, #tpu.memory_space<hbm>>) target(%arg9 : memref<200xi32, #tpu.memory_space<vmem>>) target_semaphore(%arg18 : memref<!tpu.dma_semaphore, #tpu.memory_space<semaphore_mem>>)
      } else {
      }
      %parallel_loop3A_330 = arith.constant 0 : i32
      %parallel_loop3A_331 = arith.constant 200 : i32
      %parallel_loop3A_332 = arith.constant 1 : i32
      scf.for %parallel_loop3A_355 = %parallel_loop3A_330 to %parallel_loop3A_331 step %parallel_loop3A_332  : i32 {
        %parallel_loop3A_356 = arith.index_cast %parallel_loop3A_355 : i32 to index
        %parallel_loop3A_357 = arith.constant 0 : index
        %parallel_loop3A_358 = tpu.vector_load %arg10[%parallel_loop3A_356, %parallel_loop3A_357] {strides = array<i32>} : memref<200x64xf32, #tpu.memory_space<vmem>>, vector<1x16xf32>,
        %parallel_loop3A_359 = vector.shape_cast %parallel_loop3A_358 : vector<1x16xf32> to vector<16xf32>
        %parallel_loop3A_360 = arith.index_cast %parallel_loop3A_355 : i32 to index
        %parallel_loop3A_361 = arith.constant 0 : index
        %parallel_loop3A_362 = tpu.vector_load %arg14[%parallel_loop3A_360, %parallel_loop3A_361] {strides = array<i32>} : memref<200x64xf32, #tpu.memory_space<vmem>>, vector<1x16xf32>,
        %parallel_loop3A_363 = vector.shape_cast %parallel_loop3A_362 : vector<1x16xf32> to vector<16xf32>
        %parallel_loop3A_364 = vector.shape_cast %parallel_loop3A_359 : vector<16xf32> to vector<1x16xf32>
        tpu.vector_store %arg14[%parallel_loop3A_360, %parallel_loop3A_361], %parallel_loop3A_364 {add = true, strides = array<i32>} : memref<200x64xf32, #tpu.memory_space<vmem>>, vector<1x16xf32>,
        %parallel_loop3A_365 = arith.index_cast %parallel_loop3A_355 : i32 to index
        %parallel_loop3A_366 = arith.constant 16 : index
        %parallel_loop3A_367 = tpu.vector_load %arg10[%parallel_loop3A_365, %parallel_loop3A_366] {strides = array<i32>} : memref<200x64xf32, #tpu.memory_space<vmem>>, vector<1x16xf32>,
        %parallel_loop3A_368 = vector.shape_cast %parallel_loop3A_367 : vector<1x16xf32> to vector<16xf32>
        %parallel_loop3A_369 = arith.index_cast %parallel_loop3A_355 : i32 to index
        %parallel_loop3A_370 = arith.constant 16 : index
        %parallel_loop3A_371 = tpu.vector_load %arg14[%parallel_loop3A_369, %parallel_loop3A_370] {strides = array<i32>} : memref<200x64xf32, #tpu.memory_space<vmem>>, vector<1x16xf32>,
        %parallel_loop3A_372 = vector.shape_cast %parallel_loop3A_371 : vector<1x16xf32> to vector<16xf32>
        %parallel_loop3A_373 = vector.shape_cast %parallel_loop3A_368 : vector<16xf32> to vector<1x16xf32>
        tpu.vector_store %arg14[%parallel_loop3A_369, %parallel_loop3A_370], %parallel_loop3A_373 {add = true, strides = array<i32>} : memref<200x64xf32, #tpu.memory_space<vmem>>, vector<1x16xf32>,
        %parallel_loop3A_374 = arith.index_cast %parallel_loop3A_355 : i32 to index
        %parallel_loop3A_375 = arith.constant 32 : index
        %parallel_loop3A_376 = tpu.vector_load %arg10[%parallel_loop3A_374, %parallel_loop3A_375] {strides = array<i32>} : memref<200x64xf32, #tpu.memory_space<vmem>>, vector<1x16xf32>,
        %parallel_loop3A_377 = vector.shape_cast %parallel_loop3A_376 : vector<1x16xf32> to vector<16xf32>
        %parallel_loop3A_378 = arith.index_cast %parallel_loop3A_355 : i32 to index
        %parallel_loop3A_379 = arith.constant 32 : index
        %parallel_loop3A_380 = tpu.vector_load %arg14[%parallel_loop3A_378, %parallel_loop3A_379] {strides = array<i32>} : memref<200x64xf32, #tpu.memory_space<vmem>>, vector<1x16xf32>,
        %parallel_loop3A_381 = vector.shape_cast %parallel_loop3A_380 : vector<1x16xf32> to vector<16xf32>
        %parallel_loop3A_382 = vector.shape_cast %parallel_loop3A_377 : vector<16xf32> to vector<1x16xf32>
        tpu.vector_store %arg14[%parallel_loop3A_378, %parallel_loop3A_379], %parallel_loop3A_382 {add = true, strides = array<i32>} : memref<200x64xf32, #tpu.memory_space<vmem>>, vector<1x16xf32>,
        %parallel_loop3A_383 = arith.index_cast %parallel_loop3A_355 : i32 to index
        %parallel_loop3A_384 = arith.constant 48 : index
        %parallel_loop3A_385 = tpu.vector_load %arg10[%parallel_loop3A_383, %parallel_loop3A_384] {strides = array<i32>} : memref<200x64xf32, #tpu.memory_space<vmem>>, vector<1x16xf32>,
        %parallel_loop3A_386 = vector.shape_cast %parallel_loop3A_385 : vector<1x16xf32> to vector<16xf32>
        %parallel_loop3A_387 = arith.index_cast %parallel_loop3A_355 : i32 to index
        %parallel_loop3A_388 = arith.constant 48 : index
        %parallel_loop3A_389 = tpu.vector_load %arg14[%parallel_loop3A_387, %parallel_loop3A_388] {strides = array<i32>} : memref<200x64xf32, #tpu.memory_space<vmem>>, vector<1x16xf32>,
        %parallel_loop3A_390 = vector.shape_cast %parallel_loop3A_389 : vector<1x16xf32> to vector<16xf32>
        %parallel_loop3A_391 = vector.shape_cast %parallel_loop3A_386 : vector<16xf32> to vector<1x16xf32>
        tpu.vector_store %arg14[%parallel_loop3A_387, %parallel_loop3A_388], %parallel_loop3A_391 {add = true, strides = array<i32>} : memref<200x64xf32, #tpu.memory_space<vmem>>, vector<1x16xf32>,
      } {sc.loop_unroll_factor = 8 : i64, sc.parallel_access}
      %add3A_333 = arith.addi %mul3A_2, %add3A_306 : i32
      %dma_start3A_334 = arith.constant 0 : i32
      %dma_start3A_335 = arith.constant 0 : i32
      %dma_start3A_336 = tpu.memref_slice %arg14[%dma_start3A_334, %dma_start3A_335] : memref<200x64xf32, #tpu.memory_space<vmem>> -> memref<200x64xf32, #tpu.memory_space<vmem>>
      %dma_start3A_337 = arith.constant 0 : i32
      %dma_start3A_338 = arith.constant 0 : i32
      %dma_start3A_339 = tpu.memref_slice %arg5[%add3A_333, %dma_start3A_337, %dma_start3A_338] : memref<4096x200x128xf32, #tpu.memory_space<hbm>> -> memref<1x200x64xf32, #tpu.memory_space<hbm>>
      %dma_start3A_340 = tpu.memref_squeeze %dma_start3A_339 : memref<1x200x64xf32, #tpu.memory_space<hbm>> -> memref<200x64xf32, #tpu.memory_space<hbm>>
      %dma_start3A_341 = arith.constant 0 : i32
      %dma_start3A_342 = arith.constant 0 : i32
      %dma_start3A_343 = tpu.memref_slice %arg5[%add3A_333, %dma_start3A_341, %dma_start3A_342] : memref<4096x200x128xf32, #tpu.memory_space<hbm>> -> memref<1x200x64xf32, #tpu.memory_space<hbm>>
      %dma_start3A_344 = tpu.memref_squeeze %dma_start3A_343 : memref<1x200x64xf32, #tpu.memory_space<hbm>> -> memref<200x64xf32, #tpu.memory_space<hbm>>
      %dma_start3A_345 = arith.constant 0 : i32
      %dma_start3A_346 = arith.constant 0 : i32
      %dma_start3A_347 = tpu.memref_slice %arg14[%dma_start3A_345, %dma_start3A_346] : memref<200x64xf32, #tpu.memory_space<vmem>> -> memref<200x64xf32, #tpu.memory_space<vmem>>
      tpu.enqueue_dma source(%dma_start3A_347 : memref<200x64xf32, #tpu.memory_space<vmem>>) target(%dma_start3A_344 : memref<200x64xf32, #tpu.memory_space<hbm>>) target_semaphore(%arg26 : memref<!tpu.dma_semaphore, #tpu.memory_space<semaphore_mem>>)
      %add3A_348 = arith.constant 2 : i32
      %add3A_349 = arith.addi %add3A_306, %add3A_348 : i32
      %lt3A_350 = arith.constant 128 : i32
      %lt3A_351 = arith.cmpi slt, %add3A_349, %lt3A_350 : i32
      %convert_element_type3A_352 = arith.extui %lt3A_351 : i1 to i32
      %cond3A_353 = arith.constant 0 : i32
      %cond3A_354 = arith.cmpi ne, %convert_element_type3A_352, %cond3A_353 : i32
      scf.if %cond3A_354 {
        %ge3A = arith.constant 4 : i32
        %ge3A_355 = arith.cmpi sge, %add3A_349, %ge3A : i32
        %convert_element_type3A_356 = arith.extui %ge3A_355 : i1 to i32
        %cond3A_357 = arith.constant 0 : i32
        %cond3A_358 = arith.cmpi ne, %convert_element_type3A_356, %cond3A_357 : i32
        scf.if %cond3A_358 {
          %sub3A = arith.constant 2 : i32
          %sub3A_382 = arith.subi %add3A_306, %sub3A : i32
          %add3A_383 = arith.addi %mul3A_2, %sub3A_382 : i32
          %dma_wait3A_384 = arith.constant 0 : i32
          %dma_wait3A_385 = arith.constant 0 : i32
          %dma_wait3A_386 = tpu.memref_slice %arg12[%dma_wait3A_384, %dma_wait3A_385] : memref<200x64xf32, #tpu.memory_space<vmem>> -> memref<200x64xf32, #tpu.memory_space<vmem>>
          %dma_wait3A_387 = arith.constant 0 : i32
          %dma_wait3A_388 = arith.constant 0 : i32
          %dma_wait3A_389 = tpu.memref_slice %arg5[%add3A_383, %dma_wait3A_387, %dma_wait3A_388] : memref<4096x200x128xf32, #tpu.memory_space<hbm>> -> memref<1x200x64xf32, #tpu.memory_space<hbm>>
          %dma_wait3A_390 = tpu.memref_squeeze %dma_wait3A_389 : memref<1x200x64xf32, #tpu.memory_space<hbm>> -> memref<200x64xf32, #tpu.memory_space<hbm>>
          %dma_wait3A_391 = arith.constant 0 : i32
          %dma_wait3A_392 = arith.constant 0 : i32
          %dma_wait3A_393 = tpu.memref_slice %arg5[%add3A_383, %dma_wait3A_391, %dma_wait3A_392] : memref<4096x200x128xf32, #tpu.memory_space<hbm>> -> memref<1x200x64xf32, #tpu.memory_space<hbm>>
          %dma_wait3A_394 = tpu.memref_squeeze %dma_wait3A_393 : memref<1x200x64xf32, #tpu.memory_space<hbm>> -> memref<200x64xf32, #tpu.memory_space<hbm>>
          %dma_wait3A_395 = arith.constant 0 : i32
          %dma_wait3A_396 = arith.constant 0 : i32
          %dma_wait3A_397 = tpu.memref_slice %arg12[%dma_wait3A_395, %dma_wait3A_396] : memref<200x64xf32, #tpu.memory_space<vmem>> -> memref<200x64xf32, #tpu.memory_space<vmem>>
          tpu.wait_dma2 semaphore(%arg24 : memref<!tpu.dma_semaphore, #tpu.memory_space<semaphore_mem>>) src(%dma_wait3A_397 : memref<200x64xf32, #tpu.memory_space<vmem>>) dst(%dma_wait3A_394 : memref<200x64xf32, #tpu.memory_space<hbm>>)
        } else {
        }
        %add3A_359 = arith.addi %mul3A_2, %add3A_349 : i32
        %dma_wait3A_360 = arith.constant 0 : i32
        %dma_wait3A_361 = tpu.memref_slice %arg2[%add3A_359, %dma_wait3A_360] : memref<4096x200xi32, #tpu.memory_space<hbm>> -> memref<1x200xi32, #tpu.memory_space<hbm>>
        %dma_wait3A_362 = tpu.memref_squeeze %dma_wait3A_361 : memref<1x200xi32, #tpu.memory_space<hbm>> -> memref<200xi32, #tpu.memory_space<hbm>>
        %dma_wait3A_363 = arith.constant 0 : i32
        %dma_wait3A_364 = tpu.memref_slice %arg2[%add3A_359, %dma_wait3A_363] : memref<4096x200xi32, #tpu.memory_space<hbm>> -> memref<1x200xi32, #tpu.memory_space<hbm>>
        %dma_wait3A_365 = tpu.memref_squeeze %dma_wait3A_364 : memref<1x200xi32, #tpu.memory_space<hbm>> -> memref<200xi32, #tpu.memory_space<hbm>>
        tpu.wait_dma2 semaphore(%arg16 : memref<!tpu.dma_semaphore, #tpu.memory_space<semaphore_mem>>) src(%dma_wait3A_365 : memref<200xi32, #tpu.memory_space<hbm>>) dst(%arg7 : memref<200xi32, #tpu.memory_space<vmem>>)
        %dma_start3A_366 = arith.constant 0 : i32
        %dma_start3A_367 = arith.constant 0 : i32
        %dma_start3A_368 = tpu.memref_slice %arg12[%dma_start3A_366, %dma_start3A_367] : memref<200x64xf32, #tpu.memory_space<vmem>> -> memref<128x64xf32, #tpu.memory_space<vmem>>
        %dma_start3A_369 = arith.constant 0 : i32
        %dma_start3A_370 = tpu.memref_slice %arg7[%dma_start3A_369] : memref<200xi32, #tpu.memory_space<vmem>> -> memref<128xi32, #tpu.memory_space<vmem>>
        %dma_start3A_371 = arith.constant 0 : i32
        %dma_start3A_372 = arith.constant 0 : i32
        %dma_start3A_373 = tpu.memref_slice %arg3[%dma_start3A_371, %dma_start3A_372] : memref<1000000x64xf32, #tpu.memory_space<hbm>> -> memref<1000000x64xf32, #tpu.memory_space<hbm>>
        tpu.enqueue_indirect_dma source(%dma_start3A_373 : memref<1000000x64xf32, #tpu.memory_space<hbm>>) target(%dma_start3A_368 : memref<128x64xf32, #tpu.memory_space<vmem>>) offsets(%dma_start3A_370 : memref<128xi32, #tpu.memory_space<vmem>>) semaphore(%arg20 : memref<!tpu.dma_semaphore, #tpu.memory_space<semaphore_mem>>)
        %dma_start3A_374 = arith.constant 128 : i32
        %dma_start3A_375 = arith.constant 0 : i32
        %dma_start3A_376 = tpu.memref_slice %arg12[%dma_start3A_374, %dma_start3A_375] : memref<200x64xf32, #tpu.memory_space<vmem>> -> memref<72x64xf32, #tpu.memory_space<vmem>>
        %dma_start3A_377 = arith.constant 128 : i32
        %dma_start3A_378 = tpu.memref_slice %arg7[%dma_start3A_377] : memref<200xi32, #tpu.memory_space<vmem>> -> memref<72xi32, #tpu.memory_space<vmem>>
        %dma_start3A_379 = arith.constant 0 : i32
        %dma_start3A_380 = arith.constant 0 : i32
        %dma_start3A_381 = tpu.memref_slice %arg3[%dma_start3A_379, %dma_start3A_380] : memref<1000000x64xf32, #tpu.memory_space<hbm>> -> memref<1000000x64xf32, #tpu.memory_space<hbm>>
        tpu.enqueue_indirect_dma source(%dma_start3A_381 : memref<1000000x64xf32, #tpu.memory_space<hbm>>) target(%dma_start3A_376 : memref<72x64xf32, #tpu.memory_space<vmem>>) offsets(%dma_start3A_378 : memref<72xi32, #tpu.memory_space<vmem>>) semaphore(%arg20 : memref<!tpu.dma_semaphore, #tpu.memory_space<semaphore_mem>>)
      } else {
      }
    }
    %scan3A_85 = arith.constant 32 : i32
    %add3A_86 = arith.constant 124 : i32
    %add3A_87 = arith.addi %mul3A_2, %add3A_86 : i32
    %dma_wait3A_88 = arith.constant 0 : i32
    %dma_wait3A_89 = arith.constant 0 : i32
    %dma_wait3A_90 = tpu.memref_slice %arg11[%dma_wait3A_88, %dma_wait3A_89] : memref<200x64xf32, #tpu.memory_space<vmem>> -> memref<200x64xf32, #tpu.memory_space<vmem>>
    %dma_wait3A_91 = arith.constant 0 : i32
    %dma_wait3A_92 = arith.constant 0 : i32
    %dma_wait3A_93 = tpu.memref_slice %arg5[%add3A_87, %dma_wait3A_91, %dma_wait3A_92] : memref<4096x200x128xf32, #tpu.memory_space<hbm>> -> memref<1x200x64xf32, #tpu.memory_space<hbm>>
    %dma_wait3A_94 = tpu.memref_squeeze %dma_wait3A_93 : memref<1x200x64xf32, #tpu.memory_space<hbm>> -> memref<200x64xf32, #tpu.memory_space<hbm>>
    %dma_wait3A_95 = arith.constant 0 : i32
    %dma_wait3A_96 = arith.constant 0 : i32
    %dma_wait3A_97 = tpu.memref_slice %arg5[%add3A_87, %dma_wait3A_95, %dma_wait3A_96] : memref<4096x200x128xf32, #tpu.memory_space<hbm>> -> memref<1x200x64xf32, #tpu.memory_space<hbm>>
    %dma_wait3A_98 = tpu.memref_squeeze %dma_wait3A_97 : memref<1x200x64xf32, #tpu.memory_space<hbm>> -> memref<200x64xf32, #tpu.memory_space<hbm>>
    %dma_wait3A_99 = arith.constant 0 : i32
    %dma_wait3A_100 = arith.constant 0 : i32
    %dma_wait3A_101 = tpu.memref_slice %arg11[%dma_wait3A_99, %dma_wait3A_100] : memref<200x64xf32, #tpu.memory_space<vmem>> -> memref<200x64xf32, #tpu.memory_space<vmem>>
    tpu.wait_dma2 semaphore(%arg23 : memref<!tpu.dma_semaphore, #tpu.memory_space<semaphore_mem>>) src(%dma_wait3A_101 : memref<200x64xf32, #tpu.memory_space<vmem>>) dst(%dma_wait3A_98 : memref<200x64xf32, #tpu.memory_space<hbm>>)
    %add3A_102 = arith.constant 125 : i32
    %add3A_103 = arith.addi %mul3A_2, %add3A_102 : i32
    %dma_wait3A_104 = arith.constant 0 : i32
    %dma_wait3A_105 = arith.constant 0 : i32
    %dma_wait3A_106 = tpu.memref_slice %arg12[%dma_wait3A_104, %dma_wait3A_105] : memref<200x64xf32, #tpu.memory_space<vmem>> -> memref<200x64xf32, #tpu.memory_space<vmem>>
    %dma_wait3A_107 = arith.constant 0 : i32
    %dma_wait3A_108 = arith.constant 0 : i32
    %dma_wait3A_109 = tpu.memref_slice %arg5[%add3A_103, %dma_wait3A_107, %dma_wait3A_108] : memref<4096x200x128xf32, #tpu.memory_space<hbm>> -> memref<1x200x64xf32, #tpu.memory_space<hbm>>
    %dma_wait3A_110 = tpu.memref_squeeze %dma_wait3A_109 : memref<1x200x64xf32, #tpu.memory_space<hbm>> -> memref<200x64xf32, #tpu.memory_space<hbm>>
    %dma_wait3A_111 = arith.constant 0 : i32
    %dma_wait3A_112 = arith.constant 0 : i32
    %dma_wait3A_113 = tpu.memref_slice %arg5[%add3A_103, %dma_wait3A_111, %dma_wait3A_112] : memref<4096x200x128xf32, #tpu.memory_space<hbm>> -> memref<1x200x64xf32, #tpu.memory_space<hbm>>
    %dma_wait3A_114 = tpu.memref_squeeze %dma_wait3A_113 : memref<1x200x64xf32, #tpu.memory_space<hbm>> -> memref<200x64xf32, #tpu.memory_space<hbm>>
    %dma_wait3A_115 = arith.constant 0 : i32
    %dma_wait3A_116 = arith.constant 0 : i32
    %dma_wait3A_117 = tpu.memref_slice %arg12[%dma_wait3A_115, %dma_wait3A_116] : memref<200x64xf32, #tpu.memory_space<vmem>> -> memref<200x64xf32, #tpu.memory_space<vmem>>
    tpu.wait_dma2 semaphore(%arg24 : memref<!tpu.dma_semaphore, #tpu.memory_space<semaphore_mem>>) src(%dma_wait3A_117 : memref<200x64xf32, #tpu.memory_space<vmem>>) dst(%dma_wait3A_114 : memref<200x64xf32, #tpu.memory_space<hbm>>)
    %add3A_118 = arith.constant 126 : i32
    %add3A_119 = arith.addi %mul3A_2, %add3A_118 : i32
    %dma_wait3A_120 = arith.constant 0 : i32
    %dma_wait3A_121 = arith.constant 0 : i32
    %dma_wait3A_122 = tpu.memref_slice %arg13[%dma_wait3A_120, %dma_wait3A_121] : memref<200x64xf32, #tpu.memory_space<vmem>> -> memref<200x64xf32, #tpu.memory_space<vmem>>
    %dma_wait3A_123 = arith.constant 0 : i32
    %dma_wait3A_124 = arith.constant 0 : i32
    %dma_wait3A_125 = tpu.memref_slice %arg5[%add3A_119, %dma_wait3A_123, %dma_wait3A_124] : memref<4096x200x128xf32, #tpu.memory_space<hbm>> -> memref<1x200x64xf32, #tpu.memory_space<hbm>>
    %dma_wait3A_126 = tpu.memref_squeeze %dma_wait3A_125 : memref<1x200x64xf32, #tpu.memory_space<hbm>> -> memref<200x64xf32, #tpu.memory_space<hbm>>
    %dma_wait3A_127 = arith.constant 0 : i32
    %dma_wait3A_128 = arith.constant 0 : i32
    %dma_wait3A_129 = tpu.memref_slice %arg5[%add3A_119, %dma_wait3A_127, %dma_wait3A_128] : memref<4096x200x128xf32, #tpu.memory_space<hbm>> -> memref<1x200x64xf32, #tpu.memory_space<hbm>>
    %dma_wait3A_130 = tpu.memref_squeeze %dma_wait3A_129 : memref<1x200x64xf32, #tpu.memory_space<hbm>> -> memref<200x64xf32, #tpu.memory_space<hbm>>
    %dma_wait3A_131 = arith.constant 0 : i32
    %dma_wait3A_132 = arith.constant 0 : i32
    %dma_wait3A_133 = tpu.memref_slice %arg13[%dma_wait3A_131, %dma_wait3A_132] : memref<200x64xf32, #tpu.memory_space<vmem>> -> memref<200x64xf32, #tpu.memory_space<vmem>>
    tpu.wait_dma2 semaphore(%arg25 : memref<!tpu.dma_semaphore, #tpu.memory_space<semaphore_mem>>) src(%dma_wait3A_133 : memref<200x64xf32, #tpu.memory_space<vmem>>) dst(%dma_wait3A_130 : memref<200x64xf32, #tpu.memory_space<hbm>>)
    %add3A_134 = arith.constant 127 : i32
    %add3A_135 = arith.addi %mul3A_2, %add3A_134 : i32
    %dma_wait3A_136 = arith.constant 0 : i32
    %dma_wait3A_137 = arith.constant 0 : i32
    %dma_wait3A_138 = tpu.memref_slice %arg14[%dma_wait3A_136, %dma_wait3A_137] : memref<200x64xf32, #tpu.memory_space<vmem>> -> memref<200x64xf32, #tpu.memory_space<vmem>>
    %dma_wait3A_139 = arith.constant 0 : i32
    %dma_wait3A_140 = arith.constant 0 : i32
    %dma_wait3A_141 = tpu.memref_slice %arg5[%add3A_135, %dma_wait3A_139, %dma_wait3A_140] : memref<4096x200x128xf32, #tpu.memory_space<hbm>> -> memref<1x200x64xf32, #tpu.memory_space<hbm>>
    %dma_wait3A_142 = tpu.memref_squeeze %dma_wait3A_141 : memref<1x200x64xf32, #tpu.memory_space<hbm>> -> memref<200x64xf32, #tpu.memory_space<hbm>>
    %dma_wait3A_143 = arith.constant 0 : i32
    %dma_wait3A_144 = arith.constant 0 : i32
    %dma_wait3A_145 = tpu.memref_slice %arg5[%add3A_135, %dma_wait3A_143, %dma_wait3A_144] : memref<4096x200x128xf32, #tpu.memory_space<hbm>> -> memref<1x200x64xf32, #tpu.memory_space<hbm>>
    %dma_wait3A_146 = tpu.memref_squeeze %dma_wait3A_145 : memref<1x200x64xf32, #tpu.memory_space<hbm>> -> memref<200x64xf32, #tpu.memory_space<hbm>>
    %dma_wait3A_147 = arith.constant 0 : i32
    %dma_wait3A_148 = arith.constant 0 : i32
    %dma_wait3A_149 = tpu.memref_slice %arg14[%dma_wait3A_147, %dma_wait3A_148] : memref<200x64xf32, #tpu.memory_space<vmem>> -> memref<200x64xf32, #tpu.memory_space<vmem>>
    tpu.wait_dma2 semaphore(%arg26 : memref<!tpu.dma_semaphore, #tpu.memory_space<semaphore_mem>>) src(%dma_wait3A_149 : memref<200x64xf32, #tpu.memory_space<vmem>>) dst(%dma_wait3A_146 : memref<200x64xf32, #tpu.memory_space<hbm>>)
    return
  }
}

</mosaic_0001>

<sc_bundles>
// kernel: kernel.4.cloned.1.call-start
scs
__scs_entry_jumppad:
0x0: {  	(pc) =	sbr.rel $0x88, $3  }
0x1: {  	(tag) =	ssettag $0x0;
	lr =	simm.s32 $0x1  }
0x2: {  	[smem:$0x3F9E] =	sst lr;
	_ =	strace $0xD0000000  }
0x3: {  	_ = 	snop  }
0x4: {  	_ = 	snop  }
0x5: {  	_ = 	snop  }
0x6: {  	_ = 	snop  }
0x7: {  	_ = 	snop  }
__scs_overlays_trampoline_lowered:
0x8: {  	[smem:$0x3FAD] =	sst s0  }
0x9: {  	[smem:$0x3FAE] =	sst s1  }
0xa: {  	[smem:$0x3FAF] =	sst s2  }
0xb: {  	[smem:$0x3FB0] =	sst s3  }
0xc: {  	[smem:$0x3FB1] =	sst s4  }
0xd: {  	[smem:$0x3FB2] =	sst s5  }
0xe: {  	[smem:$0x3FB3] =	sst s6  }
0xf: {  	[smem:$0x3FB4] =	sst s7  }
0x10: {  	[smem:$0x3FB5] =	sst s8  }
0x11: {  	[smem:$0x3FB6] =	sst s9;
	s0 =	simm.s32 @!p0 $0x0  }
0x12: {  	s1 =	sld [smem:$0x3F9C];
	s0 =	simm.s32 @p0 $0x1  }
0x13: {  	[smem:$0x3FB7] =	sst s0;
	s0 =	simm.s32 @!p1 $0x0  }
0x14: {  	s2 =	sld [smem:$0x3F9B];
	s0 =	simm.s32 @p1 $0x1  }
0x15: {  	[smem:$0x3FB8] =	sst s0;
	s0 =	simm.s32 @!p2 $0x0  }
0x16: {  	s3 =	sld [smem:$0x3FDB];
	s0 =	simm.s32 @p2 $0x1  }
0x17: {  	s4 =	simm.s32 $0x1BF5;
	[smem:$0x3FBA] =	sst s0  }
0x18: {  	s0 =	sld [smem:$0x3F9D];
	_ =	swait.ge [sflag:s4], $0x0  }
0x19: {  	s7 =	sld [smem:$0x3F9E]  }
0x1a: {  	s8 =	sadd.s32 $0xFFFFE003, lr  }
0x1b: {  	s9 =	sadd.s32 $0xFFFFFEF7, lr;
	s5 =	simm.s32 $0xFFFFFFFF;
	p2 =	slt.u32 s8, $0xFFFFF086  }
0x1c: {  	p1 =	slt.u32 s9, $0xF7A;
	s5 =	simm.s32 @!p2 $0x0  }
0x1d: {  	s5 =	simm.s32 @p1 $0x1;
	p0 =	seq.s32 s7, s2  }
0x1e: {  	s7 =	smul.u32 @!p0 $0xF7A, s2;
	p2 =	seq.s32 @!p0 s5, $0x0  }
0x1f: {  	s9 =	smul.u32 $0xF7A, s1;
	s8 =	simm.s32 @!p0 $0x1BF5;
	p2 =	por !p2, p0  }
0x20: {  	[sflag:s8] =	ssyncset.s32 @!p0 $0xFFFFF086;
	s6 =	sadd.s32 @!p0 s3, s7;
	s7 =	simm.s32 @!p0 $0x108  }
0x21: {  	s3 =	sadd.s32 s3, s9;
	s6 =	sadd.s32 @!p0 $0x88, s6;
	s7 =	simm.s32 @p2 $0x1082  }
0x22: {  	[simem:s7], [sflag:s8] =	dma.local @!p0 [hbm:s6], $0xF7A  }
0x23: {  	s9 =	sor.u32 $0xD0000000, s2;
	s6 =	simm.s32 $0x108;
	_ =	swait.ge @!p0 [sflag:s8], $0x0  }
0x24: {  	s3 =	sadd.s32 $0x88, s3;
	s6 =	simm.s32 @!p1 $0x1082;
	[sflag:s4] =	ssyncset.s32 $0xFFFFF086  }
0x25: {  	[simem:s6], [sflag:s4] =	dma.local [hbm:s3], $0xF7A  }
0x26: {  	[smem:$0x3F9E] =	sst s1;
	(tag) =	ssettag s2;
	_ =	strace s9  }
0x27: {  	s1 =	sld [smem:$0x3FAE]  }
0x28: {  	s2 =	sld [smem:$0x3FAF]  }
0x29: {  	s4 =	sld [smem:$0x3FB1]  }
0x2a: {  	p0 =	seq.s32 s5, $0x0;
	s5 =	sld [smem:$0x3FB2]  }
0x2b: {  	s6 =	sld [smem:$0x3FB3]  }
0x2c: {  	s7 =	sld [smem:$0x3FB4]  }
0x2d: {  	s3 =	simm.s32 $0x108;
	s8 =	sld [smem:$0x3FB5]  }
0x2e: {  	s3 =	simm.s32 @!p0 $0x1082;
	s9 =	sld [smem:$0x3FB6]  }
0x2f: {  	lr =	sadd.s32 s0, s3;
	s0 =	sld [smem:$0x3FAD]  }
0x30: {  	s3 =	sld [smem:$0x3FB0]  }
0x31: {  	[smem:$0x3FB9] =	sst s10  }
0x32: {  	s10 =	sld [smem:$0x3FB7];
	_ =	sdelay $0x3  }
0x33: {  	p0 =	seq.s32 s10, $0x1;
	s10 =	sld [smem:$0x3FB9];
	_ =	sdelay $0x3  }
0x34: {  	[smem:$0x3FB9] =	sst s10  }
0x35: {  	s10 =	sld [smem:$0x3FB8];
	_ =	sdelay $0x3  }
0x36: {  	p1 =	seq.s32 s10, $0x1;
	s10 =	sld [smem:$0x3FB9];
	_ =	sdelay $0x3  }
0x37: {  	[smem:$0x3FB9] =	sst s10  }
0x38: {  	s10 =	sld [smem:$0x3FBA]  }
0x39: {  	_ = 	snop;
	(pc) =	sbr.ind lr, $3  }
0x3a: {  	_ = 	snop  }
0x3b: {  	_ = 	snop  }
0x3c: {  	p2 =	seq.s32 s10, $0x1;
	s10 =	sld [smem:$0x3FB9]  }
0x3d: {  	_ =	shalt  }
0x3e: {  	_ =	shalt  }
0x3f: {  	_ =	shalt  }
0x40: {  	_ =	shalt  }
0x41: {  	_ =	shalt  }
0x42: {  	_ =	shalt  }
0x43: {  	_ =	shalt  }
0x44: {  	_ =	shalt  }
0x45: {  	_ =	shalt  }
0x46: {  	_ =	shalt  }
0x47: {  	_ =	shalt  }
0x48: {  	_ =	shalt  }
0x49: {  	_ =	shalt  }
0x4a: {  	_ =	shalt  }
0x4b: {  	_ =	shalt  }
0x4c: {  	_ =	shalt  }
0x4d: {  	_ =	shalt  }
0x4e: {  	_ =	shalt  }
0x4f: {  	_ =	shalt  }
0x50: {  	_ =	shalt  }
0x51: {  	_ =	shalt  }
0x52: {  	_ =	shalt  }
0x53: {  	_ =	shalt  }
0x54: {  	_ =	shalt  }
0x55: {  	_ =	shalt  }
0x56: {  	_ =	shalt  }
0x57: {  	_ =	shalt  }
0x58: {  	_ =	shalt  }
0x59: {  	_ =	shalt  }
0x5a: {  	_ =	shalt  }
0x5b: {  	_ =	shalt  }
0x5c: {  	_ =	shalt  }
0x5d: {  	_ =	shalt  }
0x5e: {  	_ =	shalt  }
0x5f: {  	_ =	shalt  }
0x60: {  	_ =	shalt  }
0x61: {  	_ =	shalt  }
0x62: {  	_ =	shalt  }
0x63: {  	_ =	shalt  }
0x64: {  	_ =	shalt  }
0x65: {  	_ =	shalt  }
0x66: {  	_ =	shalt  }
0x67: {  	_ =	shalt  }
0x68: {  	_ =	shalt  }
0x69: {  	_ =	shalt  }
0x6a: {  	_ =	shalt  }
0x6b: {  	_ =	shalt  }
0x6c: {  	_ =	shalt  }
0x6d: {  	_ =	shalt  }
0x6e: {  	_ =	shalt  }
0x6f: {  	_ =	shalt  }
0x70: {  	_ =	shalt  }
0x71: {  	_ =	shalt  }
0x72: {  	_ =	shalt  }
0x73: {  	_ =	shalt  }
0x74: {  	_ =	shalt  }
0x75: {  	_ =	shalt  }
0x76: {  	_ =	shalt  }
0x77: {  	_ =	shalt  }
0x78: {  	_ =	shalt  }
0x79: {  	_ =	shalt  }
0x7a: {  	_ =	shalt  }
0x7b: {  	_ =	shalt  }
0x7c: {  	_ =	shalt  }
0x7d: {  	_ =	shalt  }
0x7e: {  	_ =	shalt  }
0x7f: {  	_ =	shalt  }
0x80: {  	_ =	shalt  }
0x81: {  	_ =	shalt  }
0x82: {  	_ =	shalt  }
0x83: {  	_ =	shalt  }
0x84: {  	_ =	shalt  }
0x85: {  	_ =	shalt  }
0x86: {  	_ =	shalt  }
0x87: {  	_ =	shalt  }
.Lfunc_end0:
.L_simem_size_0:
called_computation.1_lowered:
.L_overlay_start_0:
0x88: {  	s2 =	sld [smem:$0x3FD9]  }
0x89: {  	s3 =	sld [smem:$0x3FFE];
	_ =	sdelay $0x1  }
0x8a: {  	s1 =	srdreg.scid  }
0x8b: {  	s0 =	sand.u32 $0x1, s1  }
0x8c: {  	s17 =	sshll.u32 s0, $0xA;
	s2 =	sadd.s32 s3, s2  }
0x8d: {  	s2 =	sadd.s32 s2, s17  }
0x8e: {  	[smem:$0x3FC5] =	sst s2  }
0x8f: {  	_ = 	snop  }
0x90: {  	s2 =	sld [smem:$0x3FC8];
	(tm) =	ssettm $0x1  }
0x91: {  	s18 =	sld [smem:$0x3FFB];
	_ =	sdelay $0x3  }
0x92: {  	_ =	strace s18  }
0x93: {  	s3 =	sld [smem:$0x3FFC];
	_ =	sdelay $0x3  }
0x94: {  	_ =	strace s3  }
0x95: {  	s3 =	sld [smem:$0x3FFD];
	_ =	sdelay $0x3  }
0x96: {  	_ =	strace s3  }
0x97: {  	_ =	strace $0x8FFFFFFF  }
0x98: {  	s19 =	sld [smem:$0x3FDB];
	_ =	sdelay $0x1  }
0x99: {  	s4 =	simm.s32 $_scs_section_size  }
0x9a: {  	s5 =	simm.s32 $_size__tile_overlayer_lowered;
	s6 =	simm.s32 $_tile_overlayer_lowered  }
0x9b: {  	s22 =	simm.s32 $0x1BFF;
	s21 =	sshll.u32 s6, $0x1;
	s3 =	sadd.s32 s4, s19  }
0x9c: {  	s7 =	simm.s32 $0x0;
	s20 =	sshll.u32 s5, $0x1;
	s5 =	sadd.s32 s21, s3  }
0x9d: {  	[timem:s7], [sflag:s22] =	dma.local [hbm:s5], s20  }
0x9e: {  	_ =	swait.ge [sflag:s22], s20  }
0x9f: {  	s4 =	ssub.s32 $0x0, s20;
	[sflag:s22] =	ssyncset.done $0x0  }
0xa0: {  	[sflag:s22] =	ssyncadd.s32 s4;
	_ =	sdelay $0x1  }
0xa1: {  	s23 =	simm.s32 $0x1B8B  }
0xa2: {  	_ =	swait.ge [sflag:s23], $0x1  }
0xa3: {  	[sflag:s23] =	ssyncset.done $0x0  }
0xa4: {  	s25 =	simm.s32 $0x1B8E;
	s24 =	sld [smem:$0x3FFE];
	[sflag:s23] =	ssyncadd.s32 $0xFFFFFFFF  }
0xa5: {  	s26 =	simm.s32 $execute0_lowered;
	[smem:$0x3FD2] =	sst s25  }
0xa6: {  	s5 =	sshll.u32 s26, $0x1;
	_ =	strace $0x80000046;
	[dreg:$0x1] =	wrdreg $0xFFFFFFFF  }
0xa7: {  	s28 =	simm.s32 $_size_execute0_lowered;
	s3 =	sadd.s32 s3, s5;
	[dreg:$0x0] =	wrdreg $0x0  }
0xa8: {  	s5 =	sshll.u32 s28, $0x1;
	[dreg:$0x2] =	wrdreg s3  }
0xa9: {  	[dreg:$0x3] =	wrdreg s5  }
0xaa: {  	[dreg:$0x4] =	wrdreg $0xC0  }
0xab: {  	_ =	task [dreg:s7], $0x5FFFF  }
0xac: {  	[dreg:$0x1] =	wrdreg $0xFFFFFFFF  }
0xad: {  	[dreg:$0x0] =	wrdreg $0x60  }
0xae: {  	[dreg:$0x2] =	wrdreg s2  }
0xaf: {  	[dreg:$0x3] =	wrdreg s24  }
0xb0: {  	[dreg:$0x4] =	wrdreg $0x9  }
0xb1: {  	_ =	task.clear_ibuf [dreg:s7], $0x5FFFF;
	_ =	strace $0x90000046  }
0xb2: {  	s29 =	simm.s32 $0x9;
	_ =	strace $0x80000048  }
0xb3: {  	_ =	swait.ge [sflag:s29], $0x1  }
0xb4: {  	[sflag:s29] =	ssyncadd.s32 $0xFFFFFFFF  }
0xb5: {  	_ =	strace $0x90000048  }
0xb6: {  	_ =	sfence  }
0xb7: {  	s30 =	sld [smem:$0x0];
	_ =	sdelay $0x2  }
0xb8: {  	s31 =	sshll.u32 s1, $0xD;
	s1 =	sshrl.u32 s1, $0x2  }
0xb9: {  	s3 =	sand.u32 $0x4000, s31;
	s1 =	sadd.s32 s1, s30  }
0xba: {  	s0 =	sor.u32 s3, s0;
	s1 =	sshll.u32 s1, $0x11  }
0xbb: {  	s0 =	sor.u32 s1, s0  }
0xbc: {  	s0 =	sadd.s32 $0x8F2B, s0  }
0xbd: {  	[sflag:s0] =	ssyncadd.remote.s32 $0x1  }
0xbe: {  	_ =	sfence.sel $0xFFFF  }
0xbf: {  	[dreg:$0x0] =	wrdreg $0xFFFFFFFF;
	(pc) =	sbr.abs _section_cstart, $3  }
0xc0: {  	[dreg:$0x1] =	wrdreg $0xFFFFFFFF  }
0xc1: {  	_ =	task.clear_ibuf [dreg:s7], $0x2FFFF;
	_ =	strace $0x9FFFFFFF  }
0xc2: {  	(tm) =	ssettm $0x7FFFFFFF  }
0xc3: {  	_ =	shalt  }
tec
execute0_lowered:
.L_overlay_start_1:
0x0: {  	(tag) =	ssettag $0x1  }
0x1: {  	v0 =	vimm.s32 $0x4B0A4908;
	v1 =	vimm.s32 $0x4F0E4D0C  }
0x2: {  	vm0 =	vcmask $0x1F10;
	v3 =	vimm.s32 $0x47064504;
	v4 =	vimm.s32 $0x5B1A5918  }
0x3: {  	v5 =	vimm.s32 $0x5F1E5D1C;
	v6 =	vimm.s32 $0x53125110;
	v7 =	vimm.s32 $0x57165514  }
0x4: {  	v8 =	vimm.s32 $0x7B3A7938;
	v9 =	vimm.s32 $0x7F3E7D3C;
	v10 =	vimm.s32 $0x73327130  }
0x5: {  	v11 =	vimm.s32 $0x77367534;
	v2 =	vunpack.c.0.s8.s32 v0;
	v1 =	vunpack.c.0.s8.s32 v1  }
0x6: {  	v0 =	vlaneseq.u32;
	v3 =	vunpack.c.0.s8.s32 v3;
	v4 =	vunpack.c.0.s8.s32 v4  }
0x7: {  	s0 =	rddreg [dreg:$0x0];
	v5 =	vunpack.c.0.s8.s32 v5;
	v2 =	vsel vm0, v1, v2;
	v1 =	vimm.s32 $0x43024100  }
0x8: {  	s9 =	rddreg [dreg:$0x1];
	s4 =	srdreg.scid;
	v8 =	vunpack.c.0.s8.s32 v8;
	v9 =	vunpack.c.0.s8.s32 v9;
	v1 =	vunpack.c.0.s8.s32 v1  }
0x9: {  	s1 =	stileid.u32;
	s3 =	simm.s32 $0x0;
	s12 =	simm.s32 $0x7A1400;
	v6 =	vunpack.c.0.s8.s32 v6;
	v10 =	vunpack.c.0.s8.s32 v10;
	v11 =	vunpack.c.0.s8.s32 v11  }
0xa: {  	s13 =	simm.s32 $0x1;
	s14 =	simm.s32 $0x4000;
	s15 =	simm.s32 $0x2;
	v7 =	vunpack.c.0.s8.s32 v7;
	v8 =	vsel vm0, v9, v8;
	v3 =	vsel vm0, v3, v1  }
0xb: {  	s16 =	simm.s32 $0x2000;
	s17 =	simm.s32 $0x6000;
	s19 =	simm.s32 $0x4;
	v9 =	vsel vm0, v11, v10;
	v10 =	vor.u32 $0x20, v0;
	v2 =	vcombine.low v3, v2  }
0xc: {  	s20 =	simm.s32 $0x0;
	s6 =	sand.u32 $0x1, s4;
	s31 =	sshll.u32 s1, $0x1;
	v3 =	vsel vm0, v5, v4;
	v4 =	vsel vm0, v7, v6;
	v5 =	vimm.s32 $0x6B2A6928  }
0xd: {  	[smem:$0x7FF] =	sst s3;
	s4 =	sadd.s32 $0x1000, s9;
	s18 =	sor.u32 s6, s31;
	v6 =	vimm.s32 $0x6F2E6D2C;
	v7 =	vimm.s32 $0x67266524;
	v3 =	vcombine.low v4, v3  }
.Ltmp0:
0xe: {  	_ =	strace $0x80000047;
	s7 =	ssub.s32 $0x2, s6;
	v4 =	vunpack.c.0.s8.s32 v5;
	v5 =	vunpack.c.0.s8.s32 v6;
	v6 =	vimm.s32 $0x63226120;
	(pc) =	sbr.rel .LBB2_1-.Ltmp0, $4  }
0xf: {  	s6 =	sadd.s32 $0x1200, s9;
	s9 =	sadd.s32 $0x7A2200, s9;
	s10 =	smul.u32 $0x7A80, s18;
	v1 =	vmul.u32 $0x80, v0;
	v7 =	vunpack.c.0.s8.s32 v7;
	v6 =	vunpack.c.0.s8.s32 v6  }
0x10: {  	s5 =	smul.u32 $0xF5, s18;
	s8 =	sshrl.u32 s7, $0x1;
	p0 =	sne.s32 s18, $0x0;
	v11 =	vor.u32 $0x30, v0;
	v8 =	vcombine.low v9, v8;
	v9 =	vor.u32 $0x10, v0  }
0x11: {  	s18 =	simm.s32 $0x3;
	s11 =	ssub.s32 s7, s8;
	s7 =	sadd.s32 s0, s10;
	v12 =	vsel vm0, v5, v4;
	v4 =	vor.u32 $0x800, v1;
	v6 =	vsel vm0, v7, v6  }
0x12: {  	s8 =	sadd.s32 $0x2, s5;
	s10 =	smax.u32 s11, $0x1;
	s11 =	simm.s32 $0x400;
	v5 =	vor.u32 $0x1000, v1;
	v7 =	vor.u32 $0x1800, v1;
	v6 =	vcombine.low v6, v12  }
.LBB2_12:
0x13: {  	_ =	swait.ge [sflag:s18], $0x2000  }
0x14: {  	[sflag:s18] =	ssyncset.done $0x0  }
0x15: {  	[sflag:s18] =	ssyncadd.s32 $0xFFFFE000  }
0x16: {  	_ =	swait.ge [sflag:s19], $0x2000  }
0x17: {  	[sflag:s19] =	ssyncset.done $0x0  }
0x18: {  	s1 =	simm.s32 @!p0 $0x0;
	s2 =	simm.s32 @!p0 $0x5;
	[sflag:s19] =	ssyncadd.s32 $0xFFFFE000  }
0x19: {  	[tilespmem:s1], [sflag:$0x5] =	stream.linear.gather @!p0 [hbm4b:s4+s1], $0x1000, $0x38;
	[tilespmem:$0x8000] =	vst v63  }
0x1a: {  	s20 =	sadd.s32 $0x1, s20;
	_ =	swait.ge @!p0 [sflag:s2], $0x1000  }
0x1b: {  	p1 =	sne.s32 s20, s10;
	[sflag:s2] =	ssyncset.done @!p0 $0x0  }
.Ltmp1:
0x1c: {  	[sflag:s2] =	ssyncadd.s32 @!p0 $0xFFFFF000;
	(pc) =	sbr.rel @!p1 .LBB2_13-.Ltmp1, $4  }
0x1d: {  	[hbm4b:s9+s1] =	stream.linear.scatter @!p0 [tilespmem:s1], [sflag:$0x5], $0x1000, $0x38;
	[tilespmem:$0x8000] =	vst v63  }
0x1e: {  	_ =	swait.ge @!p0 [sflag:s2], $0x1000  }
0x1f: {  	[sflag:s2] =	ssyncset.done @!p0 $0x0  }
0x20: {  	[sflag:s2] =	ssyncadd.s32 @!p0 $0xFFFFF000  }
.LBB2_1:
.Ltmp2:
0x21: {  	(pc) =	sbr.rel .LBB2_2-.Ltmp2, $3  }
0x22: {  	_ =	sdelay $0x1  }
0x23: {  	[tilespmem:s3], [sflag:$0x1] =	stream.strided.gather [hbm4b:s7+s11], $0x2000, s12, s11, $0x38;
	[tilespmem:$0x8000] =	vst v63  }
0x24: {  	s21 =	simm.s32 $0x0  }
.LBB2_11:
0x25: {  	s21 =	sadd.s32 $0x1, s21  }
0x26: {  	p1 =	sne.s32 s21, $0x7B  }
.Ltmp3:
0x27: {  	_ = 	snop;
	(pc) =	sbr.rel @!p1 .LBB2_12-.Ltmp3, $1  }
0x28: {  	_ =	sdelay $0x3  }
.LBB2_2:
0x29: {  	s23 =	sshll.u32 s21, $0x1  }
0x2a: {  	s25 =	sadd.s32 s5, s23  }
0x2b: {  	p1 =	slt.u32 s25, $0x1E84  }
.Ltmp4:
0x2c: {  	_ = 	snop;
	(pc) =	sbr.rel @!p1 .LBB2_3-.Ltmp4, $2  }
0x2d: {  	_ =	sdelay $0x2  }
0x2e: {  	s24 =	sor.u32 $0x1, s23  }
0x2f: {  	s28 =	simm.s32 $0x0;
	s29 =	simm.s32 $0x7;
	s2 =	simm.s32 $0x4  }
0x30: {  	s30 =	simm.s32 $0x5;
	s31 =	simm.s32 $0x2;
	v12 =	vadd.s32 s28, v0;
	v15 =	vadd.s32 s29, v0;
	v14 =	vadd.s32 s2, v0  }
0x31: {  	s29 =	simm.s32 $0x1;
	v17 =	vadd.s32 s30, v0;
	v18 =	vadd.s32 s31, v0;
	v13 =	vshll.u32 v12, $0x6  }
0x32: {  	p1 =	sgt.u32 s24, $0xF4;
	s22 =	sadd.s32 s5, s24;
	s31 =	simm.s32 $0x6;
	v16 =	vadd.s32 s29, v0;
	v19 =	vshll.u32 v14, $0x6;
	v22 =	vand.u32 $0x7F, v18  }
0x33: {  	_ =	swait.ge [sflag:s13], $0x2000;
	p2 =	sgt.u32 @!p1 s22, $0x1E83;
	v26 =	vand.u32 $0x7F, v14;
	v25 =	vand.u32 $0x7F, v12;
	v31 =	vadd.s32 s31, v0  }
0x34: {  	[sflag:s13] =	ssyncset.done $0x0;
	s30 =	simm.s32 $0x3;
	p1 =	por p2, p1;
	v43 =	vand.u32 $0x7F, v17;
	v17 =	vshll.u32 v17, $0x6;
	v21 =	vand.u32 $0x7F, v16  }
0x35: {  	[sflag:s13] =	ssyncadd.s32 $0xFFFFE000;
	s26 =	sshll.u32 @!p1 s22, $0x7;
	s28 =	simm.s32 @!p1 $0x400;
	v23 =	vand.u32 $0x1F80, v19;
	v24 =	vand.u32 $0x1F80, v13;
	v20 =	vor.u32 v1, v22  }
0x36: {  	s1 =	simm.s32 @!p1 $0x7A1400;
	s2 =	simm.s32 @!p1 $0x2000;
	v13 =	vadd.s32 s30, v0;
	v28 =	vor.u32 v1, v26;
	v12 =	vor.u32 v5, v26;
	s26 =	sadd.s32 @!p1 s0, s26  }
0x37: {  	v29 =	vor.u32 v1, v25;
	v14 =	vshll.u32 v16, $0x6;
	v37 =	vand.u32 $0x7F, v31;
	[tilespmem:s2], [sflag:$0x2] =	stream.strided.gather @!p1 [hbm4b:s26+s28], $0x2000, s1, s28, $0x38;
	[tilespmem:$0x8000] =	vst v63  }
0x38: {  	v38 =	vor.u32 v1, v43;
	v41 =	vor.u32 v4, v25;
	v19 =	vor.u32 v1, v21;
	p1 =	seq.s32 s21, $0x0  }
0x39: {  	v17 =	vand.u32 $0x1FC0, v17;
	v46 =	vor.u32 v4, v22;
	v48 =	vor.u32 v4, v43;
	s1 =	simm.s32 @!p1 $0x3  }
0x3a: {  	v50 =	vor.u32 v5, v25;
	v52 =	vor.u32 v5, v22;
	v61 =	vor.u32 v5, v43;
	_ =	swait.ge @!p1 [sflag:s1], $0x2000  }
0x3b: {  	v27 =	vand.u32 $0x7F, v13;
	v16 =	vshll.u32 v13, $0x6;
	v13 =	vand.u32 $0x7F, v15;
	[sflag:s1] =	ssyncset.done @!p1 $0x0  }
0x3c: {  	v35 =	vand.u32 $0x1FC0, v14;
	v14 =	vshll.u32 v18, $0x6;
	v30 =	vor.u32 v1, v27;
	[sflag:s1] =	ssyncadd.s32 @!p1 $0xFFFFE000  }
0x3d: {  	v32 =	vor.u32 v4, v21;
	v34 =	vor.u32 v1, v37;
	v36 =	vor.u32 v2, v23;
	v18 =	vld.idx.msk [tilespmem:v19+s3+$0x0], $0xffff  }
0x3e: {  	v39 =	vor.u32 v2, v24;
	v15 =	vshll.u32 v15, $0x6;
	v19 =	vor.u32 v0, v35;
	v20 =	vld.idx.msk [tilespmem:v20+s3+$0x0], $0xffff  }
0x3f: {  	v63 =	vor.u32 v0, v17;
	v42 =	vand.u32 $0x1F80, v14;
	v40 =	vor.u32 v1, v13;
	v29 =	vld.idx.msk [tilespmem:v29+s3+$0x0], $0xffff  }
0x40: {  	v14 =	vand.u32 $0x1FC0, v16;
	v16 =	vshll.u32 v31, $0x6;
	v33 =	vor.u32 v2, v42;
	v28 =	vld.idx.msk [tilespmem:v28+s3+$0x0], $0xffff  }
0x41: {  	v47 =	vor.u32 v3, v23;
	v56 =	vor.u32 v4, v37;
	v16 =	vand.u32 $0x1F80, v16;
	v30 =	vld.idx.msk [tilespmem:v30+s3+$0x0], $0xffff  }
0x42: {  	v57 =	vor.u32 v3, v24;
	v53 =	vor.u32 v9, v17;
	v44 =	vor.u32 v2, v16;
	v34 =	vld.idx.msk [tilespmem:v34+s3+$0x0], $0xffff  }
0x43: {  	v54 =	vor.u32 v5, v37;
	v62 =	vor.u32 v0, v14;
	v38 =	vld.idx.msk [tilespmem:v38+s3+$0x0], $0xffff;
	[tilespmem:v19+s14+$0x0] =	vst.idx.msk $0xffff, v18  }
0x44: {  	v31 =	vor.u32 v4, v26;
	v45 =	vor.u32 v9, v35;
	[tilespmem:v39+s14+$0x0] =	vst.idx.msk $0xffff, v29;
	v29 =	vld.idx.msk [tilespmem:v40+s3+$0x0], $0xffff  }
0x45: {  	[tilespmem:v33+s14+$0x0] =	vst.idx.msk $0xffff, v20;
	v20 =	vand.u32 $0x1FC0, v15;
	v15 =	vor.u32 v4, v27;
	v32 =	vld.idx.msk [tilespmem:v32+s3+$0x0], $0xffff  }
0x46: {  	v58 =	vor.u32 v4, v13;
	[tilespmem:v36+s14+$0x0] =	vst.idx.msk $0xffff, v28;
	v49 =	vor.u32 v0, v20;
	v41 =	vld.idx.msk [tilespmem:v41+s3+$0x0], $0xffff  }
0x47: {  	v51 =	vor.u32 v3, v42;
	v28 =	vor.u32 v5, v21;
	[tilespmem:v44+s14+$0x0] =	vst.idx.msk $0xffff, v34;
	v46 =	vld.idx.msk [tilespmem:v46+s3+$0x0], $0xffff  }
0x48: {  	v55 =	vor.u32 v6, v42;
	[tilespmem:v62+s14+$0x0] =	vst.idx.msk $0xffff, v30;
	v34 =	vor.u32 v7, v21;
	v21 =	vld.idx.msk [tilespmem:v56+s3+$0x0], $0xffff  }
0x49: {  	v60 =	vor.u32 v3, v16;
	v18 =	vor.u32 v7, v22;
	[tilespmem:v63+s14+$0x0] =	vst.idx.msk $0xffff, v38;
	v31 =	vld.idx.msk [tilespmem:v31+s3+$0x0], $0xffff  }
0x4a: {  	v30 =	vor.u32 v9, v14;
	v22 =	vor.u32 v7, v25;
	v59 =	vld.idx.msk [tilespmem:v15+s3+$0x0], $0xffff;
	[tilespmem:v45+s14+$0x0] =	vst.idx.msk $0xffff, v32  }
0x4b: {  	v25 =	vor.u32 v5, v27;
	v33 =	vor.u32 v6, v24;
	v48 =	vld.idx.msk [tilespmem:v48+s3+$0x0], $0xffff;
	[tilespmem:v49+s14+$0x0] =	vst.idx.msk $0xffff, v29  }
0x4c: {  	v63 =	vor.u32 v5, v13;
	v36 =	vor.u32 v10, v14;
	[tilespmem:v51+s14+$0x0] =	vst.idx.msk $0xffff, v46;
	v28 =	vld.idx.msk [tilespmem:v28+s3+$0x0], $0xffff  }
0x4d: {  	v38 =	vor.u32 v7, v37;
	v62 =	vor.u32 v9, v20;
	[tilespmem:v57+s14+$0x0] =	vst.idx.msk $0xffff, v41;
	v45 =	vld.idx.msk [tilespmem:v58+s3+$0x0], $0xffff  }
0x4e: {  	v19 =	vor.u32 v10, v20;
	v15 =	vor.u32 v8, v23;
	[tilespmem:v60+s14+$0x0] =	vst.idx.msk $0xffff, v21;
	v52 =	vld.idx.msk [tilespmem:v52+s3+$0x0], $0xffff  }
0x4f: {  	v32 =	vor.u32 v10, v35;
	v29 =	vor.u32 v11, v35;
	v40 =	vld.idx.msk [tilespmem:v54+s3+$0x0], $0xffff;
	[tilespmem:v30+s14+$0x0] =	vst.idx.msk $0xffff, v59  }
0x50: {  	v35 =	vor.u32 v7, v27;
	[tilespmem:v47+s14+$0x0] =	vst.idx.msk $0xffff, v31;
	v31 =	vor.u32 v6, v23;
	v39 =	vld.idx.msk [tilespmem:v25+s3+$0x0], $0xffff  }
0x51: {  	v27 =	vor.u32 v7, v26;
	[tilespmem:v53+s14+$0x0] =	vst.idx.msk $0xffff, v48;
	v41 =	vor.u32 v6, v16;
	v21 =	vld.idx.msk [tilespmem:v50+s3+$0x0], $0xffff  }
0x52: {  	v26 =	vor.u32 v7, v43;
	v23 =	vld.idx.msk [tilespmem:v61+s3+$0x0], $0xffff;
	v30 =	vor.u32 v8, v42;
	[tilespmem:v62+s14+$0x0] =	vst.idx.msk $0xffff, v45  }
0x53: {  	s26 =	simm.s32 $0x8;
	v25 =	vor.u32 v8, v24;
	v24 =	vor.u32 v10, v17;
	[tilespmem:v55+s14+$0x0] =	vst.idx.msk $0xffff, v52;
	v37 =	vld.idx.msk [tilespmem:v63+s3+$0x0], $0xffff  }
.LBB2_5:
0x54: {  	p1 =	slt.u32 s26, $0x78;
	[tilespmem:v32+s14+$0x0] =	vst.idx.msk $0xffff, v28;
	v28 =	vld.idx.msk [tilespmem:v12+s3+$0x0], $0xffff;
	v17 =	vor.u32 v11, v17;
	v16 =	vor.u32 v8, v16;
	s1 =	smov.u32 s26;
	s26 =	sadd.s32 $0x8, s26  }
0x55: {  	v13 =	vor.u32 v7, v13;
	v20 =	vor.u32 v11, v20;
	s2 =	sadd.s32 $0x7, s1;
	v12 =	vld.idx.msk [tilespmem:v34+s3+$0x0], $0xffff;
	[tilespmem:v36+s14+$0x0] =	vst.idx.msk $0xffff, v39  }
0x56: {  	v14 =	vor.u32 v11, v14;
	v32 =	vadd.s32 s1, v0;
	s28 =	sadd.s32 $0x4, s1;
	s29 =	sadd.s32 $0x5, s1;
	s30 =	sadd.s32 $0x6, s1;
	v34 =	vadd.s32 s2, v0;
	v35 =	vld.idx.msk [tilespmem:v35+s3+$0x0], $0xffff;
	[tilespmem:v41+s14+$0x0] =	vst.idx.msk $0xffff, v40  }
0x57: {  	s31 =	sadd.s32 $0x2, s1;
	v36 =	vshll.u32 v32, $0x6;
	s2 =	sadd.s32 $0x1, s1;
	s1 =	sadd.s32 $0x3, s1;
	v39 =	vadd.s32 s28, v0;
	v40 =	vadd.s32 s29, v0;
	[tilespmem:v33+s14+$0x0] =	vst.idx.msk $0xffff, v21;
	v33 =	vld.idx.msk [tilespmem:v38+s3+$0x0], $0xffff  }
0x58: {  	v41 =	vadd.s32 s31, v0;
	v38 =	vadd.s32 s2, v0;
	v21 =	vshll.u32 v39, $0x6;
	v22 =	vld.idx.msk [tilespmem:v22+s3+$0x0], $0xffff;
	[tilespmem:v24+s14+$0x0] =	vst.idx.msk $0xffff, v23  }
0x59: {  	v43 =	vand.u32 $0x7F, v41;
	v42 =	vand.u32 $0x7F, v38;
	v21 =	vand.u32 $0x1F80, v21;
	v18 =	vld.idx.msk [tilespmem:v18+s3+$0x0], $0xffff;
	[tilespmem:v19+s14+$0x0] =	vst.idx.msk $0xffff, v37  }
0x5a: {  	v23 =	vand.u32 $0x1F80, v36;
	v36 =	vor.u32 v1, v43;
	v19 =	vor.u32 v1, v42;
	v37 =	vld.idx.msk [tilespmem:v13+s3+$0x0], $0xffff  }
0x5b: {  	v44 =	vand.u32 $0x7F, v32;
	v24 =	vand.u32 $0x7F, v39;
	v13 =	vadd.s32 s1, v0;
	[tilespmem:v29+s14+$0x0] =	vst.idx.msk $0xffff, v12;
	v29 =	vld.idx.msk [tilespmem:v26+s3+$0x0], $0xffff  }
0x5c: {  	v32 =	vor.u32 v1, v24;
	v26 =	vand.u32 $0x7F, v13;
	v12 =	vor.u32 v5, v24;
	[tilespmem:v31+s14+$0x0] =	vst.idx.msk $0xffff, v28  }
0x5d: {  	v39 =	vadd.s32 s30, v0;
	v28 =	vor.u32 v1, v44;
	v31 =	vor.u32 v1, v26;
	[tilespmem:v14+s14+$0x0] =	vst.idx.msk $0xffff, v35  }
0x5e: {  	v14 =	vshll.u32 v38, $0x6;
	v35 =	vshll.u32 v13, $0x6;
	v13 =	vand.u32 $0x7F, v34;
	[tilespmem:v25+s14+$0x0] =	vst.idx.msk $0xffff, v22;
	v22 =	vld.idx.msk [tilespmem:v27+s3+$0x0], $0xffff  }
0x5f: {  	v38 =	vand.u32 $0x7F, v39;
	v25 =	vand.u32 $0x1FC0, v14;
	v14 =	vshll.u32 v41, $0x6;
	v19 =	vld.idx.msk [tilespmem:v19+s3+$0x0], $0xffff;
	[tilespmem:v16+s14+$0x0] =	vst.idx.msk $0xffff, v33  }
0x60: {  	v46 =	vand.u32 $0x7F, v40;
	v27 =	vor.u32 v0, v25;
	v45 =	vand.u32 $0x1F80, v14;
	v33 =	vld.idx.msk [tilespmem:v36+s3+$0x0], $0xffff;
	[tilespmem:v30+s14+$0x0] =	vst.idx.msk $0xffff, v18  }
0x61: {  	v18 =	vor.u32 v4, v42;
	v30 =	vor.u32 v2, v45;
	v36 =	vor.u32 v1, v38;
	v32 =	vld.idx.msk [tilespmem:v32+s3+$0x0], $0xffff  }
0x62: {  	v14 =	vand.u32 $0x1FC0, v35;
	v35 =	vor.u32 v2, v21;
	v16 =	vshll.u32 v39, $0x6;
	v28 =	vld.idx.msk [tilespmem:v28+s3+$0x0], $0xffff;
	[tilespmem:v17+s14+$0x0] =	vst.idx.msk $0xffff, v29  }
0x63: {  	v39 =	vor.u32 v1, v46;
	v16 =	vand.u32 $0x1F80, v16;
	v29 =	vor.u32 v4, v24;
	[tilespmem:v20+s14+$0x0] =	vst.idx.msk $0xffff, v37  }
0x64: {  	v17 =	vshll.u32 v40, $0x6;
	v40 =	vor.u32 v1, v13;
	v37 =	vor.u32 v2, v23;
	[tilespmem:v15+s14+$0x0] =	vst.idx.msk $0xffff, v22  }
0x65: {  	v17 =	vand.u32 $0x1FC0, v17;
	v15 =	vor.u32 v4, v44;
	v22 =	vor.u32 v2, v16;
	[tilespmem:v27+s14+$0x0] =	vst.idx.msk $0xffff, v19  }
0x66: {  	v27 =	vld.idx.msk [tilespmem:v18+s3+$0x0], $0xffff;
	[tilespmem:v30+s14+$0x0] =	vst.idx.msk $0xffff, v33;
	v30 =	vor.u32 v0, v14;
	v18 =	vshll.u32 v34, $0x6  }
0x67: {  	v33 =	vor.u32 v9, v25;
	v34 =	vor.u32 v4, v43;
	v31 =	vld.idx.msk [tilespmem:v31+s3+$0x0], $0xffff;
	[tilespmem:v35+s14+$0x0] =	vst.idx.msk $0xffff, v32  }
0x68: {  	v32 =	vor.u32 v5, v42;
	v35 =	vor.u32 v0, v17;
	v20 =	vand.u32 $0x1FC0, v18;
	v36 =	vld.idx.msk [tilespmem:v36+s3+$0x0], $0xffff  }
0x69: {  	v41 =	vor.u32 v3, v21;
	[tilespmem:v37+s14+$0x0] =	vst.idx.msk $0xffff, v28;
	v37 =	vor.u32 v4, v26;
	v40 =	vld.idx.msk [tilespmem:v40+s3+$0x0], $0xffff  }
0x6a: {  	v47 =	vor.u32 v4, v38;
	v18 =	vor.u32 v7, v43;
	v19 =	vor.u32 v10, v20;
	v39 =	vld.idx.msk [tilespmem:v39+s3+$0x0], $0xffff  }
0x6b: {  	v50 =	vor.u32 v4, v46;
	v49 =	vor.u32 v3, v23;
	v51 =	vor.u32 v0, v20;
	v48 =	vld.idx.msk [tilespmem:v15+s3+$0x0], $0xffff  }
0x6c: {  	v52 =	vor.u32 v5, v44;
	v53 =	vor.u32 v4, v13;
	[tilespmem:v33+s14+$0x0] =	vst.idx.msk $0xffff, v27;
	v27 =	vld.idx.msk [tilespmem:v34+s3+$0x0], $0xffff  }
0x6d: {  	v54 =	vor.u32 v3, v45;
	v28 =	vld.idx.msk [tilespmem:v32+s3+$0x0], $0xffff;
	[tilespmem:v30+s14+$0x0] =	vst.idx.msk $0xffff, v31;
	v30 =	vor.u32 v9, v14  }
0x6e: {  	v32 =	vor.u32 v10, v25;
	v31 =	vor.u32 v5, v43;
	v37 =	vld.idx.msk [tilespmem:v37+s3+$0x0], $0xffff;
	[tilespmem:v22+s14+$0x0] =	vst.idx.msk $0xffff, v36  }
0x6f: {  	v15 =	vor.u32 v8, v21;
	v34 =	vor.u32 v7, v42;
	v22 =	vor.u32 v7, v44;
	v42 =	vld.idx.msk [tilespmem:v47+s3+$0x0], $0xffff  }
0x70: {  	v43 =	vor.u32 v5, v26;
	v47 =	vor.u32 v3, v16;
	v44 =	vld.idx.msk [tilespmem:v29+s3+$0x0], $0xffff;
	[tilespmem:v35+s14+$0x0] =	vst.idx.msk $0xffff, v39  }
0x71: {  	v56 =	vor.u32 v5, v38;
	v55 =	vor.u32 v9, v17;
	v50 =	vld.idx.msk [tilespmem:v50+s3+$0x0], $0xffff;
	[tilespmem:v51+s14+$0x0] =	vst.idx.msk $0xffff, v40  }
0x72: {  	v33 =	vor.u32 v6, v23;
	v51 =	vor.u32 v5, v46;
	[tilespmem:v54+s14+$0x0] =	vst.idx.msk $0xffff, v27;
	v53 =	vld.idx.msk [tilespmem:v53+s3+$0x0], $0xffff  }
0x73: {  	v54 =	vor.u32 v5, v13;
	[tilespmem:v49+s14+$0x0] =	vst.idx.msk $0xffff, v48;
	v48 =	vld.idx.msk [tilespmem:v31+s3+$0x0], $0xffff;
	v49 =	vor.u32 v9, v20  }
0x74: {  	v57 =	vor.u32 v6, v45;
	v36 =	vor.u32 v10, v14;
	[tilespmem:v30+s14+$0x0] =	vst.idx.msk $0xffff, v37  }
.Ltmp5:
0x75: {  	v29 =	vor.u32 v11, v25;
	v35 =	vor.u32 v7, v26;
	v39 =	vld.idx.msk [tilespmem:v43+s3+$0x0], $0xffff;
	[tilespmem:v47+s14+$0x0] =	vst.idx.msk $0xffff, v42;
	(pc) =	sbr.rel @p1 .LBB2_5-.Ltmp5, $4  }
0x76: {  	v25 =	vor.u32 v8, v23;
	v31 =	vor.u32 v6, v21;
	[tilespmem:v41+s14+$0x0] =	vst.idx.msk $0xffff, v44;
	v40 =	vld.idx.msk [tilespmem:v56+s3+$0x0], $0xffff  }
0x77: {  	v27 =	vor.u32 v7, v24;
	v41 =	vor.u32 v6, v16;
	v21 =	vld.idx.msk [tilespmem:v52+s3+$0x0], $0xffff;
	[tilespmem:v55+s14+$0x0] =	vst.idx.msk $0xffff, v50  }
0x78: {  	v38 =	vor.u32 v7, v38;
	v24 =	vor.u32 v10, v17;
	v23 =	vld.idx.msk [tilespmem:v51+s3+$0x0], $0xffff;
	[tilespmem:v49+s14+$0x0] =	vst.idx.msk $0xffff, v53  }
0x79: {  	v26 =	vor.u32 v7, v46;
	v30 =	vor.u32 v8, v45;
	[tilespmem:v57+s14+$0x0] =	vst.idx.msk $0xffff, v48;
	v37 =	vld.idx.msk [tilespmem:v54+s3+$0x0], $0xffff  }
0x7a: {  	_ =	sdelay $0x3  }
0x7b: {  	[tilespmem:v32+s14+$0x0] =	vst.idx.msk $0xffff, v28  }
0x7c: {  	[tilespmem:v36+s14+$0x0] =	vst.idx.msk $0xffff, v39;
	v12 =	vld.idx.msk [tilespmem:v12+s3+$0x0], $0xffff  }
0x7d: {  	v18 =	vld.idx.msk [tilespmem:v18+s3+$0x0], $0xffff;
	[tilespmem:v41+s14+$0x0] =	vst.idx.msk $0xffff, v40  }
0x7e: {  	v13 =	vor.u32 v7, v13;
	v28 =	vld.idx.msk [tilespmem:v34+s3+$0x0], $0xffff;
	[tilespmem:v33+s14+$0x0] =	vst.idx.msk $0xffff, v21  }
0x7f: {  	v14 =	vor.u32 v11, v14;
	v59 =	vld.idx.msk [tilespmem:v35+s3+$0x0], $0xffff;
	[tilespmem:v24+s14+$0x0] =	vst.idx.msk $0xffff, v23  }
0x80: {  	v16 =	vor.u32 v8, v16;
	v60 =	vld.idx.msk [tilespmem:v38+s3+$0x0], $0xffff;
	[tilespmem:v19+s14+$0x0] =	vst.idx.msk $0xffff, v37  }
0x81: {  	v21 =	vld.idx.msk [tilespmem:v22+s3+$0x0], $0xffff;
	[tilespmem:v31+s14+$0x0] =	vst.idx.msk $0xffff, v12  }
0x82: {  	v17 =	vor.u32 v11, v17;
	v61 =	vld.idx.msk [tilespmem:v26+s3+$0x0], $0xffff;
	[tilespmem:v30+s14+$0x0] =	vst.idx.msk $0xffff, v18  }
0x83: {  	v62 =	vor.u32 v11, v20;
	v13 =	vld.idx.msk [tilespmem:v13+s3+$0x0], $0xffff;
	[tilespmem:v29+s14+$0x0] =	vst.idx.msk $0xffff, v28  }
0x84: {  	[tilespmem:v14+s14+$0x0] =	vst.idx.msk $0xffff, v59;
	v63 =	vld.idx.msk [tilespmem:v27+s3+$0x0], $0xffff  }
0x85: {  	[tilespmem:v16+s14+$0x0] =	vst.idx.msk $0xffff, v60  }
.Ltmp6:
0x86: {  	[tilespmem:v25+s14+$0x0] =	vst.idx.msk $0xffff, v21;
	(pc) =	sbr.rel .LBB2_7-.Ltmp6, $4  }
0x87: {  	[tilespmem:v17+s14+$0x0] =	vst.idx.msk $0xffff, v61  }
0x88: {  	s1 =	sshll.u32 s25, $0xA;
	[tilespmem:v62+s14+$0x0] =	vst.idx.msk $0xffff, v13  }
0x89: {  	s1 =	sadd.s32 s6, s1;
	[tilespmem:v15+s14+$0x0] =	vst.idx.msk $0xffff, v63  }
0x8a: {  	[hbm4b:s1+s3] =	stream.linear.scatter [tilespmem:s14], [sflag:$0x3], $0x2000, $0x38;
	[tilespmem:$0x8000] =	vst v63  }
.LBB2_3:
0x8b: {  	s22 =	sadd.s32 s5, s24  }
.LBB2_7:
0x8c: {  	p1 =	sgt.u32 s24, $0xF4  }
0x8d: {  	p2 =	sgt.u32 @!p1 s22, $0x1E83  }
0x8e: {  	p1 =	por p1, p2  }
.Ltmp7:
0x8f: {  	_ = 	snop;
	(pc) =	sbr.rel @p1 .LBB2_11-.Ltmp7, $1  }
0x90: {  	_ =	sdelay $0x3  }
0x91: {  	s2 =	simm.s32 $0x0;
	s26 =	simm.s32 $0x7;
	s28 =	simm.s32 $0x4  }
0x92: {  	s24 =	simm.s32 $0x5;
	s29 =	simm.s32 $0x1;
	s25 =	simm.s32 $0x2;
	v12 =	vadd.s32 s2, v0;
	v15 =	vadd.s32 s26, v0;
	v14 =	vadd.s32 s28, v0  }
0x93: {  	s31 =	simm.s32 $0x6;
	v17 =	vadd.s32 s24, v0;
	v16 =	vadd.s32 s29, v0;
	v18 =	vadd.s32 s25, v0  }
0x94: {  	v31 =	vadd.s32 s31, v0;
	v13 =	vshll.u32 v12, $0x6;
	v19 =	vshll.u32 v14, $0x6  }
0x95: {  	_ =	swait.ge [sflag:s15], $0x2000;
	s1 =	sadd.s32 s23, s8;
	v21 =	vand.u32 $0x7F, v16;
	v22 =	vand.u32 $0x7F, v18;
	v26 =	vand.u32 $0x7F, v14  }
0x96: {  	s30 =	simm.s32 $0x3;
	[sflag:s15] =	ssyncset.done $0x0;
	p1 =	sgt.u32 s1, $0x1E83;
	v25 =	vand.u32 $0x7F, v12;
	v14 =	vshll.u32 v16, $0x6;
	v37 =	vand.u32 $0x7F, v31  }
0x97: {  	[sflag:s15] =	ssyncadd.s32 $0xFFFFE000;
	s1 =	sshll.u32 @!p1 s1, $0x7;
	s2 =	simm.s32 @!p1 $0x400;
	v43 =	vand.u32 $0x7F, v17;
	v17 =	vshll.u32 v17, $0x6;
	v23 =	vand.u32 $0x1F80, v19  }
0x98: {  	s26 =	simm.s32 @!p1 $0x7A1400;
	s28 =	simm.s32 @!p1 $0x0;
	s1 =	sadd.s32 @!p1 s0, s1;
	v24 =	vand.u32 $0x1F80, v13;
	v19 =	vor.u32 v1, v21;
	v20 =	vor.u32 v1, v22  }
0x99: {  	v13 =	vadd.s32 s30, v0;
	v28 =	vor.u32 v1, v26;
	v12 =	vor.u32 v5, v26;
	[tilespmem:s28], [sflag:$0x1] =	stream.strided.gather @!p1 [hbm4b:s1+s2], $0x2000, s26, s2, $0x38;
	[tilespmem:$0x8000] =	vst v63  }
0x9a: {  	v29 =	vor.u32 v1, v25;
	v35 =	vand.u32 $0x1FC0, v14;
	v14 =	vshll.u32 v18, $0x6;
	p1 =	seq.s32 s21, $0x0  }
0x9b: {  	v32 =	vor.u32 v4, v21;
	v34 =	vor.u32 v1, v37;
	v38 =	vor.u32 v1, v43;
	s1 =	simm.s32 @!p1 $0x4  }
0x9c: {  	v41 =	vor.u32 v4, v25;
	v17 =	vand.u32 $0x1FC0, v17;
	v46 =	vor.u32 v4, v22;
	_ =	swait.ge @!p1 [sflag:s1], $0x2000  }
0x9d: {  	v56 =	vor.u32 v4, v37;
	v48 =	vor.u32 v4, v43;
	v50 =	vor.u32 v5, v25;
	[sflag:s1] =	ssyncset.done @!p1 $0x0  }
0x9e: {  	v52 =	vor.u32 v5, v22;
	v54 =	vor.u32 v5, v37;
	v61 =	vor.u32 v5, v43;
	[sflag:s1] =	ssyncadd.s32 @!p1 $0xFFFFE000  }
0x9f: {  	v27 =	vand.u32 $0x7F, v13;
	v16 =	vshll.u32 v13, $0x6;
	v13 =	vand.u32 $0x7F, v15;
	v18 =	vld.idx.msk [tilespmem:v19+s16+$0x0], $0xffff  }
0xa0: {  	v42 =	vand.u32 $0x1F80, v14;
	v30 =	vor.u32 v1, v27;
	v19 =	vor.u32 v0, v35;
	v20 =	vld.idx.msk [tilespmem:v20+s16+$0x0], $0xffff  }
0xa1: {  	v36 =	vor.u32 v2, v23;
	v39 =	vor.u32 v2, v24;
	v40 =	vor.u32 v1, v13;
	v29 =	vld.idx.msk [tilespmem:v29+s16+$0x0], $0xffff  }
0xa2: {  	v33 =	vor.u32 v2, v42;
	v14 =	vand.u32 $0x1FC0, v16;
	v16 =	vshll.u32 v31, $0x6;
	v28 =	vld.idx.msk [tilespmem:v28+s16+$0x0], $0xffff  }
0xa3: {  	v15 =	vshll.u32 v15, $0x6;
	v45 =	vor.u32 v9, v35;
	v16 =	vand.u32 $0x1F80, v16;
	v34 =	vld.idx.msk [tilespmem:v34+s16+$0x0], $0xffff  }
0xa4: {  	v63 =	vor.u32 v0, v17;
	v47 =	vor.u32 v3, v23;
	v44 =	vor.u32 v2, v16;
	v38 =	vld.idx.msk [tilespmem:v38+s16+$0x0], $0xffff  }
0xa5: {  	v57 =	vor.u32 v3, v24;
	v53 =	vor.u32 v9, v17;
	v30 =	vld.idx.msk [tilespmem:v30+s16+$0x0], $0xffff;
	[tilespmem:v19+s17+$0x0] =	vst.idx.msk $0xffff, v18  }
0xa6: {  	v31 =	vor.u32 v4, v26;
	v62 =	vor.u32 v0, v14;
	[tilespmem:v39+s17+$0x0] =	vst.idx.msk $0xffff, v29;
	v29 =	vld.idx.msk [tilespmem:v40+s16+$0x0], $0xffff  }
0xa7: {  	[tilespmem:v33+s17+$0x0] =	vst.idx.msk $0xffff, v20;
	v20 =	vand.u32 $0x1FC0, v15;
	v15 =	vor.u32 v4, v27;
	v32 =	vld.idx.msk [tilespmem:v32+s16+$0x0], $0xffff  }
0xa8: {  	v58 =	vor.u32 v4, v13;
	[tilespmem:v36+s17+$0x0] =	vst.idx.msk $0xffff, v28;
	v49 =	vor.u32 v0, v20;
	v41 =	vld.idx.msk [tilespmem:v41+s16+$0x0], $0xffff  }
0xa9: {  	v51 =	vor.u32 v3, v42;
	v28 =	vor.u32 v5, v21;
	[tilespmem:v44+s17+$0x0] =	vst.idx.msk $0xffff, v34;
	v46 =	vld.idx.msk [tilespmem:v46+s16+$0x0], $0xffff  }
0xaa: {  	v55 =	vor.u32 v6, v42;
	v34 =	vor.u32 v7, v21;
	[tilespmem:v63+s17+$0x0] =	vst.idx.msk $0xffff, v38;
	v21 =	vld.idx.msk [tilespmem:v56+s16+$0x0], $0xffff  }
0xab: {  	v60 =	vor.u32 v3, v16;
	v18 =	vor.u32 v7, v22;
	[tilespmem:v62+s17+$0x0] =	vst.idx.msk $0xffff, v30;
	v31 =	vld.idx.msk [tilespmem:v31+s16+$0x0], $0xffff  }
0xac: {  	v22 =	vor.u32 v7, v25;
	v30 =	vor.u32 v9, v14;
	v59 =	vld.idx.msk [tilespmem:v15+s16+$0x0], $0xffff;
	[tilespmem:v45+s17+$0x0] =	vst.idx.msk $0xffff, v32  }
0xad: {  	v25 =	vor.u32 v5, v27;
	v33 =	vor.u32 v6, v24;
	v48 =	vld.idx.msk [tilespmem:v48+s16+$0x0], $0xffff;
	[tilespmem:v49+s17+$0x0] =	vst.idx.msk $0xffff, v29  }
0xae: {  	v63 =	vor.u32 v5, v13;
	v36 =	vor.u32 v10, v14;
	[tilespmem:v51+s17+$0x0] =	vst.idx.msk $0xffff, v46;
	v28 =	vld.idx.msk [tilespmem:v28+s16+$0x0], $0xffff  }
0xaf: {  	v38 =	vor.u32 v7, v37;
	v62 =	vor.u32 v9, v20;
	[tilespmem:v57+s17+$0x0] =	vst.idx.msk $0xffff, v41;
	v45 =	vld.idx.msk [tilespmem:v58+s16+$0x0], $0xffff  }
0xb0: {  	v19 =	vor.u32 v10, v20;
	v15 =	vor.u32 v8, v23;
	[tilespmem:v60+s17+$0x0] =	vst.idx.msk $0xffff, v21;
	v52 =	vld.idx.msk [tilespmem:v52+s16+$0x0], $0xffff  }
0xb1: {  	v32 =	vor.u32 v10, v35;
	v29 =	vor.u32 v11, v35;
	v40 =	vld.idx.msk [tilespmem:v54+s16+$0x0], $0xffff;
	[tilespmem:v30+s17+$0x0] =	vst.idx.msk $0xffff, v59  }
0xb2: {  	v35 =	vor.u32 v7, v27;
	[tilespmem:v47+s17+$0x0] =	vst.idx.msk $0xffff, v31;
	v31 =	vor.u32 v6, v23;
	v39 =	vld.idx.msk [tilespmem:v25+s16+$0x0], $0xffff  }
0xb3: {  	v27 =	vor.u32 v7, v26;
	[tilespmem:v53+s17+$0x0] =	vst.idx.msk $0xffff, v48;
	v41 =	vor.u32 v6, v16;
	v21 =	vld.idx.msk [tilespmem:v50+s16+$0x0], $0xffff  }
0xb4: {  	v26 =	vor.u32 v7, v43;
	v23 =	vld.idx.msk [tilespmem:v61+s16+$0x0], $0xffff;
	v30 =	vor.u32 v8, v42;
	[tilespmem:v62+s17+$0x0] =	vst.idx.msk $0xffff, v45  }
0xb5: {  	s23 =	simm.s32 $0x8;
	v25 =	vor.u32 v8, v24;
	v24 =	vor.u32 v10, v17;
	[tilespmem:v55+s17+$0x0] =	vst.idx.msk $0xffff, v52;
	v37 =	vld.idx.msk [tilespmem:v63+s16+$0x0], $0xffff  }
.LBB2_9:
0xb6: {  	p1 =	slt.u32 s23, $0x78;
	[tilespmem:v32+s17+$0x0] =	vst.idx.msk $0xffff, v28;
	v28 =	vld.idx.msk [tilespmem:v12+s16+$0x0], $0xffff;
	v17 =	vor.u32 v11, v17;
	v16 =	vor.u32 v8, v16;
	s1 =	smov.u32 s23;
	s23 =	sadd.s32 $0x8, s23  }
0xb7: {  	v13 =	vor.u32 v7, v13;
	v20 =	vor.u32 v11, v20;
	s2 =	sadd.s32 $0x7, s1;
	v12 =	vld.idx.msk [tilespmem:v34+s16+$0x0], $0xffff;
	[tilespmem:v36+s17+$0x0] =	vst.idx.msk $0xffff, v39  }
0xb8: {  	v14 =	vor.u32 v11, v14;
	v32 =	vadd.s32 s1, v0;
	s24 =	sadd.s32 $0x4, s1;
	s25 =	sadd.s32 $0x5, s1;
	s26 =	sadd.s32 $0x6, s1;
	v34 =	vadd.s32 s2, v0;
	v35 =	vld.idx.msk [tilespmem:v35+s16+$0x0], $0xffff;
	[tilespmem:v41+s17+$0x0] =	vst.idx.msk $0xffff, v40  }
0xb9: {  	s28 =	sadd.s32 $0x2, s1;
	v36 =	vshll.u32 v32, $0x6;
	s2 =	sadd.s32 $0x1, s1;
	s1 =	sadd.s32 $0x3, s1;
	v39 =	vadd.s32 s24, v0;
	v40 =	vadd.s32 s25, v0;
	[tilespmem:v33+s17+$0x0] =	vst.idx.msk $0xffff, v21;
	v33 =	vld.idx.msk [tilespmem:v38+s16+$0x0], $0xffff  }
0xba: {  	v41 =	vadd.s32 s28, v0;
	v38 =	vadd.s32 s2, v0;
	v21 =	vshll.u32 v39, $0x6;
	v22 =	vld.idx.msk [tilespmem:v22+s16+$0x0], $0xffff;
	[tilespmem:v24+s17+$0x0] =	vst.idx.msk $0xffff, v23  }
0xbb: {  	v43 =	vand.u32 $0x7F, v41;
	v42 =	vand.u32 $0x7F, v38;
	v21 =	vand.u32 $0x1F80, v21;
	v18 =	vld.idx.msk [tilespmem:v18+s16+$0x0], $0xffff;
	[tilespmem:v19+s17+$0x0] =	vst.idx.msk $0xffff, v37  }
0xbc: {  	v23 =	vand.u32 $0x1F80, v36;
	v36 =	vor.u32 v1, v43;
	v19 =	vor.u32 v1, v42;
	v37 =	vld.idx.msk [tilespmem:v13+s16+$0x0], $0xffff  }
0xbd: {  	v44 =	vand.u32 $0x7F, v32;
	v24 =	vand.u32 $0x7F, v39;
	v13 =	vadd.s32 s1, v0;
	[tilespmem:v29+s17+$0x0] =	vst.idx.msk $0xffff, v12;
	v29 =	vld.idx.msk [tilespmem:v26+s16+$0x0], $0xffff  }
0xbe: {  	v32 =	vor.u32 v1, v24;
	v26 =	vand.u32 $0x7F, v13;
	v12 =	vor.u32 v5, v24;
	[tilespmem:v31+s17+$0x0] =	vst.idx.msk $0xffff, v28  }
0xbf: {  	v39 =	vadd.s32 s26, v0;
	v28 =	vor.u32 v1, v44;
	v31 =	vor.u32 v1, v26;
	[tilespmem:v14+s17+$0x0] =	vst.idx.msk $0xffff, v35  }
0xc0: {  	v14 =	vshll.u32 v38, $0x6;
	v35 =	vshll.u32 v13, $0x6;
	v13 =	vand.u32 $0x7F, v34;
	[tilespmem:v25+s17+$0x0] =	vst.idx.msk $0xffff, v22;
	v22 =	vld.idx.msk [tilespmem:v27+s16+$0x0], $0xffff  }
0xc1: {  	v38 =	vand.u32 $0x7F, v39;
	v25 =	vand.u32 $0x1FC0, v14;
	v14 =	vshll.u32 v41, $0x6;
	v19 =	vld.idx.msk [tilespmem:v19+s16+$0x0], $0xffff;
	[tilespmem:v16+s17+$0x0] =	vst.idx.msk $0xffff, v33  }
0xc2: {  	v46 =	vand.u32 $0x7F, v40;
	v27 =	vor.u32 v0, v25;
	v45 =	vand.u32 $0x1F80, v14;
	v33 =	vld.idx.msk [tilespmem:v36+s16+$0x0], $0xffff;
	[tilespmem:v30+s17+$0x0] =	vst.idx.msk $0xffff, v18  }
0xc3: {  	v18 =	vor.u32 v4, v42;
	v30 =	vor.u32 v2, v45;
	v36 =	vor.u32 v1, v38;
	v32 =	vld.idx.msk [tilespmem:v32+s16+$0x0], $0xffff  }
0xc4: {  	v14 =	vand.u32 $0x1FC0, v35;
	v35 =	vor.u32 v2, v21;
	v16 =	vshll.u32 v39, $0x6;
	v28 =	vld.idx.msk [tilespmem:v28+s16+$0x0], $0xffff;
	[tilespmem:v17+s17+$0x0] =	vst.idx.msk $0xffff, v29  }
0xc5: {  	v39 =	vor.u32 v1, v46;
	v16 =	vand.u32 $0x1F80, v16;
	v29 =	vor.u32 v4, v24;
	[tilespmem:v20+s17+$0x0] =	vst.idx.msk $0xffff, v37  }
0xc6: {  	v17 =	vshll.u32 v40, $0x6;
	v40 =	vor.u32 v1, v13;
	v37 =	vor.u32 v2, v23;
	[tilespmem:v15+s17+$0x0] =	vst.idx.msk $0xffff, v22  }
0xc7: {  	v17 =	vand.u32 $0x1FC0, v17;
	v15 =	vor.u32 v4, v44;
	v22 =	vor.u32 v2, v16;
	[tilespmem:v27+s17+$0x0] =	vst.idx.msk $0xffff, v19  }
0xc8: {  	v27 =	vld.idx.msk [tilespmem:v18+s16+$0x0], $0xffff;
	[tilespmem:v30+s17+$0x0] =	vst.idx.msk $0xffff, v33;
	v30 =	vor.u32 v0, v14;
	v18 =	vshll.u32 v34, $0x6  }
0xc9: {  	v33 =	vor.u32 v9, v25;
	v34 =	vor.u32 v4, v43;
	v31 =	vld.idx.msk [tilespmem:v31+s16+$0x0], $0xffff;
	[tilespmem:v35+s17+$0x0] =	vst.idx.msk $0xffff, v32  }
0xca: {  	v32 =	vor.u32 v5, v42;
	v35 =	vor.u32 v0, v17;
	v20 =	vand.u32 $0x1FC0, v18;
	v36 =	vld.idx.msk [tilespmem:v36+s16+$0x0], $0xffff  }
0xcb: {  	v41 =	vor.u32 v3, v21;
	[tilespmem:v37+s17+$0x0] =	vst.idx.msk $0xffff, v28;
	v37 =	vor.u32 v4, v26;
	v40 =	vld.idx.msk [tilespmem:v40+s16+$0x0], $0xffff  }
0xcc: {  	v47 =	vor.u32 v4, v38;
	v18 =	vor.u32 v7, v43;
	v19 =	vor.u32 v10, v20;
	v39 =	vld.idx.msk [tilespmem:v39+s16+$0x0], $0xffff  }
0xcd: {  	v50 =	vor.u32 v4, v46;
	v49 =	vor.u32 v3, v23;
	v51 =	vor.u32 v0, v20;
	v48 =	vld.idx.msk [tilespmem:v15+s16+$0x0], $0xffff  }
0xce: {  	v52 =	vor.u32 v5, v44;
	v53 =	vor.u32 v4, v13;
	[tilespmem:v33+s17+$0x0] =	vst.idx.msk $0xffff, v27;
	v27 =	vld.idx.msk [tilespmem:v34+s16+$0x0], $0xffff  }
0xcf: {  	v54 =	vor.u32 v3, v45;
	v28 =	vld.idx.msk [tilespmem:v32+s16+$0x0], $0xffff;
	[tilespmem:v30+s17+$0x0] =	vst.idx.msk $0xffff, v31;
	v30 =	vor.u32 v9, v14  }
0xd0: {  	v32 =	vor.u32 v10, v25;
	v31 =	vor.u32 v5, v43;
	v37 =	vld.idx.msk [tilespmem:v37+s16+$0x0], $0xffff;
	[tilespmem:v22+s17+$0x0] =	vst.idx.msk $0xffff, v36  }
0xd1: {  	v15 =	vor.u32 v8, v21;
	v34 =	vor.u32 v7, v42;
	v22 =	vor.u32 v7, v44;
	v42 =	vld.idx.msk [tilespmem:v47+s16+$0x0], $0xffff  }
0xd2: {  	v43 =	vor.u32 v5, v26;
	v47 =	vor.u32 v3, v16;
	v44 =	vld.idx.msk [tilespmem:v29+s16+$0x0], $0xffff;
	[tilespmem:v35+s17+$0x0] =	vst.idx.msk $0xffff, v39  }
0xd3: {  	v56 =	vor.u32 v5, v38;
	v55 =	vor.u32 v9, v17;
	v50 =	vld.idx.msk [tilespmem:v50+s16+$0x0], $0xffff;
	[tilespmem:v51+s17+$0x0] =	vst.idx.msk $0xffff, v40  }
0xd4: {  	v33 =	vor.u32 v6, v23;
	v51 =	vor.u32 v5, v46;
	[tilespmem:v54+s17+$0x0] =	vst.idx.msk $0xffff, v27;
	v53 =	vld.idx.msk [tilespmem:v53+s16+$0x0], $0xffff  }
0xd5: {  	v54 =	vor.u32 v5, v13;
	[tilespmem:v49+s17+$0x0] =	vst.idx.msk $0xffff, v48;
	v48 =	vld.idx.msk [tilespmem:v31+s16+$0x0], $0xffff;
	v49 =	vor.u32 v9, v20  }
0xd6: {  	v57 =	vor.u32 v6, v45;
	v36 =	vor.u32 v10, v14;
	[tilespmem:v30+s17+$0x0] =	vst.idx.msk $0xffff, v37  }
.Ltmp8:
0xd7: {  	v29 =	vor.u32 v11, v25;
	v35 =	vor.u32 v7, v26;
	v39 =	vld.idx.msk [tilespmem:v43+s16+$0x0], $0xffff;
	[tilespmem:v47+s17+$0x0] =	vst.idx.msk $0xffff, v42;
	(pc) =	sbr.rel @p1 .LBB2_9-.Ltmp8, $4  }
0xd8: {  	v25 =	vor.u32 v8, v23;
	v31 =	vor.u32 v6, v21;
	[tilespmem:v41+s17+$0x0] =	vst.idx.msk $0xffff, v44;
	v40 =	vld.idx.msk [tilespmem:v56+s16+$0x0], $0xffff  }
0xd9: {  	v27 =	vor.u32 v7, v24;
	v41 =	vor.u32 v6, v16;
	v21 =	vld.idx.msk [tilespmem:v52+s16+$0x0], $0xffff;
	[tilespmem:v55+s17+$0x0] =	vst.idx.msk $0xffff, v50  }
0xda: {  	v38 =	vor.u32 v7, v38;
	v24 =	vor.u32 v10, v17;
	v23 =	vld.idx.msk [tilespmem:v51+s16+$0x0], $0xffff;
	[tilespmem:v49+s17+$0x0] =	vst.idx.msk $0xffff, v53  }
0xdb: {  	v26 =	vor.u32 v7, v46;
	v30 =	vor.u32 v8, v45;
	[tilespmem:v57+s17+$0x0] =	vst.idx.msk $0xffff, v48;
	v37 =	vld.idx.msk [tilespmem:v54+s16+$0x0], $0xffff  }
0xdc: {  	_ =	sdelay $0x3  }
0xdd: {  	[tilespmem:v32+s17+$0x0] =	vst.idx.msk $0xffff, v28  }
0xde: {  	[tilespmem:v36+s17+$0x0] =	vst.idx.msk $0xffff, v39;
	v12 =	vld.idx.msk [tilespmem:v12+s16+$0x0], $0xffff  }
0xdf: {  	v18 =	vld.idx.msk [tilespmem:v18+s16+$0x0], $0xffff;
	[tilespmem:v41+s17+$0x0] =	vst.idx.msk $0xffff, v40  }
0xe0: {  	v13 =	vor.u32 v7, v13;
	v28 =	vld.idx.msk [tilespmem:v34+s16+$0x0], $0xffff;
	[tilespmem:v33+s17+$0x0] =	vst.idx.msk $0xffff, v21  }
0xe1: {  	v14 =	vor.u32 v11, v14;
	v59 =	vld.idx.msk [tilespmem:v35+s16+$0x0], $0xffff;
	[tilespmem:v24+s17+$0x0] =	vst.idx.msk $0xffff, v23  }
0xe2: {  	v16 =	vor.u32 v8, v16;
	v60 =	vld.idx.msk [tilespmem:v38+s16+$0x0], $0xffff;
	[tilespmem:v19+s17+$0x0] =	vst.idx.msk $0xffff, v37  }
0xe3: {  	v21 =	vld.idx.msk [tilespmem:v22+s16+$0x0], $0xffff;
	[tilespmem:v31+s17+$0x0] =	vst.idx.msk $0xffff, v12  }
0xe4: {  	v17 =	vor.u32 v11, v17;
	v61 =	vld.idx.msk [tilespmem:v26+s16+$0x0], $0xffff;
	[tilespmem:v30+s17+$0x0] =	vst.idx.msk $0xffff, v18  }
0xe5: {  	v62 =	vor.u32 v11, v20;
	v13 =	vld.idx.msk [tilespmem:v13+s16+$0x0], $0xffff;
	[tilespmem:v29+s17+$0x0] =	vst.idx.msk $0xffff, v28  }
0xe6: {  	[tilespmem:v14+s17+$0x0] =	vst.idx.msk $0xffff, v59;
	v63 =	vld.idx.msk [tilespmem:v27+s16+$0x0], $0xffff  }
0xe7: {  	[tilespmem:v16+s17+$0x0] =	vst.idx.msk $0xffff, v60  }
.Ltmp9:
0xe8: {  	[tilespmem:v25+s17+$0x0] =	vst.idx.msk $0xffff, v21;
	(pc) =	sbr.rel .LBB2_11-.Ltmp9, $4  }
0xe9: {  	[tilespmem:v17+s17+$0x0] =	vst.idx.msk $0xffff, v61  }
0xea: {  	s1 =	sshll.u32 s22, $0xA;
	[tilespmem:v62+s17+$0x0] =	vst.idx.msk $0xffff, v13  }
0xeb: {  	s1 =	sadd.s32 s6, s1;
	[tilespmem:v15+s17+$0x0] =	vst.idx.msk $0xffff, v63  }
0xec: {  	[hbm4b:s1+s3] =	stream.linear.scatter [tilespmem:s17], [sflag:$0x4], $0x2000, $0x38;
	[tilespmem:$0x8000] =	vst v63  }
.LBB2_13:
0xed: {  	_ =	sfence.sel $0x180000  }
0xee: {  	[bflag:$0x0] =	sbarrier.arrive $0xFFFF  }
0xef: {  	_ =	strace $0x90000047  }
0xf0: {  	s0 =	stileid.u32;
	[bflag:$0x2] =	sbarrier.arrive $0xFFFF  }
0xf1: {  	p0 =	sne.s32 s0, $0x0;
	s0 =	rddreg [dreg:$0x2]  }
0xf2: {  	s0 =	sadd.s32 @!p0 $0x100000, s0  }
0xf3: {  	[sflag:s0] =	ssyncadd.tile.s32 @!p0 $0x1;
	_ =	shalt  }
.Lfunc_end2:
_tile_overlayer_lowered:
.L_overlay_start_2:
0xf4: {  	(tag) =	ssettag $0x2  }
0xf5: {  	s0 =	rddreg [dreg:$0x0];
	s2 =	stileid.u32  }
0xf6: {  	s1 =	rddreg [dreg:$0x1];
	p0 =	sne.s32 s2, $0x0  }
0xf7: {  	s3 =	rddreg [dreg:$0x2];
	[bflag:$0x3] =	sbarrier.arrive $0xFFFF;
	s2 =	simm.s32 @!p0 $0x1C05  }
0xf8: {  	[timem:s3], [sflag:s2] =	dma.local @!p0 [hbm:s0], s1  }
0xf9: {  	s0 =	simm.s32 @!p0 $0x5  }
0xfa: {  	_ =	swait.ge @!p0 [sflag:s0], s1  }
0xfb: {  	s1 =	ssub.s32 @!p0 $0x0, s1;
	[sflag:s0] =	ssyncset.done @!p0 $0x0  }
0xfc: {  	[sflag:s0] =	ssyncadd.s32 @!p0 s1  }
0xfd: {  	[bflag:$0x3] =	sbarrier.arrive $0xFFFF  }
0xfe: {  	_ =	shalt  }

// kernel: kernel.7.cloned.1.call-start
scs
__scs_entry_jumppad:
0x0: {  	(pc) =	sbr.rel $0x88, $3  }
0x1: {  	(tag) =	ssettag $0x0;
	lr =	simm.s32 $0x1  }
0x2: {  	[smem:$0x3F9E] =	sst lr;
	_ =	strace $0xD0000000  }
0x3: {  	_ = 	snop  }
0x4: {  	_ = 	snop  }
0x5: {  	_ = 	snop  }
0x6: {  	_ = 	snop  }
0x7: {  	_ = 	snop  }
__scs_overlays_trampoline_lowered:
0x8: {  	[smem:$0x3FAD] =	sst s0  }
0x9: {  	[smem:$0x3FAE] =	sst s1  }
0xa: {  	[smem:$0x3FAF] =	sst s2  }
0xb: {  	[smem:$0x3FB0] =	sst s3  }
0xc: {  	[smem:$0x3FB1] =	sst s4  }
0xd: {  	[smem:$0x3FB2] =	sst s5  }
0xe: {  	[smem:$0x3FB3] =	sst s6  }
0xf: {  	[smem:$0x3FB4] =	sst s7  }
0x10: {  	[smem:$0x3FB5] =	sst s8  }
0x11: {  	[smem:$0x3FB6] =	sst s9;
	s0 =	simm.s32 @!p0 $0x0  }
0x12: {  	s1 =	sld [smem:$0x3F9C];
	s0 =	simm.s32 @p0 $0x1  }
0x13: {  	[smem:$0x3FB7] =	sst s0;
	s0 =	simm.s32 @!p1 $0x0  }
0x14: {  	s2 =	sld [smem:$0x3F9B];
	s0 =	simm.s32 @p1 $0x1  }
0x15: {  	[smem:$0x3FB8] =	sst s0;
	s0 =	simm.s32 @!p2 $0x0  }
0x16: {  	s3 =	sld [smem:$0x3FDB];
	s0 =	simm.s32 @p2 $0x1  }
0x17: {  	s4 =	simm.s32 $0x1BF5;
	[smem:$0x3FBA] =	sst s0  }
0x18: {  	s0 =	sld [smem:$0x3F9D];
	_ =	swait.ge [sflag:s4], $0x0  }
0x19: {  	s7 =	sld [smem:$0x3F9E]  }
0x1a: {  	s8 =	sadd.s32 $0xFFFFE003, lr  }
0x1b: {  	s9 =	sadd.s32 $0xFFFFFEF7, lr;
	s5 =	simm.s32 $0xFFFFFFFF;
	p2 =	slt.u32 s8, $0xFFFFF086  }
0x1c: {  	p1 =	slt.u32 s9, $0xF7A;
	s5 =	simm.s32 @!p2 $0x0  }
0x1d: {  	s5 =	simm.s32 @p1 $0x1;
	p0 =	seq.s32 s7, s2  }
0x1e: {  	s7 =	smul.u32 @!p0 $0xF7A, s2;
	p2 =	seq.s32 @!p0 s5, $0x0  }
0x1f: {  	s9 =	smul.u32 $0xF7A, s1;
	s8 =	simm.s32 @!p0 $0x1BF5;
	p2 =	por !p2, p0  }
0x20: {  	[sflag:s8] =	ssyncset.s32 @!p0 $0xFFFFF086;
	s6 =	sadd.s32 @!p0 s3, s7;
	s7 =	simm.s32 @!p0 $0x108  }
0x21: {  	s3 =	sadd.s32 s3, s9;
	s6 =	sadd.s32 @!p0 $0x88, s6;
	s7 =	simm.s32 @p2 $0x1082  }
0x22: {  	[simem:s7], [sflag:s8] =	dma.local @!p0 [hbm:s6], $0xF7A  }
0x23: {  	s9 =	sor.u32 $0xD0000000, s2;
	s6 =	simm.s32 $0x108;
	_ =	swait.ge @!p0 [sflag:s8], $0x0  }
0x24: {  	s3 =	sadd.s32 $0x88, s3;
	s6 =	simm.s32 @!p1 $0x1082;
	[sflag:s4] =	ssyncset.s32 $0xFFFFF086  }
0x25: {  	[simem:s6], [sflag:s4] =	dma.local [hbm:s3], $0xF7A  }
0x26: {  	[smem:$0x3F9E] =	sst s1;
	(tag) =	ssettag s2;
	_ =	strace s9  }
0x27: {  	s1 =	sld [smem:$0x3FAE]  }
0x28: {  	s2 =	sld [smem:$0x3FAF]  }
0x29: {  	s4 =	sld [smem:$0x3FB1]  }
0x2a: {  	p0 =	seq.s32 s5, $0x0;
	s5 =	sld [smem:$0x3FB2]  }
0x2b: {  	s6 =	sld [smem:$0x3FB3]  }
0x2c: {  	s7 =	sld [smem:$0x3FB4]  }
0x2d: {  	s3 =	simm.s32 $0x108;
	s8 =	sld [smem:$0x3FB5]  }
0x2e: {  	s3 =	simm.s32 @!p0 $0x1082;
	s9 =	sld [smem:$0x3FB6]  }
0x2f: {  	lr =	sadd.s32 s0, s3;
	s0 =	sld [smem:$0x3FAD]  }
0x30: {  	s3 =	sld [smem:$0x3FB0]  }
0x31: {  	[smem:$0x3FB9] =	sst s10  }
0x32: {  	s10 =	sld [smem:$0x3FB7];
	_ =	sdelay $0x3  }
0x33: {  	p0 =	seq.s32 s10, $0x1;
	s10 =	sld [smem:$0x3FB9];
	_ =	sdelay $0x3  }
0x34: {  	[smem:$0x3FB9] =	sst s10  }
0x35: {  	s10 =	sld [smem:$0x3FB8];
	_ =	sdelay $0x3  }
0x36: {  	p1 =	seq.s32 s10, $0x1;
	s10 =	sld [smem:$0x3FB9];
	_ =	sdelay $0x3  }
0x37: {  	[smem:$0x3FB9] =	sst s10  }
0x38: {  	s10 =	sld [smem:$0x3FBA]  }
0x39: {  	_ = 	snop;
	(pc) =	sbr.ind lr, $3  }
0x3a: {  	_ = 	snop  }
0x3b: {  	_ = 	snop  }
0x3c: {  	p2 =	seq.s32 s10, $0x1;
	s10 =	sld [smem:$0x3FB9]  }
0x3d: {  	_ =	shalt  }
0x3e: {  	_ =	shalt  }
0x3f: {  	_ =	shalt  }
0x40: {  	_ =	shalt  }
0x41: {  	_ =	shalt  }
0x42: {  	_ =	shalt  }
0x43: {  	_ =	shalt  }
0x44: {  	_ =	shalt  }
0x45: {  	_ =	shalt  }
0x46: {  	_ =	shalt  }
0x47: {  	_ =	shalt  }
0x48: {  	_ =	shalt  }
0x49: {  	_ =	shalt  }
0x4a: {  	_ =	shalt  }
0x4b: {  	_ =	shalt  }
0x4c: {  	_ =	shalt  }
0x4d: {  	_ =	shalt  }
0x4e: {  	_ =	shalt  }
0x4f: {  	_ =	shalt  }
0x50: {  	_ =	shalt  }
0x51: {  	_ =	shalt  }
0x52: {  	_ =	shalt  }
0x53: {  	_ =	shalt  }
0x54: {  	_ =	shalt  }
0x55: {  	_ =	shalt  }
0x56: {  	_ =	shalt  }
0x57: {  	_ =	shalt  }
0x58: {  	_ =	shalt  }
0x59: {  	_ =	shalt  }
0x5a: {  	_ =	shalt  }
0x5b: {  	_ =	shalt  }
0x5c: {  	_ =	shalt  }
0x5d: {  	_ =	shalt  }
0x5e: {  	_ =	shalt  }
0x5f: {  	_ =	shalt  }
0x60: {  	_ =	shalt  }
0x61: {  	_ =	shalt  }
0x62: {  	_ =	shalt  }
0x63: {  	_ =	shalt  }
0x64: {  	_ =	shalt  }
0x65: {  	_ =	shalt  }
0x66: {  	_ =	shalt  }
0x67: {  	_ =	shalt  }
0x68: {  	_ =	shalt  }
0x69: {  	_ =	shalt  }
0x6a: {  	_ =	shalt  }
0x6b: {  	_ =	shalt  }
0x6c: {  	_ =	shalt  }
0x6d: {  	_ =	shalt  }
0x6e: {  	_ =	shalt  }
0x6f: {  	_ =	shalt  }
0x70: {  	_ =	shalt  }
0x71: {  	_ =	shalt  }
0x72: {  	_ =	shalt  }
0x73: {  	_ =	shalt  }
0x74: {  	_ =	shalt  }
0x75: {  	_ =	shalt  }
0x76: {  	_ =	shalt  }
0x77: {  	_ =	shalt  }
0x78: {  	_ =	shalt  }
0x79: {  	_ =	shalt  }
0x7a: {  	_ =	shalt  }
0x7b: {  	_ =	shalt  }
0x7c: {  	_ =	shalt  }
0x7d: {  	_ =	shalt  }
0x7e: {  	_ =	shalt  }
0x7f: {  	_ =	shalt  }
0x80: {  	_ =	shalt  }
0x81: {  	_ =	shalt  }
0x82: {  	_ =	shalt  }
0x83: {  	_ =	shalt  }
0x84: {  	_ =	shalt  }
0x85: {  	_ =	shalt  }
0x86: {  	_ =	shalt  }
0x87: {  	_ =	shalt  }
.Lfunc_end0:
.L_simem_size_0:
called_computation.2_lowered:
.L_overlay_start_0:
0x88: {  	s2 =	sld [smem:$0x3FD9]  }
0x89: {  	s3 =	sld [smem:$0x3FFE];
	_ =	sdelay $0x1  }
0x8a: {  	s1 =	srdreg.scid  }
0x8b: {  	s0 =	sand.u32 $0x1, s1  }
0x8c: {  	s17 =	sshll.u32 s0, $0xA;
	s2 =	sadd.s32 s3, s2  }
0x8d: {  	s2 =	sadd.s32 s2, s17  }
0x8e: {  	[smem:$0x3FC5] =	sst s2  }
0x8f: {  	_ = 	snop  }
0x90: {  	s2 =	sld [smem:$0x3FD0];
	(tm) =	ssettm $0x1  }
0x91: {  	s18 =	sld [smem:$0x3FFB];
	_ =	sdelay $0x3  }
0x92: {  	_ =	strace s18  }
0x93: {  	s3 =	sld [smem:$0x3FFC];
	_ =	sdelay $0x3  }
0x94: {  	_ =	strace s3  }
0x95: {  	s3 =	sld [smem:$0x3FFD];
	_ =	sdelay $0x3  }
0x96: {  	_ =	strace s3  }
0x97: {  	_ =	strace $0x8FFFFFFF  }
0x98: {  	s19 =	sld [smem:$0x3FDB];
	_ =	sdelay $0x1  }
0x99: {  	s4 =	simm.s32 $_scs_section_size  }
0x9a: {  	s5 =	simm.s32 $_size__tile_overlayer_lowered;
	s6 =	simm.s32 $_tile_overlayer_lowered  }
0x9b: {  	s22 =	simm.s32 $0x1BFF;
	s21 =	sshll.u32 s6, $0x1;
	s3 =	sadd.s32 s4, s19  }
0x9c: {  	s7 =	simm.s32 $0x0;
	s20 =	sshll.u32 s5, $0x1;
	s5 =	sadd.s32 s21, s3  }
0x9d: {  	[timem:s7], [sflag:s22] =	dma.local [hbm:s5], s20  }
0x9e: {  	_ =	swait.ge [sflag:s22], s20  }
0x9f: {  	s4 =	ssub.s32 $0x0, s20;
	[sflag:s22] =	ssyncset.done $0x0  }
0xa0: {  	[sflag:s22] =	ssyncadd.s32 s4;
	_ =	sdelay $0x1  }
0xa1: {  	s23 =	simm.s32 $0x1B8B  }
0xa2: {  	_ =	swait.ge [sflag:s23], $0x1  }
0xa3: {  	[sflag:s23] =	ssyncset.done $0x0  }
0xa4: {  	s25 =	simm.s32 $0x1B8E;
	s24 =	sld [smem:$0x3FFE];
	[sflag:s23] =	ssyncadd.s32 $0xFFFFFFFF  }
0xa5: {  	s26 =	simm.s32 $execute0_lowered;
	[smem:$0x3FD2] =	sst s25  }
0xa6: {  	s5 =	sshll.u32 s26, $0x1;
	_ =	strace $0x80000049;
	[dreg:$0x1] =	wrdreg $0xFFFFFFFF  }
0xa7: {  	s28 =	simm.s32 $_size_execute0_lowered;
	s3 =	sadd.s32 s3, s5;
	[dreg:$0x0] =	wrdreg $0x0  }
0xa8: {  	s5 =	sshll.u32 s28, $0x1;
	[dreg:$0x2] =	wrdreg s3  }
0xa9: {  	[dreg:$0x3] =	wrdreg s5  }
0xaa: {  	[dreg:$0x4] =	wrdreg $0xC0  }
0xab: {  	_ =	task [dreg:s7], $0x5FFFF  }
0xac: {  	[dreg:$0x1] =	wrdreg $0xFFFFFFFF  }
0xad: {  	[dreg:$0x0] =	wrdreg $0x60  }
0xae: {  	[dreg:$0x2] =	wrdreg s2  }
0xaf: {  	[dreg:$0x3] =	wrdreg s24  }
0xb0: {  	[dreg:$0x4] =	wrdreg $0x9  }
0xb1: {  	_ =	task.clear_ibuf [dreg:s7], $0x5FFFF;
	_ =	strace $0x90000049  }
0xb2: {  	s29 =	simm.s32 $0x9;
	_ =	strace $0x8000004B  }
0xb3: {  	_ =	swait.ge [sflag:s29], $0x1  }
0xb4: {  	[sflag:s29] =	ssyncadd.s32 $0xFFFFFFFF  }
0xb5: {  	_ =	strace $0x9000004B  }
0xb6: {  	_ =	sfence  }
0xb7: {  	s30 =	sld [smem:$0x0];
	_ =	sdelay $0x2  }
0xb8: {  	s31 =	sshll.u32 s1, $0xD;
	s1 =	sshrl.u32 s1, $0x2  }
0xb9: {  	s3 =	sand.u32 $0x4000, s31;
	s1 =	sadd.s32 s1, s30  }
0xba: {  	s0 =	sor.u32 s3, s0;
	s1 =	sshll.u32 s1, $0x11  }
0xbb: {  	s0 =	sor.u32 s1, s0  }
0xbc: {  	s0 =	sadd.s32 $0x8F2B, s0  }
0xbd: {  	[sflag:s0] =	ssyncadd.remote.s32 $0x1  }
0xbe: {  	_ =	sfence.sel $0xFFFF  }
0xbf: {  	[dreg:$0x0] =	wrdreg $0xFFFFFFFF;
	(pc) =	sbr.abs _section_cstart, $3  }
0xc0: {  	[dreg:$0x1] =	wrdreg $0xFFFFFFFF  }
0xc1: {  	_ =	task.clear_ibuf [dreg:s7], $0x2FFFF;
	_ =	strace $0x9FFFFFFF  }
0xc2: {  	(tm) =	ssettm $0x7FFFFFFF  }
0xc3: {  	_ =	shalt  }
tec
execute0_lowered:
.L_overlay_start_1:
0x0: {  	(tag) =	ssettag $0x1  }
0x1: {  	s2 =	rddreg [dreg:$0x0]  }
0x2: {  	s0 =	rddreg [dreg:$0x1];
	s1 =	srdreg.scid  }
0x3: {  	s3 =	stileid.u32;
	s5 =	simm.s32 $0x0;
	s21 =	simm.s32 $0x258  }
0x4: {  	s23 =	simm.s32 $0x80;
	s24 =	simm.s32 $0x3520;
	s28 =	simm.s32 $0x2  }
0x5: {  	s29 =	simm.s32 $0x6720;
	s17 =	simm.s32 $0x3;
	s10 =	simm.s32 $0x6  }
0x6: {  	s11 =	simm.s32 $0x4;
	s16 =	simm.s32 $0xCB20;
	s22 =	simm.s32 $0x7  }
0x7: {  	s9 =	simm.s32 $0x0;
	s20 =	simm.s32 $0xC8;
	s1 =	sand.u32 $0x1, s1  }
0x8: {  	s3 =	sshll.u32 s3, $0x8;
	[smem:$0x7FF] =	sst s5;
	s5 =	sadd.s32 $0x1200, s0  }
0x9: {  	s6 =	sadd.s32 $0x7A2400, s0;
	s7 =	sadd.s32 $0x7A2C00, s0;
	s4 =	sshll.u32 s1, $0x7  }
0xa: {  	_ =	strace $0x8000004A;
	s1 =	ssub.s32 $0x2, s1;
	s4 =	sor.u32 s4, s3  }
0xb: {  	[dreg:$0x3] =	wrdreg s6;
	s25 =	sshrl.u32 s1, $0x1;
	s3 =	smul.u32 $0x19, s4  }
0xc: {  	s26 =	ssub.s32 s1, s25;
	s12 =	sor.u32 $0x4, s4;
	s13 =	sor.u32 $0x5, s4  }
0xd: {  	s14 =	sor.u32 $0x6, s4;
	s15 =	sor.u32 $0x7, s4;
	s0 =	smax.u32 s26, $0x1  }
.Ltmp0:
0xe: {  	s30 =	sadd.s32 s2, s3;
	[dreg:$0x8] =	wrdreg s0;
	(pc) =	sbr.rel .LBB2_1-.Ltmp0, $4  }
0xf: {  	s25 =	simm.s32 $0x48;
	s3 =	sadd.s32 $0x19, s30;
	[dreg:$0x4] =	wrdreg s30  }
0x10: {  	s26 =	simm.s32 $0x9920;
	s31 =	sadd.s32 $0x32, s30;
	[dreg:$0x5] =	wrdreg s3  }
0x11: {  	s0 =	simm.s32 $0x5;
	s1 =	sadd.s32 $0x4B, s30;
	[dreg:$0x6] =	wrdreg s31  }
0x12: {  	[dreg:$0x7] =	wrdreg s1;
	s1 =	simm.s32 $0x40;
	s3 =	simm.s32 $0xA  }
.LBB2_12:
0x13: {  	s6 =	simm.s32 $0x9  }
0x14: {  	_ =	swait.ge [sflag:s6], $0x3200  }
0x15: {  	[sflag:s6] =	ssyncset.done $0x0  }
0x16: {  	[sflag:s6] =	ssyncadd.s32 $0xFFFFCE00  }
0x17: {  	_ =	swait.ge [sflag:s3], $0x3200  }
0x18: {  	[sflag:s3] =	ssyncset.done $0x0  }
0x19: {  	s30 =	simm.s32 $0xB;
	[sflag:s3] =	ssyncadd.s32 $0xFFFFCE00  }
0x1a: {  	_ =	swait.ge [sflag:s30], $0x3200  }
0x1b: {  	[sflag:s30] =	ssyncset.done $0x0  }
0x1c: {  	s8 =	simm.s32 $0xC;
	[sflag:s30] =	ssyncadd.s32 $0xFFFFCE00  }
0x1d: {  	_ =	swait.ge [sflag:s8], $0x3200  }
0x1e: {  	s9 =	rddreg [dreg:$0x9]  }
0x1f: {  	s31 =	rddreg [dreg:$0x8];
	s9 =	sadd.s32 $0x1, s9  }
0x20: {  	p0 =	sne.s32 s9, s31  }
.Ltmp1:
0x21: {  	_ = 	snop;
	(pc) =	sbr.rel @!p0 .LBB2_13-.Ltmp1, $3  }
0x22: {  	_ =	sdelay $0x1  }
0x23: {  	[sflag:s8] =	ssyncset.done $0x0  }
0x24: {  	[sflag:s8] =	ssyncadd.s32 $0xFFFFCE00  }
.LBB2_1:
0x25: {  	[dreg:$0x9] =	wrdreg s9;
	s6 =	simm.s32 $0x0  }
0x26: {  	s8 =	rddreg [dreg:$0x3];
	s31 =	simm.s32 $0x320;
	s9 =	simm.s32 $0xD  }
0x27: {  	[tilespmem:s31], [sflag:$0xD] =	stream.linear.gather [hbm4b:s8+s6], $0x3200, $0x38;
	[tilespmem:$0xFD20] =	vst v63  }
0x28: {  	_ =	swait.ge [sflag:s9], $0x3200  }
0x29: {  	[sflag:s9] =	ssyncset.done $0x0  }
0x2a: {  	s18 =	rddreg [dreg:$0x4];
	[sflag:s9] =	ssyncadd.s32 $0xFFFFCE00  }
0x2b: {  	[tilespmem:s6], [sflag:$0x1] =	stream.linear.gather [hbm4b:s18+s6], $0xC8, $0x38;
	[tilespmem:$0xFD20] =	vst v63  }
0x2c: {  	s19 =	rddreg [dreg:$0x5];
	s9 =	simm.s32 $0xC8  }
0x2d: {  	[tilespmem:s9], [sflag:$0x2] =	stream.linear.gather [hbm4b:s19+s6], $0xC8, $0x38;
	[tilespmem:$0xFD20] =	vst v63  }
0x2e: {  	s31 =	rddreg [dreg:$0x6];
	s18 =	simm.s32 $0x190  }
0x2f: {  	[tilespmem:s18], [sflag:$0x3] =	stream.linear.gather [hbm4b:s31+s6], $0xC8, $0x38;
	[tilespmem:$0xFD20] =	vst v63  }
0x30: {  	s19 =	rddreg [dreg:$0x7];
	s31 =	simm.s32 $0x1  }
0x31: {  	[tilespmem:s21], [sflag:$0x4] =	stream.linear.gather [hbm4b:s19+s6], $0xC8, $0x38;
	[tilespmem:$0xFD20] =	vst v63  }
0x32: {  	_ =	swait.ge [sflag:s31], $0xC8  }
0x33: {  	[sflag:s31] =	ssyncset.done $0x0  }
0x34: {  	[sflag:s31] =	ssyncadd.s32 $0xFFFFFF38  }
0x35: {  	[tilespmem:s24], [sflag:$0x5] =	stream.indirect.gather [hbm4b:s5+s23], $0x40, s6, s23, $0xb8;
	[tilespmem:$0xFD20] =	vst v63  }
0x36: {  	s18 =	simm.s32 $0x5520  }
0x37: {  	[tilespmem:s18], [sflag:$0x5] =	stream.indirect.gather [hbm4b:s5+s25], $0x40, s23, s25, $0xb8;
	[tilespmem:$0xFD20] =	vst v63  }
0x38: {  	_ =	swait.ge [sflag:s28], $0xC8  }
0x39: {  	[sflag:s28] =	ssyncset.done $0x0  }
0x3a: {  	[sflag:s28] =	ssyncadd.s32 $0xFFFFFF38  }
0x3b: {  	[tilespmem:s29], [sflag:$0x6] =	stream.indirect.gather [hbm4b:s5+s23], $0x40, s9, s23, $0xb8;
	[tilespmem:$0xFD20] =	vst v63  }
0x3c: {  	s30 =	simm.s32 $0x0;
	s19 =	simm.s32 $0x148;
	s31 =	simm.s32 $0x8720  }
0x3d: {  	[tilespmem:s31], [sflag:$0x6] =	stream.indirect.gather [hbm4b:s5+s25], $0x40, s19, s25, $0xb8;
	[tilespmem:$0xFD20] =	vst v63  }
.LBB2_2:
0x3e: {  	_ =	swait.ge [sflag:s0], $0x2000  }
0x3f: {  	s31 =	sshll.u32 s30, $0x2;
	p0 =	seq.s32 s30, $0x1F;
	[sflag:s0] =	ssyncset.done $0x0  }
0x40: {  	s6 =	sadd.s32 @!p0 s31, s12;
	[sflag:s0] =	ssyncadd.s32 $0xFFFFE000  }
0x41: {  	s6 =	smul.u32 @!p0 $0x19, s6;
	_ =	swait.ge [sflag:s0], $0x1200  }
0x42: {  	[sflag:s0] =	ssyncset.done $0x0  }
0x43: {  	s8 =	simm.s32 @!p0 $0x0;
	s6 =	sadd.s32 @!p0 s2, s6;
	[sflag:s0] =	ssyncadd.s32 $0xFFFFEE00  }
0x44: {  	[tilespmem:s8], [sflag:$0x1] =	stream.linear.gather @!p0 [hbm4b:s6+s8], $0xC8, $0x38;
	[tilespmem:$0xFD20] =	vst v63  }
0x45: {  	s6 =	simm.s32 $0x0  }
0x46: {  	v0 =	vld [tilespmem:s6+$0x510]  }
0x47: {  	v1 =	vld [tilespmem:s6+$0x320]  }
0x48: {  	v2 =	vld [tilespmem:s6+$0x330]  }
0x49: {  	v3 =	vld [tilespmem:s6+$0x340]  }
0x4a: {  	v4 =	vld [tilespmem:s6+$0x350]  }
0x4b: {  	v5 =	vld [tilespmem:s6+$0x360]  }
0x4c: {  	v6 =	vld [tilespmem:s6+$0x370]  }
0x4d: {  	v7 =	vld [tilespmem:s6+$0x380]  }
0x4e: {  	v8 =	vld [tilespmem:s6+$0x390]  }
0x4f: {  	v9 =	vld [tilespmem:s6+$0x3A0]  }
0x50: {  	v10 =	vld [tilespmem:s6+$0x3B0]  }
0x51: {  	v11 =	vld [tilespmem:s6+$0x3C0]  }
0x52: {  	v12 =	vld [tilespmem:s6+$0x3D0]  }
0x53: {  	v13 =	vld [tilespmem:s6+$0x3E0]  }
0x54: {  	v14 =	vld [tilespmem:s6+$0x3F0]  }
0x55: {  	v15 =	vld [tilespmem:s6+$0x400]  }
0x56: {  	v16 =	vld [tilespmem:s6+$0x410]  }
0x57: {  	v17 =	vld [tilespmem:s6+$0x420]  }
0x58: {  	v18 =	vld [tilespmem:s6+$0x430]  }
0x59: {  	v19 =	vld [tilespmem:s6+$0x440]  }
0x5a: {  	v20 =	vld [tilespmem:s6+$0x450]  }
0x5b: {  	v21 =	vld [tilespmem:s6+$0x460]  }
0x5c: {  	v22 =	vld [tilespmem:s6+$0x470]  }
0x5d: {  	v23 =	vld [tilespmem:s6+$0x480]  }
0x5e: {  	v24 =	vld [tilespmem:s6+$0x490]  }
0x5f: {  	v25 =	vld [tilespmem:s6+$0x4A0]  }
0x60: {  	v26 =	vld [tilespmem:s6+$0x4B0]  }
0x61: {  	v27 =	vld [tilespmem:s6+$0x4C0]  }
0x62: {  	v28 =	vld [tilespmem:s6+$0x4D0]  }
0x63: {  	v29 =	vld [tilespmem:s6+$0x4E0]  }
0x64: {  	v30 =	vld [tilespmem:s6+$0x4F0]  }
0x65: {  	[tilespmem:s6+$0x3710] =	vst.add.f32.msk $0xffff, v0  }
0x66: {  	v0 =	vld [tilespmem:s6+$0x500]  }
0x67: {  	[tilespmem:s6+$0x3520] =	vst.add.f32.msk $0xffff, v1  }
0x68: {  	[tilespmem:s6+$0x3530] =	vst.add.f32.msk $0xffff, v2  }
0x69: {  	[tilespmem:s6+$0x3540] =	vst.add.f32.msk $0xffff, v3  }
0x6a: {  	[tilespmem:s6+$0x3550] =	vst.add.f32.msk $0xffff, v4  }
0x6b: {  	[tilespmem:s6+$0x3560] =	vst.add.f32.msk $0xffff, v5  }
0x6c: {  	[tilespmem:s6+$0x3570] =	vst.add.f32.msk $0xffff, v6  }
0x6d: {  	[tilespmem:s6+$0x3580] =	vst.add.f32.msk $0xffff, v7  }
0x6e: {  	[tilespmem:s6+$0x3590] =	vst.add.f32.msk $0xffff, v8  }
0x6f: {  	[tilespmem:s6+$0x35A0] =	vst.add.f32.msk $0xffff, v9  }
0x70: {  	[tilespmem:s6+$0x35B0] =	vst.add.f32.msk $0xffff, v10  }
0x71: {  	[tilespmem:s6+$0x35C0] =	vst.add.f32.msk $0xffff, v11  }
0x72: {  	[tilespmem:s6+$0x35D0] =	vst.add.f32.msk $0xffff, v12  }
0x73: {  	[tilespmem:s6+$0x35E0] =	vst.add.f32.msk $0xffff, v13  }
0x74: {  	[tilespmem:s6+$0x35F0] =	vst.add.f32.msk $0xffff, v14  }
0x75: {  	[tilespmem:s6+$0x3600] =	vst.add.f32.msk $0xffff, v15  }
0x76: {  	[tilespmem:s6+$0x3610] =	vst.add.f32.msk $0xffff, v16  }
0x77: {  	[tilespmem:s6+$0x3620] =	vst.add.f32.msk $0xffff, v17  }
0x78: {  	[tilespmem:s6+$0x3630] =	vst.add.f32.msk $0xffff, v18  }
0x79: {  	[tilespmem:s6+$0x3640] =	vst.add.f32.msk $0xffff, v19  }
0x7a: {  	[tilespmem:s6+$0x3650] =	vst.add.f32.msk $0xffff, v20  }
0x7b: {  	[tilespmem:s6+$0x3660] =	vst.add.f32.msk $0xffff, v21  }
0x7c: {  	[tilespmem:s6+$0x3670] =	vst.add.f32.msk $0xffff, v22  }
0x7d: {  	[tilespmem:s6+$0x3680] =	vst.add.f32.msk $0xffff, v23  }
0x7e: {  	[tilespmem:s6+$0x3690] =	vst.add.f32.msk $0xffff, v24  }
0x7f: {  	[tilespmem:s6+$0x36A0] =	vst.add.f32.msk $0xffff, v25  }
0x80: {  	[tilespmem:s6+$0x36B0] =	vst.add.f32.msk $0xffff, v26  }
0x81: {  	[tilespmem:s6+$0x36C0] =	vst.add.f32.msk $0xffff, v27  }
0x82: {  	[tilespmem:s6+$0x36D0] =	vst.add.f32.msk $0xffff, v28  }
0x83: {  	[tilespmem:s6+$0x36E0] =	vst.add.f32.msk $0xffff, v29  }
0x84: {  	s9 =	simm.s32 $0x800;
	s8 =	simm.s32 $0x0;
	[tilespmem:s6+$0x36F0] =	vst.add.f32.msk $0xffff, v30  }
.LBB2_3:
0x85: {  	s8 =	sadd.s32 $0x8, s8;
	[tilespmem:s6+$0x3700] =	vst.add.f32.msk $0xffff, v0;
	s6 =	sshra.s32 s9, $0x2  }
0x86: {  	v0 =	vld [tilespmem:s6+$0x510];
	p1 =	slt.u32 s8, $0xC0  }
0x87: {  	v1 =	vld [tilespmem:s6+$0x320]  }
0x88: {  	v2 =	vld [tilespmem:s6+$0x330]  }
0x89: {  	v3 =	vld [tilespmem:s6+$0x340]  }
0x8a: {  	v4 =	vld [tilespmem:s6+$0x350]  }
0x8b: {  	[tilespmem:s6+$0x3710] =	vst.add.f32.msk $0xffff, v0  }
0x8c: {  	v5 =	vld [tilespmem:s6+$0x360]  }
0x8d: {  	v6 =	vld [tilespmem:s6+$0x370]  }
0x8e: {  	v7 =	vld [tilespmem:s6+$0x380]  }
0x8f: {  	v8 =	vld [tilespmem:s6+$0x390]  }
0x90: {  	v9 =	vld [tilespmem:s6+$0x3A0]  }
0x91: {  	v10 =	vld [tilespmem:s6+$0x3B0]  }
0x92: {  	v11 =	vld [tilespmem:s6+$0x3C0]  }
0x93: {  	v12 =	vld [tilespmem:s6+$0x3D0]  }
0x94: {  	v13 =	vld [tilespmem:s6+$0x3E0]  }
0x95: {  	v14 =	vld [tilespmem:s6+$0x3F0]  }
0x96: {  	v15 =	vld [tilespmem:s6+$0x400]  }
0x97: {  	v16 =	vld [tilespmem:s6+$0x410]  }
0x98: {  	v17 =	vld [tilespmem:s6+$0x420]  }
0x99: {  	v18 =	vld [tilespmem:s6+$0x430]  }
0x9a: {  	v19 =	vld [tilespmem:s6+$0x440]  }
0x9b: {  	v20 =	vld [tilespmem:s6+$0x450]  }
0x9c: {  	v21 =	vld [tilespmem:s6+$0x460]  }
0x9d: {  	v22 =	vld [tilespmem:s6+$0x470]  }
0x9e: {  	v23 =	vld [tilespmem:s6+$0x480]  }
0x9f: {  	v24 =	vld [tilespmem:s6+$0x490]  }
0xa0: {  	v25 =	vld [tilespmem:s6+$0x4A0]  }
0xa1: {  	v26 =	vld [tilespmem:s6+$0x4B0]  }
0xa2: {  	v27 =	vld [tilespmem:s6+$0x4C0]  }
0xa3: {  	v28 =	vld [tilespmem:s6+$0x4D0]  }
0xa4: {  	v29 =	vld [tilespmem:s6+$0x4E0]  }
0xa5: {  	v30 =	vld [tilespmem:s6+$0x4F0]  }
0xa6: {  	v0 =	vld [tilespmem:s6+$0x500]  }
0xa7: {  	[tilespmem:s6+$0x3520] =	vst.add.f32.msk $0xffff, v1  }
0xa8: {  	[tilespmem:s6+$0x3530] =	vst.add.f32.msk $0xffff, v2  }
0xa9: {  	[tilespmem:s6+$0x3540] =	vst.add.f32.msk $0xffff, v3  }
0xaa: {  	[tilespmem:s6+$0x3550] =	vst.add.f32.msk $0xffff, v4  }
0xab: {  	[tilespmem:s6+$0x3560] =	vst.add.f32.msk $0xffff, v5  }
0xac: {  	[tilespmem:s6+$0x3570] =	vst.add.f32.msk $0xffff, v6  }
0xad: {  	[tilespmem:s6+$0x3580] =	vst.add.f32.msk $0xffff, v7  }
0xae: {  	[tilespmem:s6+$0x3590] =	vst.add.f32.msk $0xffff, v8  }
0xaf: {  	[tilespmem:s6+$0x35A0] =	vst.add.f32.msk $0xffff, v9  }
0xb0: {  	[tilespmem:s6+$0x35B0] =	vst.add.f32.msk $0xffff, v10  }
0xb1: {  	[tilespmem:s6+$0x35C0] =	vst.add.f32.msk $0xffff, v11  }
0xb2: {  	[tilespmem:s6+$0x35D0] =	vst.add.f32.msk $0xffff, v12  }
0xb3: {  	[tilespmem:s6+$0x35E0] =	vst.add.f32.msk $0xffff, v13  }
0xb4: {  	[tilespmem:s6+$0x35F0] =	vst.add.f32.msk $0xffff, v14  }
0xb5: {  	[tilespmem:s6+$0x3600] =	vst.add.f32.msk $0xffff, v15  }
0xb6: {  	[tilespmem:s6+$0x3610] =	vst.add.f32.msk $0xffff, v16  }
0xb7: {  	[tilespmem:s6+$0x3620] =	vst.add.f32.msk $0xffff, v17  }
0xb8: {  	[tilespmem:s6+$0x3630] =	vst.add.f32.msk $0xffff, v18  }
0xb9: {  	[tilespmem:s6+$0x3640] =	vst.add.f32.msk $0xffff, v19  }
0xba: {  	[tilespmem:s6+$0x3650] =	vst.add.f32.msk $0xffff, v20  }
0xbb: {  	[tilespmem:s6+$0x3660] =	vst.add.f32.msk $0xffff, v21  }
0xbc: {  	[tilespmem:s6+$0x3670] =	vst.add.f32.msk $0xffff, v22  }
0xbd: {  	[tilespmem:s6+$0x3680] =	vst.add.f32.msk $0xffff, v23  }
0xbe: {  	[tilespmem:s6+$0x3690] =	vst.add.f32.msk $0xffff, v24  }
0xbf: {  	[tilespmem:s6+$0x36A0] =	vst.add.f32.msk $0xffff, v25  }
.Ltmp2:
0xc0: {  	[tilespmem:s6+$0x36B0] =	vst.add.f32.msk $0xffff, v26;
	(pc) =	sbr.rel @p1 .LBB2_3-.Ltmp2, $4  }
0xc1: {  	[tilespmem:s6+$0x36C0] =	vst.add.f32.msk $0xffff, v27  }
0xc2: {  	[tilespmem:s6+$0x36D0] =	vst.add.f32.msk $0xffff, v28  }
0xc3: {  	[tilespmem:s6+$0x36E0] =	vst.add.f32.msk $0xffff, v29  }
0xc4: {  	s9 =	sadd.s32 $0x800, s9;
	[tilespmem:s6+$0x36F0] =	vst.add.f32.msk $0xffff, v30  }
0xc5: {  	s8 =	sadd.s32 s4, s31  }
0xc6: {  	s8 =	smul.u32 $0xC80, s8  }
0xc7: {  	p1 =	seq.s32 s30, $0x0  }
0xc8: {  	[tilespmem:s6+$0x3700] =	vst.add.f32.msk $0xffff, v0;
	s6 =	simm.s32 @!p1 $0xB;
	s8 =	sadd.s32 s7, s8  }
0xc9: {  	[hbm4b:s8+s1] =	stream.strided.scatter [tilespmem:s24], [sflag:$0x9], $0x3200, s23, s1, $0x38;
	[tilespmem:$0xFD20] =	vst v63  }
0xca: {  	_ =	swait.ge @!p1 [sflag:s6], $0x3200  }
0xcb: {  	[sflag:s6] =	ssyncset.done @!p1 $0x0  }
0xcc: {  	[sflag:s6] =	ssyncadd.s32 @!p1 $0xFFFFCE00  }
0xcd: {  	_ =	swait.ge [sflag:s17], $0xC8  }
0xce: {  	[sflag:s17] =	ssyncset.done $0x0  }
0xcf: {  	s9 =	simm.s32 $0x190;
	[sflag:s17] =	ssyncadd.s32 $0xFFFFFF38  }
0xd0: {  	[tilespmem:s26], [sflag:$0x7] =	stream.indirect.gather [hbm4b:s5+s23], $0x40, s9, s23, $0xb8;
	[tilespmem:$0xFD20] =	vst v63  }
0xd1: {  	s18 =	simm.s32 $0x210;
	s19 =	simm.s32 $0xB920  }
0xd2: {  	[tilespmem:s19], [sflag:$0x7] =	stream.indirect.gather [hbm4b:s5+s25], $0x40, s18, s25, $0xb8;
	[tilespmem:$0xFD20] =	vst v63  }
0xd3: {  	_ =	swait.ge [sflag:s10], $0x2000  }
0xd4: {  	[sflag:s10] =	ssyncset.done $0x0  }
0xd5: {  	s6 =	sadd.s32 @!p0 s31, s13;
	[sflag:s10] =	ssyncadd.s32 $0xFFFFE000  }
0xd6: {  	s6 =	smul.u32 @!p0 $0x19, s6;
	_ =	swait.ge [sflag:s10], $0x1200  }
0xd7: {  	s8 =	simm.s32 @!p0 $0x0;
	[sflag:s10] =	ssyncset.done $0x0  }
0xd8: {  	s6 =	sadd.s32 @!p0 s2, s6;
	s9 =	simm.s32 @!p0 $0xC8;
	[sflag:s10] =	ssyncadd.s32 $0xFFFFEE00  }
0xd9: {  	[tilespmem:s9], [sflag:$0x2] =	stream.linear.gather @!p0 [hbm4b:s6+s8], $0xC8, $0x38;
	[tilespmem:$0xFD20] =	vst v63  }
0xda: {  	s6 =	simm.s32 $0x0  }
0xdb: {  	v0 =	vld [tilespmem:s6+$0x510]  }
0xdc: {  	v1 =	vld [tilespmem:s6+$0x320]  }
0xdd: {  	v2 =	vld [tilespmem:s6+$0x330]  }
0xde: {  	v3 =	vld [tilespmem:s6+$0x340]  }
0xdf: {  	v4 =	vld [tilespmem:s6+$0x350]  }
0xe0: {  	v5 =	vld [tilespmem:s6+$0x360]  }
0xe1: {  	v6 =	vld [tilespmem:s6+$0x370]  }
0xe2: {  	v7 =	vld [tilespmem:s6+$0x380]  }
0xe3: {  	v8 =	vld [tilespmem:s6+$0x390]  }
0xe4: {  	v9 =	vld [tilespmem:s6+$0x3A0]  }
0xe5: {  	v10 =	vld [tilespmem:s6+$0x3B0]  }
0xe6: {  	v11 =	vld [tilespmem:s6+$0x3C0]  }
0xe7: {  	v12 =	vld [tilespmem:s6+$0x3D0]  }
0xe8: {  	v13 =	vld [tilespmem:s6+$0x3E0]  }
0xe9: {  	v14 =	vld [tilespmem:s6+$0x3F0]  }
0xea: {  	v15 =	vld [tilespmem:s6+$0x400]  }
0xeb: {  	v16 =	vld [tilespmem:s6+$0x410]  }
0xec: {  	v17 =	vld [tilespmem:s6+$0x420]  }
0xed: {  	v18 =	vld [tilespmem:s6+$0x430]  }
0xee: {  	v19 =	vld [tilespmem:s6+$0x440]  }
0xef: {  	v20 =	vld [tilespmem:s6+$0x450]  }
0xf0: {  	v21 =	vld [tilespmem:s6+$0x460]  }
0xf1: {  	v22 =	vld [tilespmem:s6+$0x470]  }
0xf2: {  	v23 =	vld [tilespmem:s6+$0x480]  }
0xf3: {  	v24 =	vld [tilespmem:s6+$0x490]  }
0xf4: {  	v25 =	vld [tilespmem:s6+$0x4A0]  }
0xf5: {  	v26 =	vld [tilespmem:s6+$0x4B0]  }
0xf6: {  	v27 =	vld [tilespmem:s6+$0x4C0]  }
0xf7: {  	v28 =	vld [tilespmem:s6+$0x4D0]  }
0xf8: {  	v29 =	vld [tilespmem:s6+$0x4E0]  }
0xf9: {  	v30 =	vld [tilespmem:s6+$0x4F0]  }
0xfa: {  	[tilespmem:s6+$0x6910] =	vst.add.f32.msk $0xffff, v0  }
0xfb: {  	v0 =	vld [tilespmem:s6+$0x500]  }
0xfc: {  	[tilespmem:s6+$0x6720] =	vst.add.f32.msk $0xffff, v1  }
0xfd: {  	[tilespmem:s6+$0x6730] =	vst.add.f32.msk $0xffff, v2  }
0xfe: {  	[tilespmem:s6+$0x6740] =	vst.add.f32.msk $0xffff, v3  }
0xff: {  	[tilespmem:s6+$0x6750] =	vst.add.f32.msk $0xffff, v4  }
0x100: {  	[tilespmem:s6+$0x6760] =	vst.add.f32.msk $0xffff, v5  }
0x101: {  	[tilespmem:s6+$0x6770] =	vst.add.f32.msk $0xffff, v6  }
0x102: {  	[tilespmem:s6+$0x6780] =	vst.add.f32.msk $0xffff, v7  }
0x103: {  	[tilespmem:s6+$0x6790] =	vst.add.f32.msk $0xffff, v8  }
0x104: {  	[tilespmem:s6+$0x67A0] =	vst.add.f32.msk $0xffff, v9  }
0x105: {  	[tilespmem:s6+$0x67B0] =	vst.add.f32.msk $0xffff, v10  }
0x106: {  	[tilespmem:s6+$0x67C0] =	vst.add.f32.msk $0xffff, v11  }
0x107: {  	[tilespmem:s6+$0x67D0] =	vst.add.f32.msk $0xffff, v12  }
0x108: {  	[tilespmem:s6+$0x67E0] =	vst.add.f32.msk $0xffff, v13  }
0x109: {  	[tilespmem:s6+$0x67F0] =	vst.add.f32.msk $0xffff, v14  }
0x10a: {  	[tilespmem:s6+$0x6800] =	vst.add.f32.msk $0xffff, v15  }
0x10b: {  	[tilespmem:s6+$0x6810] =	vst.add.f32.msk $0xffff, v16  }
0x10c: {  	[tilespmem:s6+$0x6820] =	vst.add.f32.msk $0xffff, v17  }
0x10d: {  	[tilespmem:s6+$0x6830] =	vst.add.f32.msk $0xffff, v18  }
0x10e: {  	[tilespmem:s6+$0x6840] =	vst.add.f32.msk $0xffff, v19  }
0x10f: {  	[tilespmem:s6+$0x6850] =	vst.add.f32.msk $0xffff, v20  }
0x110: {  	[tilespmem:s6+$0x6860] =	vst.add.f32.msk $0xffff, v21  }
0x111: {  	[tilespmem:s6+$0x6870] =	vst.add.f32.msk $0xffff, v22  }
0x112: {  	[tilespmem:s6+$0x6880] =	vst.add.f32.msk $0xffff, v23  }
0x113: {  	[tilespmem:s6+$0x6890] =	vst.add.f32.msk $0xffff, v24  }
0x114: {  	[tilespmem:s6+$0x68A0] =	vst.add.f32.msk $0xffff, v25  }
0x115: {  	[tilespmem:s6+$0x68B0] =	vst.add.f32.msk $0xffff, v26  }
0x116: {  	[tilespmem:s6+$0x68C0] =	vst.add.f32.msk $0xffff, v27  }
0x117: {  	[tilespmem:s6+$0x68D0] =	vst.add.f32.msk $0xffff, v28  }
0x118: {  	s18 =	simm.s32 $0x0;
	[tilespmem:s6+$0x68E0] =	vst.add.f32.msk $0xffff, v29  }
0x119: {  	s19 =	simm.s32 $0x800;
	s9 =	sor.u32 $0x2, s31;
	s8 =	sor.u32 $0x1, s31;
	[tilespmem:s6+$0x68F0] =	vst.add.f32.msk $0xffff, v30  }
.LBB2_5:
0x11a: {  	s18 =	sadd.s32 $0x8, s18;
	[tilespmem:s6+$0x6900] =	vst.add.f32.msk $0xffff, v0;
	s6 =	sshra.s32 s19, $0x2  }
0x11b: {  	v0 =	vld [tilespmem:s6+$0x510];
	p2 =	slt.u32 s18, $0xC0  }
0x11c: {  	v1 =	vld [tilespmem:s6+$0x320]  }
0x11d: {  	v2 =	vld [tilespmem:s6+$0x330]  }
0x11e: {  	v3 =	vld [tilespmem:s6+$0x340]  }
0x11f: {  	v4 =	vld [tilespmem:s6+$0x350]  }
0x120: {  	[tilespmem:s6+$0x6910] =	vst.add.f32.msk $0xffff, v0  }
0x121: {  	v5 =	vld [tilespmem:s6+$0x360]  }
0x122: {  	v6 =	vld [tilespmem:s6+$0x370]  }
0x123: {  	v7 =	vld [tilespmem:s6+$0x380]  }
0x124: {  	v8 =	vld [tilespmem:s6+$0x390]  }
0x125: {  	v9 =	vld [tilespmem:s6+$0x3A0]  }
0x126: {  	v10 =	vld [tilespmem:s6+$0x3B0]  }
0x127: {  	v11 =	vld [tilespmem:s6+$0x3C0]  }
0x128: {  	v12 =	vld [tilespmem:s6+$0x3D0]  }
0x129: {  	v13 =	vld [tilespmem:s6+$0x3E0]  }
0x12a: {  	v14 =	vld [tilespmem:s6+$0x3F0]  }
0x12b: {  	v15 =	vld [tilespmem:s6+$0x400]  }
0x12c: {  	v16 =	vld [tilespmem:s6+$0x410]  }
0x12d: {  	v17 =	vld [tilespmem:s6+$0x420]  }
0x12e: {  	v18 =	vld [tilespmem:s6+$0x430]  }
0x12f: {  	v19 =	vld [tilespmem:s6+$0x440]  }
0x130: {  	v20 =	vld [tilespmem:s6+$0x450]  }
0x131: {  	v21 =	vld [tilespmem:s6+$0x460]  }
0x132: {  	v22 =	vld [tilespmem:s6+$0x470]  }
0x133: {  	v23 =	vld [tilespmem:s6+$0x480]  }
0x134: {  	v24 =	vld [tilespmem:s6+$0x490]  }
0x135: {  	v25 =	vld [tilespmem:s6+$0x4A0]  }
0x136: {  	v26 =	vld [tilespmem:s6+$0x4B0]  }
0x137: {  	v27 =	vld [tilespmem:s6+$0x4C0]  }
0x138: {  	v28 =	vld [tilespmem:s6+$0x4D0]  }
0x139: {  	v29 =	vld [tilespmem:s6+$0x4E0]  }
0x13a: {  	v30 =	vld [tilespmem:s6+$0x4F0]  }
0x13b: {  	v0 =	vld [tilespmem:s6+$0x500]  }
0x13c: {  	[tilespmem:s6+$0x6720] =	vst.add.f32.msk $0xffff, v1  }
0x13d: {  	[tilespmem:s6+$0x6730] =	vst.add.f32.msk $0xffff, v2  }
0x13e: {  	[tilespmem:s6+$0x6740] =	vst.add.f32.msk $0xffff, v3  }
0x13f: {  	[tilespmem:s6+$0x6750] =	vst.add.f32.msk $0xffff, v4  }
0x140: {  	[tilespmem:s6+$0x6760] =	vst.add.f32.msk $0xffff, v5  }
0x141: {  	[tilespmem:s6+$0x6770] =	vst.add.f32.msk $0xffff, v6  }
0x142: {  	[tilespmem:s6+$0x6780] =	vst.add.f32.msk $0xffff, v7  }
0x143: {  	[tilespmem:s6+$0x6790] =	vst.add.f32.msk $0xffff, v8  }
0x144: {  	[tilespmem:s6+$0x67A0] =	vst.add.f32.msk $0xffff, v9  }
0x145: {  	[tilespmem:s6+$0x67B0] =	vst.add.f32.msk $0xffff, v10  }
0x146: {  	[tilespmem:s6+$0x67C0] =	vst.add.f32.msk $0xffff, v11  }
0x147: {  	[tilespmem:s6+$0x67D0] =	vst.add.f32.msk $0xffff, v12  }
0x148: {  	[tilespmem:s6+$0x67E0] =	vst.add.f32.msk $0xffff, v13  }
0x149: {  	[tilespmem:s6+$0x67F0] =	vst.add.f32.msk $0xffff, v14  }
0x14a: {  	[tilespmem:s6+$0x6800] =	vst.add.f32.msk $0xffff, v15  }
0x14b: {  	[tilespmem:s6+$0x6810] =	vst.add.f32.msk $0xffff, v16  }
0x14c: {  	[tilespmem:s6+$0x6820] =	vst.add.f32.msk $0xffff, v17  }
0x14d: {  	[tilespmem:s6+$0x6830] =	vst.add.f32.msk $0xffff, v18  }
0x14e: {  	[tilespmem:s6+$0x6840] =	vst.add.f32.msk $0xffff, v19  }
0x14f: {  	[tilespmem:s6+$0x6850] =	vst.add.f32.msk $0xffff, v20  }
0x150: {  	[tilespmem:s6+$0x6860] =	vst.add.f32.msk $0xffff, v21  }
0x151: {  	[tilespmem:s6+$0x6870] =	vst.add.f32.msk $0xffff, v22  }
0x152: {  	[tilespmem:s6+$0x6880] =	vst.add.f32.msk $0xffff, v23  }
0x153: {  	[tilespmem:s6+$0x6890] =	vst.add.f32.msk $0xffff, v24  }
0x154: {  	[tilespmem:s6+$0x68A0] =	vst.add.f32.msk $0xffff, v25  }
.Ltmp3:
0x155: {  	[tilespmem:s6+$0x68B0] =	vst.add.f32.msk $0xffff, v26;
	(pc) =	sbr.rel @p2 .LBB2_5-.Ltmp3, $4  }
0x156: {  	[tilespmem:s6+$0x68C0] =	vst.add.f32.msk $0xffff, v27  }
0x157: {  	[tilespmem:s6+$0x68D0] =	vst.add.f32.msk $0xffff, v28  }
0x158: {  	[tilespmem:s6+$0x68E0] =	vst.add.f32.msk $0xffff, v29  }
0x159: {  	s19 =	sadd.s32 $0x800, s19;
	[tilespmem:s6+$0x68F0] =	vst.add.f32.msk $0xffff, v30  }
0x15a: {  	s8 =	sadd.s32 s4, s8  }
0x15b: {  	s8 =	smul.u32 $0xC80, s8;
	_ =	sdelay $0x1  }
0x15c: {  	[tilespmem:s6+$0x6900] =	vst.add.f32.msk $0xffff, v0;
	s6 =	simm.s32 @!p1 $0xC;
	s8 =	sadd.s32 s7, s8  }
0x15d: {  	[hbm4b:s8+s1] =	stream.strided.scatter [tilespmem:s29], [sflag:$0xA], $0x3200, s23, s1, $0x38;
	[tilespmem:$0xFD20] =	vst v63  }
0x15e: {  	_ =	swait.ge @!p1 [sflag:s6], $0x3200  }
0x15f: {  	[sflag:s6] =	ssyncset.done @!p1 $0x0  }
0x160: {  	[sflag:s6] =	ssyncadd.s32 @!p1 $0xFFFFCE00  }
0x161: {  	_ =	swait.ge [sflag:s11], $0xC8  }
0x162: {  	[sflag:s11] =	ssyncset.done $0x0  }
0x163: {  	[sflag:s11] =	ssyncadd.s32 $0xFFFFFF38  }
0x164: {  	[tilespmem:s16], [sflag:$0x8] =	stream.indirect.gather [hbm4b:s5+s23], $0x40, s21, s23, $0xb8;
	[tilespmem:$0xFD20] =	vst v63  }
0x165: {  	s18 =	simm.s32 $0x2D8;
	s19 =	simm.s32 $0xEB20  }
0x166: {  	[tilespmem:s19], [sflag:$0x8] =	stream.indirect.gather [hbm4b:s5+s25], $0x40, s18, s25, $0xb8;
	[tilespmem:$0xFD20] =	vst v63  }
0x167: {  	_ =	swait.ge [sflag:s22], $0x2000  }
0x168: {  	[sflag:s22] =	ssyncset.done $0x0  }
0x169: {  	s6 =	sadd.s32 @!p0 s31, s14;
	[sflag:s22] =	ssyncadd.s32 $0xFFFFE000  }
0x16a: {  	s6 =	smul.u32 @!p0 $0x19, s6;
	_ =	swait.ge [sflag:s22], $0x1200  }
0x16b: {  	s8 =	simm.s32 @!p0 $0x0;
	[sflag:s22] =	ssyncset.done $0x0  }
0x16c: {  	s6 =	sadd.s32 @!p0 s2, s6;
	s18 =	simm.s32 @!p0 $0x190;
	[sflag:s22] =	ssyncadd.s32 $0xFFFFEE00  }
0x16d: {  	[tilespmem:s18], [sflag:$0x3] =	stream.linear.gather @!p0 [hbm4b:s6+s8], $0xC8, $0x38;
	[tilespmem:$0xFD20] =	vst v63  }
0x16e: {  	s8 =	simm.s32 $0x0  }
0x16f: {  	v0 =	vld [tilespmem:s8+$0x510]  }
0x170: {  	v1 =	vld [tilespmem:s8+$0x320]  }
0x171: {  	v2 =	vld [tilespmem:s8+$0x330]  }
0x172: {  	v3 =	vld [tilespmem:s8+$0x340]  }
0x173: {  	v4 =	vld [tilespmem:s8+$0x350]  }
0x174: {  	v5 =	vld [tilespmem:s8+$0x360]  }
0x175: {  	v6 =	vld [tilespmem:s8+$0x370]  }
0x176: {  	v7 =	vld [tilespmem:s8+$0x380]  }
0x177: {  	v8 =	vld [tilespmem:s8+$0x390]  }
0x178: {  	v9 =	vld [tilespmem:s8+$0x3A0]  }
0x179: {  	v10 =	vld [tilespmem:s8+$0x3B0]  }
0x17a: {  	v11 =	vld [tilespmem:s8+$0x3C0]  }
0x17b: {  	v12 =	vld [tilespmem:s8+$0x3D0]  }
0x17c: {  	v13 =	vld [tilespmem:s8+$0x3E0]  }
0x17d: {  	v14 =	vld [tilespmem:s8+$0x3F0]  }
0x17e: {  	v15 =	vld [tilespmem:s8+$0x400]  }
0x17f: {  	v16 =	vld [tilespmem:s8+$0x410]  }
0x180: {  	v17 =	vld [tilespmem:s8+$0x420]  }
0x181: {  	v18 =	vld [tilespmem:s8+$0x430]  }
0x182: {  	v19 =	vld [tilespmem:s8+$0x440]  }
0x183: {  	v20 =	vld [tilespmem:s8+$0x450]  }
0x184: {  	v21 =	vld [tilespmem:s8+$0x460]  }
0x185: {  	v22 =	vld [tilespmem:s8+$0x470]  }
0x186: {  	v23 =	vld [tilespmem:s8+$0x480]  }
0x187: {  	v24 =	vld [tilespmem:s8+$0x490]  }
0x188: {  	v25 =	vld [tilespmem:s8+$0x4A0]  }
0x189: {  	v26 =	vld [tilespmem:s8+$0x4B0]  }
0x18a: {  	v27 =	vld [tilespmem:s8+$0x4C0]  }
0x18b: {  	v28 =	vld [tilespmem:s8+$0x4D0]  }
0x18c: {  	v29 =	vld [tilespmem:s8+$0x4E0]  }
0x18d: {  	v30 =	vld [tilespmem:s8+$0x4F0]  }
0x18e: {  	[tilespmem:s8+$0x9B10] =	vst.add.f32.msk $0xffff, v0  }
0x18f: {  	v0 =	vld [tilespmem:s8+$0x500]  }
0x190: {  	[tilespmem:s8+$0x9920] =	vst.add.f32.msk $0xffff, v1  }
0x191: {  	[tilespmem:s8+$0x9930] =	vst.add.f32.msk $0xffff, v2  }
0x192: {  	[tilespmem:s8+$0x9940] =	vst.add.f32.msk $0xffff, v3  }
0x193: {  	[tilespmem:s8+$0x9950] =	vst.add.f32.msk $0xffff, v4  }
0x194: {  	[tilespmem:s8+$0x9960] =	vst.add.f32.msk $0xffff, v5  }
0x195: {  	[tilespmem:s8+$0x9970] =	vst.add.f32.msk $0xffff, v6  }
0x196: {  	[tilespmem:s8+$0x9980] =	vst.add.f32.msk $0xffff, v7  }
0x197: {  	[tilespmem:s8+$0x9990] =	vst.add.f32.msk $0xffff, v8  }
0x198: {  	[tilespmem:s8+$0x99A0] =	vst.add.f32.msk $0xffff, v9  }
0x199: {  	[tilespmem:s8+$0x99B0] =	vst.add.f32.msk $0xffff, v10  }
0x19a: {  	[tilespmem:s8+$0x99C0] =	vst.add.f32.msk $0xffff, v11  }
0x19b: {  	[tilespmem:s8+$0x99D0] =	vst.add.f32.msk $0xffff, v12  }
0x19c: {  	[tilespmem:s8+$0x99E0] =	vst.add.f32.msk $0xffff, v13  }
0x19d: {  	[tilespmem:s8+$0x99F0] =	vst.add.f32.msk $0xffff, v14  }
0x19e: {  	[tilespmem:s8+$0x9A00] =	vst.add.f32.msk $0xffff, v15  }
0x19f: {  	[tilespmem:s8+$0x9A10] =	vst.add.f32.msk $0xffff, v16  }
0x1a0: {  	[tilespmem:s8+$0x9A20] =	vst.add.f32.msk $0xffff, v17  }
0x1a1: {  	[tilespmem:s8+$0x9A30] =	vst.add.f32.msk $0xffff, v18  }
0x1a2: {  	[tilespmem:s8+$0x9A40] =	vst.add.f32.msk $0xffff, v19  }
0x1a3: {  	[tilespmem:s8+$0x9A50] =	vst.add.f32.msk $0xffff, v20  }
0x1a4: {  	[tilespmem:s8+$0x9A60] =	vst.add.f32.msk $0xffff, v21  }
0x1a5: {  	[tilespmem:s8+$0x9A70] =	vst.add.f32.msk $0xffff, v22  }
0x1a6: {  	[tilespmem:s8+$0x9A80] =	vst.add.f32.msk $0xffff, v23  }
0x1a7: {  	[tilespmem:s8+$0x9A90] =	vst.add.f32.msk $0xffff, v24  }
0x1a8: {  	[tilespmem:s8+$0x9AA0] =	vst.add.f32.msk $0xffff, v25  }
0x1a9: {  	[tilespmem:s8+$0x9AB0] =	vst.add.f32.msk $0xffff, v26  }
0x1aa: {  	[tilespmem:s8+$0x9AC0] =	vst.add.f32.msk $0xffff, v27  }
0x1ab: {  	[tilespmem:s8+$0x9AD0] =	vst.add.f32.msk $0xffff, v28  }
0x1ac: {  	[tilespmem:s8+$0x9AE0] =	vst.add.f32.msk $0xffff, v29  }
0x1ad: {  	s19 =	simm.s32 $0x800;
	s6 =	sor.u32 $0x3, s31;
	s18 =	simm.s32 $0x0;
	[tilespmem:s8+$0x9AF0] =	vst.add.f32.msk $0xffff, v30  }
.LBB2_7:
0x1ae: {  	s18 =	sadd.s32 $0x8, s18;
	[tilespmem:s8+$0x9B00] =	vst.add.f32.msk $0xffff, v0;
	s8 =	sshra.s32 s19, $0x2  }
0x1af: {  	v0 =	vld [tilespmem:s8+$0x510];
	p1 =	slt.u32 s18, $0xC0  }
0x1b0: {  	v1 =	vld [tilespmem:s8+$0x320]  }
0x1b1: {  	v2 =	vld [tilespmem:s8+$0x330]  }
0x1b2: {  	v3 =	vld [tilespmem:s8+$0x340]  }
0x1b3: {  	v4 =	vld [tilespmem:s8+$0x350]  }
0x1b4: {  	[tilespmem:s8+$0x9B10] =	vst.add.f32.msk $0xffff, v0  }
0x1b5: {  	v5 =	vld [tilespmem:s8+$0x360]  }
0x1b6: {  	v6 =	vld [tilespmem:s8+$0x370]  }
0x1b7: {  	v7 =	vld [tilespmem:s8+$0x380]  }
0x1b8: {  	v8 =	vld [tilespmem:s8+$0x390]  }
0x1b9: {  	v9 =	vld [tilespmem:s8+$0x3A0]  }
0x1ba: {  	v10 =	vld [tilespmem:s8+$0x3B0]  }
0x1bb: {  	v11 =	vld [tilespmem:s8+$0x3C0]  }
0x1bc: {  	v12 =	vld [tilespmem:s8+$0x3D0]  }
0x1bd: {  	v13 =	vld [tilespmem:s8+$0x3E0]  }
0x1be: {  	v14 =	vld [tilespmem:s8+$0x3F0]  }
0x1bf: {  	v15 =	vld [tilespmem:s8+$0x400]  }
0x1c0: {  	v16 =	vld [tilespmem:s8+$0x410]  }
0x1c1: {  	v17 =	vld [tilespmem:s8+$0x420]  }
0x1c2: {  	v18 =	vld [tilespmem:s8+$0x430]  }
0x1c3: {  	v19 =	vld [tilespmem:s8+$0x440]  }
0x1c4: {  	v20 =	vld [tilespmem:s8+$0x450]  }
0x1c5: {  	v21 =	vld [tilespmem:s8+$0x460]  }
0x1c6: {  	v22 =	vld [tilespmem:s8+$0x470]  }
0x1c7: {  	v23 =	vld [tilespmem:s8+$0x480]  }
0x1c8: {  	v24 =	vld [tilespmem:s8+$0x490]  }
0x1c9: {  	v25 =	vld [tilespmem:s8+$0x4A0]  }
0x1ca: {  	v26 =	vld [tilespmem:s8+$0x4B0]  }
0x1cb: {  	v27 =	vld [tilespmem:s8+$0x4C0]  }
0x1cc: {  	v28 =	vld [tilespmem:s8+$0x4D0]  }
0x1cd: {  	v29 =	vld [tilespmem:s8+$0x4E0]  }
0x1ce: {  	v30 =	vld [tilespmem:s8+$0x4F0]  }
0x1cf: {  	v0 =	vld [tilespmem:s8+$0x500]  }
0x1d0: {  	[tilespmem:s8+$0x9920] =	vst.add.f32.msk $0xffff, v1  }
0x1d1: {  	[tilespmem:s8+$0x9930] =	vst.add.f32.msk $0xffff, v2  }
0x1d2: {  	[tilespmem:s8+$0x9940] =	vst.add.f32.msk $0xffff, v3  }
0x1d3: {  	[tilespmem:s8+$0x9950] =	vst.add.f32.msk $0xffff, v4  }
0x1d4: {  	[tilespmem:s8+$0x9960] =	vst.add.f32.msk $0xffff, v5  }
0x1d5: {  	[tilespmem:s8+$0x9970] =	vst.add.f32.msk $0xffff, v6  }
0x1d6: {  	[tilespmem:s8+$0x9980] =	vst.add.f32.msk $0xffff, v7  }
0x1d7: {  	[tilespmem:s8+$0x9990] =	vst.add.f32.msk $0xffff, v8  }
0x1d8: {  	[tilespmem:s8+$0x99A0] =	vst.add.f32.msk $0xffff, v9  }
0x1d9: {  	[tilespmem:s8+$0x99B0] =	vst.add.f32.msk $0xffff, v10  }
0x1da: {  	[tilespmem:s8+$0x99C0] =	vst.add.f32.msk $0xffff, v11  }
0x1db: {  	[tilespmem:s8+$0x99D0] =	vst.add.f32.msk $0xffff, v12  }
0x1dc: {  	[tilespmem:s8+$0x99E0] =	vst.add.f32.msk $0xffff, v13  }
0x1dd: {  	[tilespmem:s8+$0x99F0] =	vst.add.f32.msk $0xffff, v14  }
0x1de: {  	[tilespmem:s8+$0x9A00] =	vst.add.f32.msk $0xffff, v15  }
0x1df: {  	[tilespmem:s8+$0x9A10] =	vst.add.f32.msk $0xffff, v16  }
0x1e0: {  	[tilespmem:s8+$0x9A20] =	vst.add.f32.msk $0xffff, v17  }
0x1e1: {  	[tilespmem:s8+$0x9A30] =	vst.add.f32.msk $0xffff, v18  }
0x1e2: {  	[tilespmem:s8+$0x9A40] =	vst.add.f32.msk $0xffff, v19  }
0x1e3: {  	[tilespmem:s8+$0x9A50] =	vst.add.f32.msk $0xffff, v20  }
0x1e4: {  	[tilespmem:s8+$0x9A60] =	vst.add.f32.msk $0xffff, v21  }
0x1e5: {  	[tilespmem:s8+$0x9A70] =	vst.add.f32.msk $0xffff, v22  }
0x1e6: {  	[tilespmem:s8+$0x9A80] =	vst.add.f32.msk $0xffff, v23  }
0x1e7: {  	[tilespmem:s8+$0x9A90] =	vst.add.f32.msk $0xffff, v24  }
0x1e8: {  	[tilespmem:s8+$0x9AA0] =	vst.add.f32.msk $0xffff, v25  }
.Ltmp4:
0x1e9: {  	[tilespmem:s8+$0x9AB0] =	vst.add.f32.msk $0xffff, v26;
	(pc) =	sbr.rel @p1 .LBB2_7-.Ltmp4, $4  }
0x1ea: {  	[tilespmem:s8+$0x9AC0] =	vst.add.f32.msk $0xffff, v27  }
0x1eb: {  	[tilespmem:s8+$0x9AD0] =	vst.add.f32.msk $0xffff, v28  }
0x1ec: {  	[tilespmem:s8+$0x9AE0] =	vst.add.f32.msk $0xffff, v29  }
0x1ed: {  	s19 =	sadd.s32 $0x800, s19;
	[tilespmem:s8+$0x9AF0] =	vst.add.f32.msk $0xffff, v30  }
0x1ee: {  	s9 =	sadd.s32 s4, s9  }
0x1ef: {  	s9 =	smul.u32 $0xC80, s9;
	_ =	sdelay $0x1  }
0x1f0: {  	[tilespmem:s8+$0x9B00] =	vst.add.f32.msk $0xffff, v0;
	s8 =	simm.s32 @p0 $0x8;
	s19 =	sadd.s32 s7, s9  }
0x1f1: {  	[hbm4b:s19+s1] =	stream.strided.scatter [tilespmem:s26], [sflag:$0xB], $0x3200, s23, s1, $0x38;
	[tilespmem:$0xFD20] =	vst v63  }
0x1f2: {  	_ =	swait.ge @p0 [sflag:s8], $0x2000  }
0x1f3: {  	[sflag:s8] =	ssyncset.done @p0 $0x0  }
0x1f4: {  	[sflag:s8] =	ssyncadd.s32 @p0 $0xFFFFE000  }
0x1f5: {  	_ =	swait.ge @p0 [sflag:s8], $0x1200  }
0x1f6: {  	[sflag:s8] =	ssyncset.done @p0 $0x0  }
0x1f7: {  	[sflag:s8] =	ssyncadd.s32 @p0 $0xFFFFEE00;
	s8 =	simm.s32 @!p0 $0x9  }
0x1f8: {  	_ =	swait.ge @!p0 [sflag:s8], $0x3200  }
0x1f9: {  	[sflag:s8] =	ssyncset.done @!p0 $0x0  }
0x1fa: {  	[sflag:s8] =	ssyncadd.s32 @!p0 $0xFFFFCE00;
	s8 =	simm.s32 @!p0 $0x1  }
0x1fb: {  	_ =	swait.ge @!p0 [sflag:s8], $0xC8  }
0x1fc: {  	s18 =	simm.s32 @!p0 $0x3520;
	[sflag:s8] =	ssyncset.done @!p0 $0x0  }
0x1fd: {  	s9 =	simm.s32 @!p0 $0x0;
	[sflag:s8] =	ssyncadd.s32 @!p0 $0xFFFFFF38;
	s8 =	simm.s32 @!p0 $0x80  }
0x1fe: {  	[tilespmem:s18], [sflag:$0x5] =	stream.indirect.gather @!p0 [hbm4b:s5+s8], $0x40, s9, s8, $0xb8;
	[tilespmem:$0xFD20] =	vst v63  }
0x1ff: {  	s19 =	simm.s32 @!p0 $0x5520;
	s18 =	simm.s32 @!p0 $0x48  }
0x200: {  	[tilespmem:s19], [sflag:$0x5] =	stream.indirect.gather @!p0 [hbm4b:s5+s18], $0x40, s8, s18, $0xb8;
	[tilespmem:$0xFD20] =	vst v63  }
0x201: {  	s8 =	simm.s32 @!p0 $0x8  }
0x202: {  	_ =	swait.ge @!p0 [sflag:s8], $0x2000  }
0x203: {  	[sflag:s8] =	ssyncset.done @!p0 $0x0  }
0x204: {  	s18 =	sadd.s32 @!p0 s31, s15;
	[sflag:s8] =	ssyncadd.s32 @!p0 $0xFFFFE000  }
0x205: {  	s18 =	smul.u32 @!p0 $0x19, s18;
	_ =	swait.ge @!p0 [sflag:s8], $0x1200  }
0x206: {  	[sflag:s8] =	ssyncset.done @!p0 $0x0  }
0x207: {  	[sflag:s8] =	ssyncadd.s32 @!p0 $0xFFFFEE00;
	s8 =	sadd.s32 @!p0 s2, s18;
	s18 =	simm.s32 @!p0 $0x258  }
0x208: {  	[tilespmem:s18], [sflag:$0x4] =	stream.linear.gather @!p0 [hbm4b:s8+s9], $0xC8, $0x38;
	[tilespmem:$0xFD20] =	vst v63  }
0x209: {  	s8 =	simm.s32 $0x0  }
0x20a: {  	v0 =	vld [tilespmem:s8+$0x510]  }
0x20b: {  	v1 =	vld [tilespmem:s8+$0x320]  }
0x20c: {  	v2 =	vld [tilespmem:s8+$0x330]  }
0x20d: {  	v3 =	vld [tilespmem:s8+$0x340]  }
0x20e: {  	v4 =	vld [tilespmem:s8+$0x350]  }
0x20f: {  	v5 =	vld [tilespmem:s8+$0x360]  }
0x210: {  	v6 =	vld [tilespmem:s8+$0x370]  }
0x211: {  	v7 =	vld [tilespmem:s8+$0x380]  }
0x212: {  	v8 =	vld [tilespmem:s8+$0x390]  }
0x213: {  	v9 =	vld [tilespmem:s8+$0x3A0]  }
0x214: {  	v10 =	vld [tilespmem:s8+$0x3B0]  }
0x215: {  	v11 =	vld [tilespmem:s8+$0x3C0]  }
0x216: {  	v12 =	vld [tilespmem:s8+$0x3D0]  }
0x217: {  	v13 =	vld [tilespmem:s8+$0x3E0]  }
0x218: {  	v14 =	vld [tilespmem:s8+$0x3F0]  }
0x219: {  	v15 =	vld [tilespmem:s8+$0x400]  }
0x21a: {  	v16 =	vld [tilespmem:s8+$0x410]  }
0x21b: {  	v17 =	vld [tilespmem:s8+$0x420]  }
0x21c: {  	v18 =	vld [tilespmem:s8+$0x430]  }
0x21d: {  	v19 =	vld [tilespmem:s8+$0x440]  }
0x21e: {  	v20 =	vld [tilespmem:s8+$0x450]  }
0x21f: {  	v21 =	vld [tilespmem:s8+$0x460]  }
0x220: {  	v22 =	vld [tilespmem:s8+$0x470]  }
0x221: {  	v23 =	vld [tilespmem:s8+$0x480]  }
0x222: {  	v24 =	vld [tilespmem:s8+$0x490]  }
0x223: {  	v25 =	vld [tilespmem:s8+$0x4A0]  }
0x224: {  	v26 =	vld [tilespmem:s8+$0x4B0]  }
0x225: {  	v27 =	vld [tilespmem:s8+$0x4C0]  }
0x226: {  	v28 =	vld [tilespmem:s8+$0x4D0]  }
0x227: {  	v29 =	vld [tilespmem:s8+$0x4E0]  }
0x228: {  	v30 =	vld [tilespmem:s8+$0x4F0]  }
0x229: {  	[tilespmem:s8+$0xCD10] =	vst.add.f32.msk $0xffff, v0  }
0x22a: {  	v0 =	vld [tilespmem:s8+$0x500]  }
0x22b: {  	[tilespmem:s8+$0xCB20] =	vst.add.f32.msk $0xffff, v1  }
0x22c: {  	[tilespmem:s8+$0xCB30] =	vst.add.f32.msk $0xffff, v2  }
0x22d: {  	[tilespmem:s8+$0xCB40] =	vst.add.f32.msk $0xffff, v3  }
0x22e: {  	[tilespmem:s8+$0xCB50] =	vst.add.f32.msk $0xffff, v4  }
0x22f: {  	[tilespmem:s8+$0xCB60] =	vst.add.f32.msk $0xffff, v5  }
0x230: {  	[tilespmem:s8+$0xCB70] =	vst.add.f32.msk $0xffff, v6  }
0x231: {  	[tilespmem:s8+$0xCB80] =	vst.add.f32.msk $0xffff, v7  }
0x232: {  	[tilespmem:s8+$0xCB90] =	vst.add.f32.msk $0xffff, v8  }
0x233: {  	[tilespmem:s8+$0xCBA0] =	vst.add.f32.msk $0xffff, v9  }
0x234: {  	[tilespmem:s8+$0xCBB0] =	vst.add.f32.msk $0xffff, v10  }
0x235: {  	[tilespmem:s8+$0xCBC0] =	vst.add.f32.msk $0xffff, v11  }
0x236: {  	[tilespmem:s8+$0xCBD0] =	vst.add.f32.msk $0xffff, v12  }
0x237: {  	[tilespmem:s8+$0xCBE0] =	vst.add.f32.msk $0xffff, v13  }
0x238: {  	[tilespmem:s8+$0xCBF0] =	vst.add.f32.msk $0xffff, v14  }
0x239: {  	[tilespmem:s8+$0xCC00] =	vst.add.f32.msk $0xffff, v15  }
0x23a: {  	[tilespmem:s8+$0xCC10] =	vst.add.f32.msk $0xffff, v16  }
0x23b: {  	[tilespmem:s8+$0xCC20] =	vst.add.f32.msk $0xffff, v17  }
0x23c: {  	[tilespmem:s8+$0xCC30] =	vst.add.f32.msk $0xffff, v18  }
0x23d: {  	[tilespmem:s8+$0xCC40] =	vst.add.f32.msk $0xffff, v19  }
0x23e: {  	[tilespmem:s8+$0xCC50] =	vst.add.f32.msk $0xffff, v20  }
0x23f: {  	[tilespmem:s8+$0xCC60] =	vst.add.f32.msk $0xffff, v21  }
0x240: {  	[tilespmem:s8+$0xCC70] =	vst.add.f32.msk $0xffff, v22  }
0x241: {  	[tilespmem:s8+$0xCC80] =	vst.add.f32.msk $0xffff, v23  }
0x242: {  	[tilespmem:s8+$0xCC90] =	vst.add.f32.msk $0xffff, v24  }
0x243: {  	[tilespmem:s8+$0xCCA0] =	vst.add.f32.msk $0xffff, v25  }
0x244: {  	[tilespmem:s8+$0xCCB0] =	vst.add.f32.msk $0xffff, v26  }
0x245: {  	[tilespmem:s8+$0xCCC0] =	vst.add.f32.msk $0xffff, v27  }
0x246: {  	[tilespmem:s8+$0xCCD0] =	vst.add.f32.msk $0xffff, v28  }
0x247: {  	[tilespmem:s8+$0xCCE0] =	vst.add.f32.msk $0xffff, v29  }
0x248: {  	s9 =	simm.s32 $0x0;
	s18 =	simm.s32 $0x800;
	[tilespmem:s8+$0xCCF0] =	vst.add.f32.msk $0xffff, v30  }
.LBB2_9:
0x249: {  	s9 =	sadd.s32 $0x8, s9;
	[tilespmem:s8+$0xCD00] =	vst.add.f32.msk $0xffff, v0;
	s8 =	sshra.s32 s18, $0x2  }
0x24a: {  	v0 =	vld [tilespmem:s8+$0x510];
	p1 =	slt.u32 s9, $0xC0  }
0x24b: {  	v1 =	vld [tilespmem:s8+$0x320]  }
0x24c: {  	v2 =	vld [tilespmem:s8+$0x330]  }
0x24d: {  	v3 =	vld [tilespmem:s8+$0x340]  }
0x24e: {  	v4 =	vld [tilespmem:s8+$0x350]  }
0x24f: {  	[tilespmem:s8+$0xCD10] =	vst.add.f32.msk $0xffff, v0  }
0x250: {  	v5 =	vld [tilespmem:s8+$0x360]  }
0x251: {  	v6 =	vld [tilespmem:s8+$0x370]  }
0x252: {  	v7 =	vld [tilespmem:s8+$0x380]  }
0x253: {  	v8 =	vld [tilespmem:s8+$0x390]  }
0x254: {  	v9 =	vld [tilespmem:s8+$0x3A0]  }
0x255: {  	v10 =	vld [tilespmem:s8+$0x3B0]  }
0x256: {  	v11 =	vld [tilespmem:s8+$0x3C0]  }
0x257: {  	v12 =	vld [tilespmem:s8+$0x3D0]  }
0x258: {  	v13 =	vld [tilespmem:s8+$0x3E0]  }
0x259: {  	v14 =	vld [tilespmem:s8+$0x3F0]  }
0x25a: {  	v15 =	vld [tilespmem:s8+$0x400]  }
0x25b: {  	v16 =	vld [tilespmem:s8+$0x410]  }
0x25c: {  	v17 =	vld [tilespmem:s8+$0x420]  }
0x25d: {  	v18 =	vld [tilespmem:s8+$0x430]  }
0x25e: {  	v19 =	vld [tilespmem:s8+$0x440]  }
0x25f: {  	v20 =	vld [tilespmem:s8+$0x450]  }
0x260: {  	v21 =	vld [tilespmem:s8+$0x460]  }
0x261: {  	v22 =	vld [tilespmem:s8+$0x470]  }
0x262: {  	v23 =	vld [tilespmem:s8+$0x480]  }
0x263: {  	v24 =	vld [tilespmem:s8+$0x490]  }
0x264: {  	v25 =	vld [tilespmem:s8+$0x4A0]  }
0x265: {  	v26 =	vld [tilespmem:s8+$0x4B0]  }
0x266: {  	v27 =	vld [tilespmem:s8+$0x4C0]  }
0x267: {  	v28 =	vld [tilespmem:s8+$0x4D0]  }
0x268: {  	v29 =	vld [tilespmem:s8+$0x4E0]  }
0x269: {  	v30 =	vld [tilespmem:s8+$0x4F0]  }
0x26a: {  	v0 =	vld [tilespmem:s8+$0x500]  }
0x26b: {  	[tilespmem:s8+$0xCB20] =	vst.add.f32.msk $0xffff, v1  }
0x26c: {  	[tilespmem:s8+$0xCB30] =	vst.add.f32.msk $0xffff, v2  }
0x26d: {  	[tilespmem:s8+$0xCB40] =	vst.add.f32.msk $0xffff, v3  }
0x26e: {  	[tilespmem:s8+$0xCB50] =	vst.add.f32.msk $0xffff, v4  }
0x26f: {  	[tilespmem:s8+$0xCB60] =	vst.add.f32.msk $0xffff, v5  }
0x270: {  	[tilespmem:s8+$0xCB70] =	vst.add.f32.msk $0xffff, v6  }
0x271: {  	[tilespmem:s8+$0xCB80] =	vst.add.f32.msk $0xffff, v7  }
0x272: {  	[tilespmem:s8+$0xCB90] =	vst.add.f32.msk $0xffff, v8  }
0x273: {  	[tilespmem:s8+$0xCBA0] =	vst.add.f32.msk $0xffff, v9  }
0x274: {  	[tilespmem:s8+$0xCBB0] =	vst.add.f32.msk $0xffff, v10  }
0x275: {  	[tilespmem:s8+$0xCBC0] =	vst.add.f32.msk $0xffff, v11  }
0x276: {  	[tilespmem:s8+$0xCBD0] =	vst.add.f32.msk $0xffff, v12  }
0x277: {  	[tilespmem:s8+$0xCBE0] =	vst.add.f32.msk $0xffff, v13  }
0x278: {  	[tilespmem:s8+$0xCBF0] =	vst.add.f32.msk $0xffff, v14  }
0x279: {  	[tilespmem:s8+$0xCC00] =	vst.add.f32.msk $0xffff, v15  }
0x27a: {  	[tilespmem:s8+$0xCC10] =	vst.add.f32.msk $0xffff, v16  }
0x27b: {  	[tilespmem:s8+$0xCC20] =	vst.add.f32.msk $0xffff, v17  }
0x27c: {  	[tilespmem:s8+$0xCC30] =	vst.add.f32.msk $0xffff, v18  }
0x27d: {  	[tilespmem:s8+$0xCC40] =	vst.add.f32.msk $0xffff, v19  }
0x27e: {  	[tilespmem:s8+$0xCC50] =	vst.add.f32.msk $0xffff, v20  }
0x27f: {  	[tilespmem:s8+$0xCC60] =	vst.add.f32.msk $0xffff, v21  }
0x280: {  	[tilespmem:s8+$0xCC70] =	vst.add.f32.msk $0xffff, v22  }
0x281: {  	[tilespmem:s8+$0xCC80] =	vst.add.f32.msk $0xffff, v23  }
0x282: {  	[tilespmem:s8+$0xCC90] =	vst.add.f32.msk $0xffff, v24  }
0x283: {  	[tilespmem:s8+$0xCCA0] =	vst.add.f32.msk $0xffff, v25  }
.Ltmp5:
0x284: {  	[tilespmem:s8+$0xCCB0] =	vst.add.f32.msk $0xffff, v26;
	(pc) =	sbr.rel @p1 .LBB2_9-.Ltmp5, $4  }
0x285: {  	[tilespmem:s8+$0xCCC0] =	vst.add.f32.msk $0xffff, v27  }
0x286: {  	[tilespmem:s8+$0xCCD0] =	vst.add.f32.msk $0xffff, v28  }
0x287: {  	[tilespmem:s8+$0xCCE0] =	vst.add.f32.msk $0xffff, v29  }
0x288: {  	s18 =	sadd.s32 $0x800, s18;
	[tilespmem:s8+$0xCCF0] =	vst.add.f32.msk $0xffff, v30  }
.Ltmp6:
0x289: {  	s6 =	sadd.s32 s4, s6;
	(pc) =	sbr.rel @p0 .LBB2_12-.Ltmp6, $3  }
0x28a: {  	s6 =	smul.u32 $0xC80, s6;
	_ =	sdelay $0x1  }
0x28b: {  	[tilespmem:s8+$0xCD00] =	vst.add.f32.msk $0xffff, v0;
	s6 =	sadd.s32 s7, s6  }
0x28c: {  	[hbm4b:s6+s1] =	stream.strided.scatter [tilespmem:s16], [sflag:$0xC], $0x3200, s23, s1, $0x38;
	[tilespmem:$0xFD20] =	vst v63  }
0x28d: {  	_ =	swait.ge [sflag:s3], $0x3200  }
0x28e: {  	[sflag:s3] =	ssyncset.done $0x0  }
0x28f: {  	[sflag:s3] =	ssyncadd.s32 $0xFFFFCE00  }
0x290: {  	_ =	swait.ge [sflag:s28], $0xC8  }
.Ltmp7:
0x291: {  	[sflag:s28] =	ssyncset.done $0x0;
	(pc) =	sbr.rel .LBB2_2-.Ltmp7, $4  }
0x292: {  	[sflag:s28] =	ssyncadd.s32 $0xFFFFFF38  }
0x293: {  	[tilespmem:s29], [sflag:$0x6] =	stream.indirect.gather [hbm4b:s5+s23], $0x40, s20, s23, $0xb8;
	[tilespmem:$0xFD20] =	vst v63  }
0x294: {  	s6 =	simm.s32 $0x148;
	s8 =	simm.s32 $0x8720;
	s30 =	sadd.s32 $0x1, s30  }
0x295: {  	[tilespmem:s8], [sflag:$0x6] =	stream.indirect.gather [hbm4b:s5+s25], $0x40, s6, s25, $0xb8;
	[tilespmem:$0xFD20] =	vst v63  }
.LBB2_13:
0x296: {  	_ =	sfence.sel $0x180000  }
0x297: {  	[bflag:$0x0] =	sbarrier.arrive $0xFFFF  }
0x298: {  	_ =	strace $0x9000004A  }
0x299: {  	s0 =	stileid.u32;
	[bflag:$0x2] =	sbarrier.arrive $0xFFFF  }
0x29a: {  	p0 =	sne.s32 s0, $0x0;
	s0 =	rddreg [dreg:$0x2]  }
0x29b: {  	s0 =	sadd.s32 @!p0 $0x100000, s0  }
0x29c: {  	[sflag:s0] =	ssyncadd.tile.s32 @!p0 $0x1;
	_ =	shalt  }
.Lfunc_end2:
_tile_overlayer_lowered:
.L_overlay_start_2:
0x29d: {  	(tag) =	ssettag $0x2  }
0x29e: {  	s0 =	rddreg [dreg:$0x0];
	s2 =	stileid.u32  }
0x29f: {  	s1 =	rddreg [dreg:$0x1];
	p0 =	sne.s32 s2, $0x0  }
0x2a0: {  	s3 =	rddreg [dreg:$0x2];
	[bflag:$0x3] =	sbarrier.arrive $0xFFFF;
	s2 =	simm.s32 @!p0 $0x1C0D  }
0x2a1: {  	[timem:s3], [sflag:s2] =	dma.local @!p0 [hbm:s0], s1  }
0x2a2: {  	s0 =	simm.s32 @!p0 $0xD  }
0x2a3: {  	_ =	swait.ge @!p0 [sflag:s0], s1  }
0x2a4: {  	s1 =	ssub.s32 @!p0 $0x0, s1;
	[sflag:s0] =	ssyncset.done @!p0 $0x0  }
0x2a5: {  	[sflag:s0] =	ssyncadd.s32 @!p0 s1  }
0x2a6: {  	[bflag:$0x3] =	sbarrier.arrive $0xFFFF  }
0x2a7: {  	_ =	shalt  }

// kernel: sparse-core-data-format-call.cloned.1.call-start
scs
called_computation_lowered:
.L_overlay_start_0:
0x0: {  	s2 =	sld [smem:$0x3FD9]  }
0x1: {  	s3 =	sld [smem:$0x3FFE];
	_ =	sdelay $0x1  }
0x2: {  	s1 =	srdreg.scid  }
0x3: {  	s0 =	sand.u32 $0x1, s1  }
0x4: {  	s18 =	sshll.u32 s0, $0xA;
	s2 =	sadd.s32 s3, s2  }
0x5: {  	s2 =	sadd.s32 s2, s18  }
0x6: {  	[smem:$0x3FC5] =	sst s2  }
0x7: {  	_ = 	snop  }
0x8: {  	s2 =	sld [smem:$0x3FD0];
	(tm) =	ssettm $0x1  }
0x9: {  	s19 =	sld [smem:$0x3FFB];
	_ =	sdelay $0x3  }
0xa: {  	_ =	strace s19  }
0xb: {  	s3 =	sld [smem:$0x3FFC];
	_ =	sdelay $0x3  }
0xc: {  	_ =	strace s3  }
0xd: {  	s3 =	sld [smem:$0x3FFD];
	_ =	sdelay $0x3  }
0xe: {  	_ =	strace s3  }
0xf: {  	_ =	strace $0x8FFFFFFF  }
0x10: {  	s20 =	sld [smem:$0x3FDB];
	_ =	sdelay $0x1  }
0x11: {  	s4 =	simm.s32 $_scs_section_size  }
0x12: {  	s5 =	simm.s32 $_size__tile_overlayer_lowered;
	s6 =	simm.s32 $_tile_overlayer_lowered  }
0x13: {  	s23 =	simm.s32 $0x1BFF;
	s22 =	sshll.u32 s6, $0x1;
	s3 =	sadd.s32 s4, s20  }
0x14: {  	s7 =	simm.s32 $0x0;
	s21 =	sshll.u32 s5, $0x1;
	s5 =	sadd.s32 s22, s3  }
0x15: {  	[timem:s7], [sflag:s23] =	dma.local [hbm:s5], s21  }
0x16: {  	_ =	swait.ge [sflag:s23], s21  }
0x17: {  	s4 =	ssub.s32 $0x0, s21;
	[sflag:s23] =	ssyncset.done $0x0  }
0x18: {  	[sflag:s23] =	ssyncadd.s32 s4;
	_ =	sdelay $0x1  }
0x19: {  	s24 =	simm.s32 $0x1B8B  }
0x1a: {  	_ =	swait.ge [sflag:s24], $0x1  }
0x1b: {  	[sflag:s24] =	ssyncset.done $0x0  }
0x1c: {  	s26 =	simm.s32 $0x1B8E;
	s25 =	sld [smem:$0x3FFE];
	[sflag:s24] =	ssyncadd.s32 $0xFFFFFFFF  }
0x1d: {  	s27 =	simm.s32 $execute0_lowered;
	[smem:$0x3FD2] =	sst s26  }
0x1e: {  	s5 =	sshll.u32 s27, $0x1;
	_ =	strace $0x8000004C;
	[dreg:$0x1] =	wrdreg $0xFFFFFFFF  }
0x1f: {  	s28 =	simm.s32 $_size_execute0_lowered;
	s3 =	sadd.s32 s3, s5;
	[dreg:$0x0] =	wrdreg $0x0  }
0x20: {  	s5 =	sshll.u32 s28, $0x1;
	[dreg:$0x2] =	wrdreg s3  }
0x21: {  	[dreg:$0x3] =	wrdreg s5  }
0x22: {  	[dreg:$0x4] =	wrdreg $0xC0  }
0x23: {  	_ =	task [dreg:s7], $0x5FFFF  }
0x24: {  	[dreg:$0x1] =	wrdreg $0xFFFFFFFF  }
0x25: {  	[dreg:$0x0] =	wrdreg $0x60  }
0x26: {  	[dreg:$0x2] =	wrdreg s25  }
0x27: {  	[dreg:$0x3] =	wrdreg s2  }
0x28: {  	[dreg:$0x4] =	wrdreg $0x9  }
0x29: {  	_ =	task.clear_ibuf [dreg:s7], $0x5FFFF;
	_ =	strace $0x9000004C  }
0x2a: {  	s29 =	simm.s32 $0x9;
	_ =	strace $0x8000004E  }
0x2b: {  	_ =	swait.ge [sflag:s29], $0x1  }
0x2c: {  	[sflag:s29] =	ssyncadd.s32 $0xFFFFFFFF  }
0x2d: {  	_ =	strace $0x9000004E  }
0x2e: {  	_ =	sfence  }
0x2f: {  	s30 =	sld [smem:$0x0];
	_ =	sdelay $0x2  }
0x30: {  	s31 =	sshll.u32 s1, $0xD;
	s1 =	sshrl.u32 s1, $0x2  }
0x31: {  	s3 =	sand.u32 $0x4000, s31;
	s1 =	sadd.s32 s1, s30  }
0x32: {  	s0 =	sor.u32 s3, s0;
	s1 =	sshll.u32 s1, $0x11  }
0x33: {  	s0 =	sor.u32 s1, s0  }
0x34: {  	s0 =	sadd.s32 $0x8F2B, s0  }
0x35: {  	[sflag:s0] =	ssyncadd.remote.s32 $0x1  }
0x36: {  	_ =	sfence.sel $0xFFFF  }
0x37: {  	[dreg:$0x0] =	wrdreg $0xFFFFFFFF;
	(pc) =	sbr.abs _section_cstart, $3  }
0x38: {  	[dreg:$0x1] =	wrdreg $0xFFFFFFFF  }
0x39: {  	_ =	task.clear_ibuf [dreg:s7], $0x2FFFF;
	_ =	strace $0x9FFFFFFF  }
0x3a: {  	(tm) =	ssettm $0x7FFFFFFF  }
0x3b: {  	_ =	shalt  }
tec
execute0_lowered:
.L_overlay_start_1:
0x0: {  	(tag) =	ssettag $0x1  }
0x1: {  	s0 =	srdreg.scid  }
0x2: {  	s1 =	sshll.u32 s0, $0x4  }
0x3: {  	s0 =	stileid.u32;
	s1 =	sand.u32 $0x10, s1  }
0x4: {  	s1 =	sor.u32 s0, s1  }
0x5: {  	s6 =	rddreg [dreg:$0x0];
	s4 =	simm.s32 $0x1;
	s2 =	sshll.u32 s1, $0x7  }
0x6: {  	s7 =	simm.s32 $0x2;
	s12 =	simm.s32 $0x0;
	s1 =	ssub.s32 $0x1000, s2  }
0x7: {  	s8 =	simm.s32 $0x8000;
	s13 =	simm.s32 $0x0;
	s3 =	sand.u32 $0xF80, s1  }
0x8: {  	s9 =	simm.s32 $0x0;
	s5 =	sshrl.u32 s1, $0xC;
	p0 =	sne.s32 s3, $0x0  }
.Ltmp0:
0x9: {  	s1 =	rddreg [dreg:$0x2];
	s4 =	simm.s32 @!p0 $0x0;
	(pc) =	sbr.rel .LBB1_1-.Ltmp0, $4  }
0xa: {  	s11 =	simm.s32 $0x0;
	s3 =	rddreg [dreg:$0x1];
	s5 =	sadd.s32 s4, s5  }
0xb: {  	_ =	strace $0x8000004D;
	s4 =	simm.s32 $0x1;
	s5 =	smul.u32 $0xC8, s5  }
0xc: {  	s6 =	sadd.s32 $0x7A2C00, s6;
	s10 =	smov.u32 s2;
	[sflag:s4] =	ssyncpa.u1 $0x0  }
0xd: {  	p0 =	por $0x0, $0x0;
	[sflag:s7] =	ssyncpa.u1 $0x0;
	s7 =	sor.u32 $0x1, s5  }
.LBB1_4:
0xe: {  	s16 =	sshll.u32 s13, $0x3;
	s17 =	sand.u32 $0x78, s13  }
0xf: {  	s30 =	sand.u32 $0x7E00, s13;
	s12 =	sshll.u32 s12, $0xF;
	s16 =	sand.u32 $0xC00, s16  }
0x10: {  	[tilespmem:s15+$0x810 ss:$0x81] =	vst.msk $0xffff, v2;
	s31 =	sand.u32 $0x7, s13;
	s16 =	sor.u32 s17, s16;
	s17 =	sadd.s32 s3, s30  }
0x11: {  	[tilespmem:s15+$0x1020 ss:$0x81] =	vst.msk $0xffff, v0;
	s13 =	sshll.u32 s31, $0x12;
	s12 =	sadd.s32 s12, s17;
	s16 =	sshrl.u32 s16, $0x3  }
0x12: {  	[tilespmem:s15+$0x0 ss:$0x81] =	vst.msk $0xffff, v1;
	s13 =	sor.u32 $0x400, s13;
	s12 =	sadd.s32 s16, s12  }
0x13: {  	[hbm4b:s12+s13] =	stream.strided.scatter [tilespmem:s14], [sflag:$0x2], $0x2000, s8, s13, $0x20;
	[tilespmem:$0x8080] =	vst v63  }
.LBB1_5:
0x14: {  	s14 =	sadd.s32 $0x1, s9  }
0x15: {  	s12 =	sadd.s32 $0x1000, s10;
	s16 =	smov.u32 s10;
	p2 =	sgt.s32 s14, $0xC7  }
0x16: {  	s16 =	smov.u32 @p2 s12  }
0x17: {  	s14 =	simm.s32 @p2 $0x0;
	p2 =	sgt.s32 s16, $0xFFF  }
0x18: {  	s16 =	smov.u32 @p2 s2;
	p2 =	sne.s32 s11, s7  }
.Ltmp1:
0x19: {  	p1 =	slt.u32 s11, $0x2;
	(pc) =	sbr.rel @!p2 .LBB1_6-.Ltmp1, $4  }
0x1a: {  	s15 =	simm.s32 @!p1 $0x2  }
0x1b: {  	s13 =	smov.u32 s10;
	p0 =	por !p0, !p0;
	_ =	swait.ge @!p1 [sflag:s15], $0x2000  }
0x1c: {  	s12 =	smov.u32 s9;
	[sflag:s15] =	ssyncset.done @!p1 $0x0;
	s9 =	smov.u32 s14  }
0x1d: {  	s11 =	sadd.s32 $0x1, s11;
	[sflag:s15] =	ssyncadd.s32 @!p1 $0xFFFFE000;
	s10 =	smov.u32 s16  }
.LBB1_1:
0x1e: {  	p1 =	sge.u32 s11, s5  }
0x1f: {  	s14 =	sand.u32 @!p1 $0x1FFFFFF, s9  }
0x20: {  	s15 =	smulhi.u32 @!p1 $0x147AE15, s14;
	_ =	sdelay $0x1  }
0x21: {  	s15 =	smul.u32 @!p1 $0xC8, s15  }
0x22: {  	s16 =	sxor.u32 @!p1 $0xFFFFFFFF, s11;
	s17 =	smul.u32 @!p1 $0xC80, s10  }
0x23: {  	s31 =	sadd.s32 $0xFFFFFFFF, s11;
	s16 =	sshll.u32 @!p1 s16, $0xD;
	s14 =	ssub.s32 @!p1 s14, s15  }
0x24: {  	s15 =	sand.u32 @!p1 $0x2000, s16;
	s16 =	sadd.s32 @!p1 s6, s17;
	s14 =	sshll.u32 @!p1 s14, $0x4  }
0x25: {  	s17 =	simm.s32 @!p1 $0x6400;
	s14 =	sadd.s32 @!p1 s14, s16;
	s16 =	simm.s32 @!p1 $0x40  }
0x26: {  	[tilespmem:s15], [sflag:$0x1] =	stream.strided.gather @!p1 [hbm4b:s14+s16], $0x2000, s17, s16, $0x38;
	[tilespmem:$0x8080] =	vst v63  }
0x27: {  	p1 =	sge.u32 s31, s5  }
.Ltmp2:
0x28: {  	_ = 	snop;
	(pc) =	sbr.rel @p1 .LBB1_5-.Ltmp2, $1  }
0x29: {  	_ =	sdelay $0x3  }
0x2a: {  	s14 =	simm.s32 $0x1  }
0x2b: {  	_ =	swait.ge [sflag:s4], $0x2000;
	s14 =	simm.s32 @!p0 $0x0  }
0x2c: {  	[sflag:s4] =	ssyncset.done $0x0;
	s15 =	sshll.u32 s14, $0xD  }
0x2d: {  	[sflag:s4] =	ssyncadd.s32 $0xFFFFE000;
	s18 =	sor.u32 $0x20, s15  }
0x2e: {  	s14 =	smul.u32 $0x8100, s14;
	v3 =	vld [tilespmem:s18+$0x10]  }
0x2f: {  	s30 =	sand.u32 $0x1, s11;
	v2 =	vld [tilespmem:s18+$0xFFFFFFF0]  }
0x30: {  	s15 =	smul.u32 $0x8100, s30;
	s14 =	sshrl.u32 s14, $0x2;
	v0 =	vld [tilespmem:s18+$0x0]  }
0x31: {  	v1 =	vld [tilespmem:s18+$0xFFFFFFE0];
	s16 =	sor.u32 $0x4000, s14  }
0x32: {  	s31 =	sshrl.u32 s15, $0x2;
	s15 =	sadd.s32 $0x0, s16  }
0x33: {  	s17 =	simm.s32 $0x4;
	s18 =	sadd.s32 $0x40, s18;
	s14 =	sor.u32 $0x4000, s31;
	[tilespmem:s15+$0x1830 ss:$0x81] =	vst.msk $0xffff, v3  }
.LBB1_3:
0x34: {  	v3 =	vld [tilespmem:s18+$0x10];
	p1 =	sne.s32 s17, $0x1FC;
	[tilespmem:s15+$0x810 ss:$0x81] =	vst.msk $0xffff, v2;
	s19 =	smov.u32 s17;
	s17 =	sadd.s32 $0x4, s17  }
.Ltmp3:
0x35: {  	v2 =	vld [tilespmem:s18+$0xFFFFFFF0];
	[tilespmem:s15+$0x1020 ss:$0x81] =	vst.msk $0xffff, v0;
	(pc) =	sbr.rel @p1 .LBB1_3-.Ltmp3, $4  }
0x36: {  	v0 =	vld [tilespmem:s18+$0x0];
	[tilespmem:s15+$0x0 ss:$0x81] =	vst.msk $0xffff, v1  }
0x37: {  	s15 =	sshra.s32 s19, $0x2;
	v1 =	vld [tilespmem:s18+$0xFFFFFFE0]  }
0x38: {  	s15 =	sadd.s32 s15, s16  }
0x39: {  	s18 =	sadd.s32 $0x40, s18;
	[tilespmem:s15+$0x1830 ss:$0x81] =	vst.msk $0xffff, v3  }
.Ltmp4:
0x3a: {  	_ = 	snop;
	(pc) =	sbr.rel .LBB1_4-.Ltmp4, $1  }
0x3b: {  	_ =	sdelay $0x3  }
.LBB1_6:
0x3c: {  	_ =	sfence.sel $0x180000  }
0x3d: {  	s2 =	simm.s32 $0x1;
	[bflag:$0x0] =	sbarrier.arrive $0xFFFF  }
0x3e: {  	s31 =	simm.s32 $0x2;
	[sflag:s2] =	ssyncpa.u1 $0x1  }
0x3f: {  	[sflag:s31] =	ssyncpa.u1 $0x1  }
0x40: {  	p0 =	sne.s32 s0, $0x0;
	_ =	strace $0x9000004D  }
0x41: {  	s0 =	sadd.s32 @!p0 $0x100000, s1;
	[bflag:$0x2] =	sbarrier.arrive $0xFFFF  }
0x42: {  	[sflag:s0] =	ssyncadd.tile.s32 @!p0 $0x1;
	_ =	shalt  }
.Lfunc_end1:
_tile_overlayer_lowered:
.L_overlay_start_2:
0x43: {  	(tag) =	ssettag $0x2  }
0x44: {  	s0 =	rddreg [dreg:$0x0];
	s2 =	stileid.u32  }
0x45: {  	s1 =	rddreg [dreg:$0x1];
	p0 =	sne.s32 s2, $0x0  }
0x46: {  	s3 =	rddreg [dreg:$0x2];
	[bflag:$0x3] =	sbarrier.arrive $0xFFFF;
	s2 =	simm.s32 @!p0 $0x1C01  }
0x47: {  	[timem:s3], [sflag:s2] =	dma.local @!p0 [hbm:s0], s1  }
0x48: {  	s0 =	simm.s32 @!p0 $0x1  }
0x49: {  	_ =	swait.ge @!p0 [sflag:s0], s1  }
0x4a: {  	s1 =	ssub.s32 @!p0 $0x0, s1;
	[sflag:s0] =	ssyncset.done @!p0 $0x0  }
0x4b: {  	[sflag:s0] =	ssyncadd.s32 @!p0 s1  }
0x4c: {  	[bflag:$0x3] =	sbarrier.arrive $0xFFFF  }
0x4d: {  	_ =	shalt  }

</sc_bundles>
